<compile_context>
chip_gen: v7x
topology: tpu7x:2x2x1
jax: 0.10.2.dev20260603
libtpu: 0.0.44.dev20260713+nightly
codegen_flags: <defaults>
</compile_context>

<pallas_src>
import functools

import jax
import jax.numpy as jnp
from jax import lax
from jax.experimental import pallas as pl
from jax.experimental.pallas import tpu as pltpu
from jax.experimental.pallas import tpu_sc as plsc

L = 16
NC = 2
NS = 16
NW = NC * NS

D = 128
G = D // L
NBUF = 4
RU = 5


@jax.jit
def _sc_permute(x, perm):
    B, S, _ = x.shape
    batches_per_w = B // NW
    nt = batches_per_w // NBUF
    mesh = plsc.VectorSubcoreMesh(core_axis_name="c", subcore_axis_name="s")

    @functools.partial(
        pl.kernel,
        mesh=mesh,
        compiler_params=pltpu.CompilerParams(needs_layout_passes=False),
        out_type=jax.ShapeDtypeStruct((B, S, D), jnp.float32),
        scratch_types=(
            [pltpu.VMEM((D,), jnp.int32)]
            + [pltpu.VMEM((S, D), jnp.float32) for _ in range(2 * NBUF)]
            + [pltpu.SemaphoreType.DMA for _ in range(2 * NBUF)]
        ),
    )
    def k(x_hbm, perm_hbm, out_hbm, perm_v,
          i0, i1, i2, i3, o0, o1, o2, o3,
          si0, si1, si2, si3, so0, so1, so2, so3):
        ins = (i0, i1, i2, i3)
        outs = (o0, o1, o2, o3)
        sins = (si0, si1, si2, si3)
        souts = (so0, so1, so2, so3)

        wid = lax.axis_index("s") * NC + lax.axis_index("c")
        bbase = wid * batches_per_w
        pltpu.sync_copy(perm_hbm, perm_v)
        cols = tuple(perm_v[pl.ds(g * L, L)] for g in range(G))

        def cp_in(t, b):
            return pltpu.make_async_copy(x_hbm.at[bbase + t], ins[b], sins[b])

        def cp_out(t, b):
            return pltpu.make_async_copy(outs[b], out_hbm.at[bbase + t], souts[b])

        for b in range(NBUF):
            cp_in(b, b).start()

        def permute(inb, oub):
            def row_body(r5, c):
                vals = []
                for u in range(RU):
                    rv = jnp.full((L,), r5 * RU + u, dtype=jnp.int32)
                    vals.append(
                        [plsc.load_gather(inb, [rv, cols[g]]) for g in range(G)])
                for u in range(RU):
                    r = r5 * RU + u
                    for g in range(G):
                        oub[r, pl.ds(g * L, L)] = vals[u][g]
                return c

            lax.fori_loop(0, S // RU, row_body, 0)

        def outer(t4, c):
            for b in range(NBUF):
                t = t4 * NBUF + b
                cp_in(t, b).wait()

                @pl.when(t4 > 0)
                def _():
                    cp_out(t - NBUF, b).wait()

                permute(ins[b], outs[b])
                cp_out(t, b).start()

                @pl.when(t4 + 1 < nt)
                def _():
                    cp_in(t + NBUF, b).start()

            return c

        lax.fori_loop(0, nt, outer, 0)
        for b in range(NBUF):
            cp_out((nt - 1) * NBUF + b, b).wait()

    return k(x, perm)


def kernel(input, permutation):
    return _sc_permute(input, permutation.astype(jnp.int32))

# --- scband reference (transcript-rebuilt; emitter-appended) ---
"""Pipeline reference for scband-fixed-permutation-29497835389132 (READ-ONLY COPY).

The authoritative reference and input builder live on the scoring server;
editing this copy changes nothing except your own understanding.
"""

import jax, jax.numpy as jnp
import numpy as np


def _make_permutation(n=128, step=37):
    # Deterministic fixed permutation: i -> (i*step) % n, gcd(step, n) == 1 so it is a bijection.
    # Matches the init_kwargs permutation list exactly.
    return (jnp.arange(n, dtype=jnp.int32) * step) % n


def setup_inputs(seed: int = 0) -> dict:
    key = jax.random.key(seed)
    x = jax.random.normal(key, (4096, 50, 128), dtype=jnp.float32)
    permutation = _make_permutation(128, 37)
    return {"input": x, "permutation": permutation}


def reference(input, permutation):
    # Faithful translation of FixedPermutation.forward:
    #   return input[..., self.permutation]
    # i.e., a gather along the last axis.
    return jnp.take(input, permutation, axis=-1)

if __name__ == "__main__":
    import jax
    _d = setup_inputs()
    print(jax.jit(kernel)(*tuple(_d.values())))

</pallas_src>

<mosaic_0001>
#map = affine_map<(d0, d1) -> (0, 0, 0)>
#map1 = affine_map<(d0, d1) -> (0)>
module attributes {stable_mosaic.version = 14 : i64} {
  func.func @k(%arg0: i32, %arg1: i32, %arg2: memref<4096x50x128xf32, #tpu.memory_space<hbm>>, %arg3: memref<128xi32, #tpu.memory_space<hbm>>, %arg4: memref<4096x50x128xf32, #tpu.memory_space<hbm>>, %arg5: memref<128xi32, #tpu.memory_space<vmem>>, %arg6: memref<50x128xf32, #tpu.memory_space<vmem>>, %arg7: memref<50x128xf32, #tpu.memory_space<vmem>>, %arg8: memref<50x128xf32, #tpu.memory_space<vmem>>, %arg9: memref<50x128xf32, #tpu.memory_space<vmem>>, %arg10: memref<50x128xf32, #tpu.memory_space<vmem>>, %arg11: memref<50x128xf32, #tpu.memory_space<vmem>>, %arg12: memref<50x128xf32, #tpu.memory_space<vmem>>, %arg13: memref<50x128xf32, #tpu.memory_space<vmem>>, %arg14: memref<!tpu.dma_semaphore, #tpu.memory_space<semaphore_mem>>, %arg15: memref<!tpu.dma_semaphore, #tpu.memory_space<semaphore_mem>>, %arg16: memref<!tpu.dma_semaphore, #tpu.memory_space<semaphore_mem>>, %arg17: memref<!tpu.dma_semaphore, #tpu.memory_space<semaphore_mem>>, %arg18: memref<!tpu.dma_semaphore, #tpu.memory_space<semaphore_mem>>, %arg19: memref<!tpu.dma_semaphore, #tpu.memory_space<semaphore_mem>>, %arg20: memref<!tpu.dma_semaphore, #tpu.memory_space<semaphore_mem>>, %arg21: memref<!tpu.dma_semaphore, #tpu.memory_space<semaphore_mem>>) attributes {dimension_semantics = [#tpu.dimension_semantics<core_parallel>, #tpu.dimension_semantics<subcore_parallel>], iteration_bounds = array<i64: 2, 16>, scalar_prefetch = 0 : i64, scratch_operands = 17 : i64, tpu.core_type = #tpu.core_type<sc_vector_subcore>, window_params = [{transform_indices = #map}, {transform_indices = #map1}, {transform_indices = #map}]} {
    %mul3A = arith.constant 2 : i32
    %mul3A_0 = arith.muli %arg1, %mul3A : i32
    %add3A = arith.addi %mul3A_0, %arg0 : i32
    %mul3A_1 = arith.constant 128 : i32
    %mul3A_2 = arith.muli %add3A, %mul3A_1 : i32
    "tpu.region"() ({
      %run_scoped3A = tpu.sem_alloc : memref<!tpu.dma_semaphore, #tpu.memory_space<semaphore_mem>>
      tpu.enqueue_dma source(%arg3 : memref<128xi32, #tpu.memory_space<hbm>>) target(%arg5 : memref<128xi32, #tpu.memory_space<vmem>>) target_semaphore(%run_scoped3A : memref<!tpu.dma_semaphore, #tpu.memory_space<semaphore_mem>>)
      tpu.wait_dma2 semaphore(%run_scoped3A : memref<!tpu.dma_semaphore, #tpu.memory_space<semaphore_mem>>) src(%arg3 : memref<128xi32, #tpu.memory_space<hbm>>) dst(%arg5 : memref<128xi32, #tpu.memory_space<vmem>>)
      tpu.yield
    }) : () -> ()
    %get3A = arith.constant 0 : index
    %get3A_3 = tpu.vector_load %arg5[%get3A] {strides = array<i32>} : memref<128xi32, #tpu.memory_space<vmem>>, vector<16xi32>,
    %get3A_4 = arith.constant 16 : index
    %get3A_5 = tpu.vector_load %arg5[%get3A_4] {strides = array<i32>} : memref<128xi32, #tpu.memory_space<vmem>>, vector<16xi32>,
    %get3A_6 = arith.constant 32 : index
    %get3A_7 = tpu.vector_load %arg5[%get3A_6] {strides = array<i32>} : memref<128xi32, #tpu.memory_space<vmem>>, vector<16xi32>,
    %get3A_8 = arith.constant 48 : index
    %get3A_9 = tpu.vector_load %arg5[%get3A_8] {strides = array<i32>} : memref<128xi32, #tpu.memory_space<vmem>>, vector<16xi32>,
    %get3A_10 = arith.constant 64 : index
    %get3A_11 = tpu.vector_load %arg5[%get3A_10] {strides = array<i32>} : memref<128xi32, #tpu.memory_space<vmem>>, vector<16xi32>,
    %get3A_12 = arith.constant 80 : index
    %get3A_13 = tpu.vector_load %arg5[%get3A_12] {strides = array<i32>} : memref<128xi32, #tpu.memory_space<vmem>>, vector<16xi32>,
    %get3A_14 = arith.constant 96 : index
    %get3A_15 = tpu.vector_load %arg5[%get3A_14] {strides = array<i32>} : memref<128xi32, #tpu.memory_space<vmem>>, vector<16xi32>,
    %get3A_16 = arith.constant 112 : index
    %get3A_17 = tpu.vector_load %arg5[%get3A_16] {strides = array<i32>} : memref<128xi32, #tpu.memory_space<vmem>>, vector<16xi32>,
    %add3A_18 = arith.constant 0 : i32
    %add3A_19 = arith.addi %mul3A_2, %add3A_18 : i32
    %dma_start3A = arith.constant 0 : i32
    %dma_start3A_20 = arith.constant 0 : i32
    %dma_start3A_21 = tpu.memref_slice %arg2[%add3A_19, %dma_start3A, %dma_start3A_20] : memref<4096x50x128xf32, #tpu.memory_space<hbm>> -> memref<1x50x128xf32, #tpu.memory_space<hbm>>
    %dma_start3A_22 = tpu.memref_squeeze %dma_start3A_21 : memref<1x50x128xf32, #tpu.memory_space<hbm>> -> memref<50x128xf32, #tpu.memory_space<hbm>>
    %dma_start3A_23 = arith.constant 0 : i32
    %dma_start3A_24 = arith.constant 0 : i32
    %dma_start3A_25 = tpu.memref_slice %arg2[%add3A_19, %dma_start3A_23, %dma_start3A_24] : memref<4096x50x128xf32, #tpu.memory_space<hbm>> -> memref<1x50x128xf32, #tpu.memory_space<hbm>>
    %dma_start3A_26 = tpu.memref_squeeze %dma_start3A_25 : memref<1x50x128xf32, #tpu.memory_space<hbm>> -> memref<50x128xf32, #tpu.memory_space<hbm>>
    tpu.enqueue_dma source(%dma_start3A_26 : memref<50x128xf32, #tpu.memory_space<hbm>>) target(%arg6 : memref<50x128xf32, #tpu.memory_space<vmem>>) target_semaphore(%arg14 : memref<!tpu.dma_semaphore, #tpu.memory_space<semaphore_mem>>)
    %add3A_27 = arith.constant 1 : i32
    %add3A_28 = arith.addi %mul3A_2, %add3A_27 : i32
    %dma_start3A_29 = arith.constant 0 : i32
    %dma_start3A_30 = arith.constant 0 : i32
    %dma_start3A_31 = tpu.memref_slice %arg2[%add3A_28, %dma_start3A_29, %dma_start3A_30] : memref<4096x50x128xf32, #tpu.memory_space<hbm>> -> memref<1x50x128xf32, #tpu.memory_space<hbm>>
    %dma_start3A_32 = tpu.memref_squeeze %dma_start3A_31 : memref<1x50x128xf32, #tpu.memory_space<hbm>> -> memref<50x128xf32, #tpu.memory_space<hbm>>
    %dma_start3A_33 = arith.constant 0 : i32
    %dma_start3A_34 = arith.constant 0 : i32
    %dma_start3A_35 = tpu.memref_slice %arg2[%add3A_28, %dma_start3A_33, %dma_start3A_34] : memref<4096x50x128xf32, #tpu.memory_space<hbm>> -> memref<1x50x128xf32, #tpu.memory_space<hbm>>
    %dma_start3A_36 = tpu.memref_squeeze %dma_start3A_35 : memref<1x50x128xf32, #tpu.memory_space<hbm>> -> memref<50x128xf32, #tpu.memory_space<hbm>>
    tpu.enqueue_dma source(%dma_start3A_36 : memref<50x128xf32, #tpu.memory_space<hbm>>) target(%arg7 : memref<50x128xf32, #tpu.memory_space<vmem>>) target_semaphore(%arg15 : memref<!tpu.dma_semaphore, #tpu.memory_space<semaphore_mem>>)
    %add3A_37 = arith.constant 2 : i32
    %add3A_38 = arith.addi %mul3A_2, %add3A_37 : i32
    %dma_start3A_39 = arith.constant 0 : i32
    %dma_start3A_40 = arith.constant 0 : i32
    %dma_start3A_41 = tpu.memref_slice %arg2[%add3A_38, %dma_start3A_39, %dma_start3A_40] : memref<4096x50x128xf32, #tpu.memory_space<hbm>> -> memref<1x50x128xf32, #tpu.memory_space<hbm>>
    %dma_start3A_42 = tpu.memref_squeeze %dma_start3A_41 : memref<1x50x128xf32, #tpu.memory_space<hbm>> -> memref<50x128xf32, #tpu.memory_space<hbm>>
    %dma_start3A_43 = arith.constant 0 : i32
    %dma_start3A_44 = arith.constant 0 : i32
    %dma_start3A_45 = tpu.memref_slice %arg2[%add3A_38, %dma_start3A_43, %dma_start3A_44] : memref<4096x50x128xf32, #tpu.memory_space<hbm>> -> memref<1x50x128xf32, #tpu.memory_space<hbm>>
    %dma_start3A_46 = tpu.memref_squeeze %dma_start3A_45 : memref<1x50x128xf32, #tpu.memory_space<hbm>> -> memref<50x128xf32, #tpu.memory_space<hbm>>
    tpu.enqueue_dma source(%dma_start3A_46 : memref<50x128xf32, #tpu.memory_space<hbm>>) target(%arg8 : memref<50x128xf32, #tpu.memory_space<vmem>>) target_semaphore(%arg16 : memref<!tpu.dma_semaphore, #tpu.memory_space<semaphore_mem>>)
    %add3A_47 = arith.constant 3 : i32
    %add3A_48 = arith.addi %mul3A_2, %add3A_47 : i32
    %dma_start3A_49 = arith.constant 0 : i32
    %dma_start3A_50 = arith.constant 0 : i32
    %dma_start3A_51 = tpu.memref_slice %arg2[%add3A_48, %dma_start3A_49, %dma_start3A_50] : memref<4096x50x128xf32, #tpu.memory_space<hbm>> -> memref<1x50x128xf32, #tpu.memory_space<hbm>>
    %dma_start3A_52 = tpu.memref_squeeze %dma_start3A_51 : memref<1x50x128xf32, #tpu.memory_space<hbm>> -> memref<50x128xf32, #tpu.memory_space<hbm>>
    %dma_start3A_53 = arith.constant 0 : i32
    %dma_start3A_54 = arith.constant 0 : i32
    %dma_start3A_55 = tpu.memref_slice %arg2[%add3A_48, %dma_start3A_53, %dma_start3A_54] : memref<4096x50x128xf32, #tpu.memory_space<hbm>> -> memref<1x50x128xf32, #tpu.memory_space<hbm>>
    %dma_start3A_56 = tpu.memref_squeeze %dma_start3A_55 : memref<1x50x128xf32, #tpu.memory_space<hbm>> -> memref<50x128xf32, #tpu.memory_space<hbm>>
    tpu.enqueue_dma source(%dma_start3A_56 : memref<50x128xf32, #tpu.memory_space<hbm>>) target(%arg9 : memref<50x128xf32, #tpu.memory_space<vmem>>) target_semaphore(%arg17 : memref<!tpu.dma_semaphore, #tpu.memory_space<semaphore_mem>>)
    %scan3A = arith.constant 0 : i32
    %scan3A_57 = arith.constant 0 : i32
    %scan3A_58 = arith.constant 32 : i32
    %scan3A_59 = arith.addi %scan3A_57, %scan3A_58 : i32
    %scan3A_60 = arith.constant 1 : i32
    scf.for %scan3A_101 = %scan3A_57 to %scan3A_59 step %scan3A_60  : i32 {
      %mul3A_102 = arith.constant 4 : i32
      %mul3A_103 = arith.muli %scan3A_101, %mul3A_102 : i32
      %add3A_104 = arith.constant 0 : i32
      %add3A_105 = arith.addi %mul3A_103, %add3A_104 : i32
      %add3A_106 = arith.addi %mul3A_2, %add3A_105 : i32
      %dma_wait3A_107 = arith.constant 0 : i32
      %dma_wait3A_108 = arith.constant 0 : i32
      %dma_wait3A_109 = tpu.memref_slice %arg2[%add3A_106, %dma_wait3A_107, %dma_wait3A_108] : memref<4096x50x128xf32, #tpu.memory_space<hbm>> -> memref<1x50x128xf32, #tpu.memory_space<hbm>>
      %dma_wait3A_110 = tpu.memref_squeeze %dma_wait3A_109 : memref<1x50x128xf32, #tpu.memory_space<hbm>> -> memref<50x128xf32, #tpu.memory_space<hbm>>
      %dma_wait3A_111 = arith.constant 0 : i32
      %dma_wait3A_112 = arith.constant 0 : i32
      %dma_wait3A_113 = tpu.memref_slice %arg2[%add3A_106, %dma_wait3A_111, %dma_wait3A_112] : memref<4096x50x128xf32, #tpu.memory_space<hbm>> -> memref<1x50x128xf32, #tpu.memory_space<hbm>>
      %dma_wait3A_114 = tpu.memref_squeeze %dma_wait3A_113 : memref<1x50x128xf32, #tpu.memory_space<hbm>> -> memref<50x128xf32, #tpu.memory_space<hbm>>
      tpu.wait_dma2 semaphore(%arg14 : memref<!tpu.dma_semaphore, #tpu.memory_space<semaphore_mem>>) src(%dma_wait3A_114 : memref<50x128xf32, #tpu.memory_space<hbm>>) dst(%arg6 : memref<50x128xf32, #tpu.memory_space<vmem>>)
      %gt3A = arith.constant 0 : i32
      %gt3A_115 = arith.cmpi sgt, %scan3A_101, %gt3A : i32
      %convert_element_type3A = arith.extui %gt3A_115 : i1 to i32
      %cond3A = arith.constant 0 : i32
      %cond3A_116 = arith.cmpi ne, %convert_element_type3A, %cond3A : i32
      scf.if %cond3A_116 {
        %sub3A = arith.constant 4 : i32
        %sub3A_258 = arith.subi %add3A_105, %sub3A : i32
        %add3A_259 = arith.addi %mul3A_2, %sub3A_258 : i32
        %dma_wait3A_260 = arith.constant 0 : i32
        %dma_wait3A_261 = arith.constant 0 : i32
        %dma_wait3A_262 = tpu.memref_slice %arg4[%add3A_259, %dma_wait3A_260, %dma_wait3A_261] : memref<4096x50x128xf32, #tpu.memory_space<hbm>> -> memref<1x50x128xf32, #tpu.memory_space<hbm>>
        %dma_wait3A_263 = tpu.memref_squeeze %dma_wait3A_262 : memref<1x50x128xf32, #tpu.memory_space<hbm>> -> memref<50x128xf32, #tpu.memory_space<hbm>>
        %dma_wait3A_264 = arith.constant 0 : i32
        %dma_wait3A_265 = arith.constant 0 : i32
        %dma_wait3A_266 = tpu.memref_slice %arg4[%add3A_259, %dma_wait3A_264, %dma_wait3A_265] : memref<4096x50x128xf32, #tpu.memory_space<hbm>> -> memref<1x50x128xf32, #tpu.memory_space<hbm>>
        %dma_wait3A_267 = tpu.memref_squeeze %dma_wait3A_266 : memref<1x50x128xf32, #tpu.memory_space<hbm>> -> memref<50x128xf32, #tpu.memory_space<hbm>>
        tpu.wait_dma2 semaphore(%arg18 : memref<!tpu.dma_semaphore, #tpu.memory_space<semaphore_mem>>) src(%arg10 : memref<50x128xf32, #tpu.memory_space<vmem>>) dst(%dma_wait3A_267 : memref<50x128xf32, #tpu.memory_space<hbm>>)
      } else {
      }
      %scan3A_117 = arith.constant 0 : i32
      %scan3A_118 = arith.constant 0 : i32
      %scan3A_119 = arith.constant 10 : i32
      %scan3A_120 = arith.addi %scan3A_118, %scan3A_119 : i32
      %scan3A_121 = arith.constant 1 : i32
      scf.for %scan3A_258 = %scan3A_118 to %scan3A_120 step %scan3A_121  : i32 {
        %mul3A_259 = arith.constant 5 : i32
        %mul3A_260 = arith.muli %scan3A_258, %mul3A_259 : i32
        %add3A_261 = arith.constant 0 : i32
        %add3A_262 = arith.addi %mul3A_260, %add3A_261 : i32
        %broadcast_in_dim3A = vector.broadcast %add3A_262 : i32 to vector<16xi32>
        %gather3A = tpu.vector_load_idx %arg6[%broadcast_in_dim3A, %get3A_3] : memref<50x128xf32, #tpu.memory_space<vmem>>[vector<16xi32>, vector<16xi32>], vector<16xf32>,
        %gather3A_263 = tpu.vector_load_idx %arg6[%broadcast_in_dim3A, %get3A_5] : memref<50x128xf32, #tpu.memory_space<vmem>>[vector<16xi32>, vector<16xi32>], vector<16xf32>,
        %gather3A_264 = tpu.vector_load_idx %arg6[%broadcast_in_dim3A, %get3A_7] : memref<50x128xf32, #tpu.memory_space<vmem>>[vector<16xi32>, vector<16xi32>], vector<16xf32>,
        %gather3A_265 = tpu.vector_load_idx %arg6[%broadcast_in_dim3A, %get3A_9] : memref<50x128xf32, #tpu.memory_space<vmem>>[vector<16xi32>, vector<16xi32>], vector<16xf32>,
        %gather3A_266 = tpu.vector_load_idx %arg6[%broadcast_in_dim3A, %get3A_11] : memref<50x128xf32, #tpu.memory_space<vmem>>[vector<16xi32>, vector<16xi32>], vector<16xf32>,
        %gather3A_267 = tpu.vector_load_idx %arg6[%broadcast_in_dim3A, %get3A_13] : memref<50x128xf32, #tpu.memory_space<vmem>>[vector<16xi32>, vector<16xi32>], vector<16xf32>,
        %gather3A_268 = tpu.vector_load_idx %arg6[%broadcast_in_dim3A, %get3A_15] : memref<50x128xf32, #tpu.memory_space<vmem>>[vector<16xi32>, vector<16xi32>], vector<16xf32>,
        %gather3A_269 = tpu.vector_load_idx %arg6[%broadcast_in_dim3A, %get3A_17] : memref<50x128xf32, #tpu.memory_space<vmem>>[vector<16xi32>, vector<16xi32>], vector<16xf32>,
        %mul3A_270 = arith.constant 5 : i32
        %mul3A_271 = arith.muli %scan3A_258, %mul3A_270 : i32
        %add3A_272 = arith.constant 1 : i32
        %add3A_273 = arith.addi %mul3A_271, %add3A_272 : i32
        %broadcast_in_dim3A_274 = vector.broadcast %add3A_273 : i32 to vector<16xi32>
        %gather3A_275 = tpu.vector_load_idx %arg6[%broadcast_in_dim3A_274, %get3A_3] : memref<50x128xf32, #tpu.memory_space<vmem>>[vector<16xi32>, vector<16xi32>], vector<16xf32>,
        %gather3A_276 = tpu.vector_load_idx %arg6[%broadcast_in_dim3A_274, %get3A_5] : memref<50x128xf32, #tpu.memory_space<vmem>>[vector<16xi32>, vector<16xi32>], vector<16xf32>,
        %gather3A_277 = tpu.vector_load_idx %arg6[%broadcast_in_dim3A_274, %get3A_7] : memref<50x128xf32, #tpu.memory_space<vmem>>[vector<16xi32>, vector<16xi32>], vector<16xf32>,
        %gather3A_278 = tpu.vector_load_idx %arg6[%broadcast_in_dim3A_274, %get3A_9] : memref<50x128xf32, #tpu.memory_space<vmem>>[vector<16xi32>, vector<16xi32>], vector<16xf32>,
        %gather3A_279 = tpu.vector_load_idx %arg6[%broadcast_in_dim3A_274, %get3A_11] : memref<50x128xf32, #tpu.memory_space<vmem>>[vector<16xi32>, vector<16xi32>], vector<16xf32>,
        %gather3A_280 = tpu.vector_load_idx %arg6[%broadcast_in_dim3A_274, %get3A_13] : memref<50x128xf32, #tpu.memory_space<vmem>>[vector<16xi32>, vector<16xi32>], vector<16xf32>,
        %gather3A_281 = tpu.vector_load_idx %arg6[%broadcast_in_dim3A_274, %get3A_15] : memref<50x128xf32, #tpu.memory_space<vmem>>[vector<16xi32>, vector<16xi32>], vector<16xf32>,
        %gather3A_282 = tpu.vector_load_idx %arg6[%broadcast_in_dim3A_274, %get3A_17] : memref<50x128xf32, #tpu.memory_space<vmem>>[vector<16xi32>, vector<16xi32>], vector<16xf32>,
        %mul3A_283 = arith.constant 5 : i32
        %mul3A_284 = arith.muli %scan3A_258, %mul3A_283 : i32
        %add3A_285 = arith.constant 2 : i32
        %add3A_286 = arith.addi %mul3A_284, %add3A_285 : i32
        %broadcast_in_dim3A_287 = vector.broadcast %add3A_286 : i32 to vector<16xi32>
        %gather3A_288 = tpu.vector_load_idx %arg6[%broadcast_in_dim3A_287, %get3A_3] : memref<50x128xf32, #tpu.memory_space<vmem>>[vector<16xi32>, vector<16xi32>], vector<16xf32>,
        %gather3A_289 = tpu.vector_load_idx %arg6[%broadcast_in_dim3A_287, %get3A_5] : memref<50x128xf32, #tpu.memory_space<vmem>>[vector<16xi32>, vector<16xi32>], vector<16xf32>,
        %gather3A_290 = tpu.vector_load_idx %arg6[%broadcast_in_dim3A_287, %get3A_7] : memref<50x128xf32, #tpu.memory_space<vmem>>[vector<16xi32>, vector<16xi32>], vector<16xf32>,
        %gather3A_291 = tpu.vector_load_idx %arg6[%broadcast_in_dim3A_287, %get3A_9] : memref<50x128xf32, #tpu.memory_space<vmem>>[vector<16xi32>, vector<16xi32>], vector<16xf32>,
        %gather3A_292 = tpu.vector_load_idx %arg6[%broadcast_in_dim3A_287, %get3A_11] : memref<50x128xf32, #tpu.memory_space<vmem>>[vector<16xi32>, vector<16xi32>], vector<16xf32>,
        %gather3A_293 = tpu.vector_load_idx %arg6[%broadcast_in_dim3A_287, %get3A_13] : memref<50x128xf32, #tpu.memory_space<vmem>>[vector<16xi32>, vector<16xi32>], vector<16xf32>,
        %gather3A_294 = tpu.vector_load_idx %arg6[%broadcast_in_dim3A_287, %get3A_15] : memref<50x128xf32, #tpu.memory_space<vmem>>[vector<16xi32>, vector<16xi32>], vector<16xf32>,
        %gather3A_295 = tpu.vector_load_idx %arg6[%broadcast_in_dim3A_287, %get3A_17] : memref<50x128xf32, #tpu.memory_space<vmem>>[vector<16xi32>, vector<16xi32>], vector<16xf32>,
        %mul3A_296 = arith.constant 5 : i32
        %mul3A_297 = arith.muli %scan3A_258, %mul3A_296 : i32
        %add3A_298 = arith.constant 3 : i32
        %add3A_299 = arith.addi %mul3A_297, %add3A_298 : i32
        %broadcast_in_dim3A_300 = vector.broadcast %add3A_299 : i32 to vector<16xi32>
        %gather3A_301 = tpu.vector_load_idx %arg6[%broadcast_in_dim3A_300, %get3A_3] : memref<50x128xf32, #tpu.memory_space<vmem>>[vector<16xi32>, vector<16xi32>], vector<16xf32>,
        %gather3A_302 = tpu.vector_load_idx %arg6[%broadcast_in_dim3A_300, %get3A_5] : memref<50x128xf32, #tpu.memory_space<vmem>>[vector<16xi32>, vector<16xi32>], vector<16xf32>,
        %gather3A_303 = tpu.vector_load_idx %arg6[%broadcast_in_dim3A_300, %get3A_7] : memref<50x128xf32, #tpu.memory_space<vmem>>[vector<16xi32>, vector<16xi32>], vector<16xf32>,
        %gather3A_304 = tpu.vector_load_idx %arg6[%broadcast_in_dim3A_300, %get3A_9] : memref<50x128xf32, #tpu.memory_space<vmem>>[vector<16xi32>, vector<16xi32>], vector<16xf32>,
        %gather3A_305 = tpu.vector_load_idx %arg6[%broadcast_in_dim3A_300, %get3A_11] : memref<50x128xf32, #tpu.memory_space<vmem>>[vector<16xi32>, vector<16xi32>], vector<16xf32>,
        %gather3A_306 = tpu.vector_load_idx %arg6[%broadcast_in_dim3A_300, %get3A_13] : memref<50x128xf32, #tpu.memory_space<vmem>>[vector<16xi32>, vector<16xi32>], vector<16xf32>,
        %gather3A_307 = tpu.vector_load_idx %arg6[%broadcast_in_dim3A_300, %get3A_15] : memref<50x128xf32, #tpu.memory_space<vmem>>[vector<16xi32>, vector<16xi32>], vector<16xf32>,
        %gather3A_308 = tpu.vector_load_idx %arg6[%broadcast_in_dim3A_300, %get3A_17] : memref<50x128xf32, #tpu.memory_space<vmem>>[vector<16xi32>, vector<16xi32>], vector<16xf32>,
        %mul3A_309 = arith.constant 5 : i32
        %mul3A_310 = arith.muli %scan3A_258, %mul3A_309 : i32
        %add3A_311 = arith.constant 4 : i32
        %add3A_312 = arith.addi %mul3A_310, %add3A_311 : i32
        %broadcast_in_dim3A_313 = vector.broadcast %add3A_312 : i32 to vector<16xi32>
        %gather3A_314 = tpu.vector_load_idx %arg6[%broadcast_in_dim3A_313, %get3A_3] : memref<50x128xf32, #tpu.memory_space<vmem>>[vector<16xi32>, vector<16xi32>], vector<16xf32>,
        %gather3A_315 = tpu.vector_load_idx %arg6[%broadcast_in_dim3A_313, %get3A_5] : memref<50x128xf32, #tpu.memory_space<vmem>>[vector<16xi32>, vector<16xi32>], vector<16xf32>,
        %gather3A_316 = tpu.vector_load_idx %arg6[%broadcast_in_dim3A_313, %get3A_7] : memref<50x128xf32, #tpu.memory_space<vmem>>[vector<16xi32>, vector<16xi32>], vector<16xf32>,
        %gather3A_317 = tpu.vector_load_idx %arg6[%broadcast_in_dim3A_313, %get3A_9] : memref<50x128xf32, #tpu.memory_space<vmem>>[vector<16xi32>, vector<16xi32>], vector<16xf32>,
        %gather3A_318 = tpu.vector_load_idx %arg6[%broadcast_in_dim3A_313, %get3A_11] : memref<50x128xf32, #tpu.memory_space<vmem>>[vector<16xi32>, vector<16xi32>], vector<16xf32>,
        %gather3A_319 = tpu.vector_load_idx %arg6[%broadcast_in_dim3A_313, %get3A_13] : memref<50x128xf32, #tpu.memory_space<vmem>>[vector<16xi32>, vector<16xi32>], vector<16xf32>,
        %gather3A_320 = tpu.vector_load_idx %arg6[%broadcast_in_dim3A_313, %get3A_15] : memref<50x128xf32, #tpu.memory_space<vmem>>[vector<16xi32>, vector<16xi32>], vector<16xf32>,
        %gather3A_321 = tpu.vector_load_idx %arg6[%broadcast_in_dim3A_313, %get3A_17] : memref<50x128xf32, #tpu.memory_space<vmem>>[vector<16xi32>, vector<16xi32>], vector<16xf32>,
        %mul3A_322 = arith.constant 5 : i32
        %mul3A_323 = arith.muli %scan3A_258, %mul3A_322 : i32
        %add3A_324 = arith.constant 0 : i32
        %add3A_325 = arith.addi %mul3A_323, %add3A_324 : i32
        %swap3A = arith.index_cast %add3A_325 : i32 to index
        %swap3A_326 = arith.constant 0 : index
        %swap3A_327 = tpu.vector_load %arg10[%swap3A, %swap3A_326] {strides = array<i32>} : memref<50x128xf32, #tpu.memory_space<vmem>>, vector<16xf32>,
        tpu.vector_store %arg10[%swap3A, %swap3A_326], %gather3A {strides = array<i32>} : memref<50x128xf32, #tpu.memory_space<vmem>>, vector<16xf32>,
        %swap3A_328 = arith.index_cast %add3A_325 : i32 to index
        %swap3A_329 = arith.constant 16 : index
        %swap3A_330 = tpu.vector_load %arg10[%swap3A_328, %swap3A_329] {strides = array<i32>} : memref<50x128xf32, #tpu.memory_space<vmem>>, vector<16xf32>,
        tpu.vector_store %arg10[%swap3A_328, %swap3A_329], %gather3A_263 {strides = array<i32>} : memref<50x128xf32, #tpu.memory_space<vmem>>, vector<16xf32>,
        %swap3A_331 = arith.index_cast %add3A_325 : i32 to index
        %swap3A_332 = arith.constant 32 : index
        %swap3A_333 = tpu.vector_load %arg10[%swap3A_331, %swap3A_332] {strides = array<i32>} : memref<50x128xf32, #tpu.memory_space<vmem>>, vector<16xf32>,
        tpu.vector_store %arg10[%swap3A_331, %swap3A_332], %gather3A_264 {strides = array<i32>} : memref<50x128xf32, #tpu.memory_space<vmem>>, vector<16xf32>,
        %swap3A_334 = arith.index_cast %add3A_325 : i32 to index
        %swap3A_335 = arith.constant 48 : index
        %swap3A_336 = tpu.vector_load %arg10[%swap3A_334, %swap3A_335] {strides = array<i32>} : memref<50x128xf32, #tpu.memory_space<vmem>>, vector<16xf32>,
        tpu.vector_store %arg10[%swap3A_334, %swap3A_335], %gather3A_265 {strides = array<i32>} : memref<50x128xf32, #tpu.memory_space<vmem>>, vector<16xf32>,
        %swap3A_337 = arith.index_cast %add3A_325 : i32 to index
        %swap3A_338 = arith.constant 64 : index
        %swap3A_339 = tpu.vector_load %arg10[%swap3A_337, %swap3A_338] {strides = array<i32>} : memref<50x128xf32, #tpu.memory_space<vmem>>, vector<16xf32>,
        tpu.vector_store %arg10[%swap3A_337, %swap3A_338], %gather3A_266 {strides = array<i32>} : memref<50x128xf32, #tpu.memory_space<vmem>>, vector<16xf32>,
        %swap3A_340 = arith.index_cast %add3A_325 : i32 to index
        %swap3A_341 = arith.constant 80 : index
        %swap3A_342 = tpu.vector_load %arg10[%swap3A_340, %swap3A_341] {strides = array<i32>} : memref<50x128xf32, #tpu.memory_space<vmem>>, vector<16xf32>,
        tpu.vector_store %arg10[%swap3A_340, %swap3A_341], %gather3A_267 {strides = array<i32>} : memref<50x128xf32, #tpu.memory_space<vmem>>, vector<16xf32>,
        %swap3A_343 = arith.index_cast %add3A_325 : i32 to index
        %swap3A_344 = arith.constant 96 : index
        %swap3A_345 = tpu.vector_load %arg10[%swap3A_343, %swap3A_344] {strides = array<i32>} : memref<50x128xf32, #tpu.memory_space<vmem>>, vector<16xf32>,
        tpu.vector_store %arg10[%swap3A_343, %swap3A_344], %gather3A_268 {strides = array<i32>} : memref<50x128xf32, #tpu.memory_space<vmem>>, vector<16xf32>,
        %swap3A_346 = arith.index_cast %add3A_325 : i32 to index
        %swap3A_347 = arith.constant 112 : index
        %swap3A_348 = tpu.vector_load %arg10[%swap3A_346, %swap3A_347] {strides = array<i32>} : memref<50x128xf32, #tpu.memory_space<vmem>>, vector<16xf32>,
        tpu.vector_store %arg10[%swap3A_346, %swap3A_347], %gather3A_269 {strides = array<i32>} : memref<50x128xf32, #tpu.memory_space<vmem>>, vector<16xf32>,
        %mul3A_349 = arith.constant 5 : i32
        %mul3A_350 = arith.muli %scan3A_258, %mul3A_349 : i32
        %add3A_351 = arith.constant 1 : i32
        %add3A_352 = arith.addi %mul3A_350, %add3A_351 : i32
        %swap3A_353 = arith.index_cast %add3A_352 : i32 to index
        %swap3A_354 = arith.constant 0 : index
        %swap3A_355 = tpu.vector_load %arg10[%swap3A_353, %swap3A_354] {strides = array<i32>} : memref<50x128xf32, #tpu.memory_space<vmem>>, vector<16xf32>,
        tpu.vector_store %arg10[%swap3A_353, %swap3A_354], %gather3A_275 {strides = array<i32>} : memref<50x128xf32, #tpu.memory_space<vmem>>, vector<16xf32>,
        %swap3A_356 = arith.index_cast %add3A_352 : i32 to index
        %swap3A_357 = arith.constant 16 : index
        %swap3A_358 = tpu.vector_load %arg10[%swap3A_356, %swap3A_357] {strides = array<i32>} : memref<50x128xf32, #tpu.memory_space<vmem>>, vector<16xf32>,
        tpu.vector_store %arg10[%swap3A_356, %swap3A_357], %gather3A_276 {strides = array<i32>} : memref<50x128xf32, #tpu.memory_space<vmem>>, vector<16xf32>,
        %swap3A_359 = arith.index_cast %add3A_352 : i32 to index
        %swap3A_360 = arith.constant 32 : index
        %swap3A_361 = tpu.vector_load %arg10[%swap3A_359, %swap3A_360] {strides = array<i32>} : memref<50x128xf32, #tpu.memory_space<vmem>>, vector<16xf32>,
        tpu.vector_store %arg10[%swap3A_359, %swap3A_360], %gather3A_277 {strides = array<i32>} : memref<50x128xf32, #tpu.memory_space<vmem>>, vector<16xf32>,
        %swap3A_362 = arith.index_cast %add3A_352 : i32 to index
        %swap3A_363 = arith.constant 48 : index
        %swap3A_364 = tpu.vector_load %arg10[%swap3A_362, %swap3A_363] {strides = array<i32>} : memref<50x128xf32, #tpu.memory_space<vmem>>, vector<16xf32>,
        tpu.vector_store %arg10[%swap3A_362, %swap3A_363], %gather3A_278 {strides = array<i32>} : memref<50x128xf32, #tpu.memory_space<vmem>>, vector<16xf32>,
        %swap3A_365 = arith.index_cast %add3A_352 : i32 to index
        %swap3A_366 = arith.constant 64 : index
        %swap3A_367 = tpu.vector_load %arg10[%swap3A_365, %swap3A_366] {strides = array<i32>} : memref<50x128xf32, #tpu.memory_space<vmem>>, vector<16xf32>,
        tpu.vector_store %arg10[%swap3A_365, %swap3A_366], %gather3A_279 {strides = array<i32>} : memref<50x128xf32, #tpu.memory_space<vmem>>, vector<16xf32>,
        %swap3A_368 = arith.index_cast %add3A_352 : i32 to index
        %swap3A_369 = arith.constant 80 : index
        %swap3A_370 = tpu.vector_load %arg10[%swap3A_368, %swap3A_369] {strides = array<i32>} : memref<50x128xf32, #tpu.memory_space<vmem>>, vector<16xf32>,
        tpu.vector_store %arg10[%swap3A_368, %swap3A_369], %gather3A_280 {strides = array<i32>} : memref<50x128xf32, #tpu.memory_space<vmem>>, vector<16xf32>,
        %swap3A_371 = arith.index_cast %add3A_352 : i32 to index
        %swap3A_372 = arith.constant 96 : index
        %swap3A_373 = tpu.vector_load %arg10[%swap3A_371, %swap3A_372] {strides = array<i32>} : memref<50x128xf32, #tpu.memory_space<vmem>>, vector<16xf32>,
        tpu.vector_store %arg10[%swap3A_371, %swap3A_372], %gather3A_281 {strides = array<i32>} : memref<50x128xf32, #tpu.memory_space<vmem>>, vector<16xf32>,
        %swap3A_374 = arith.index_cast %add3A_352 : i32 to index
        %swap3A_375 = arith.constant 112 : index
        %swap3A_376 = tpu.vector_load %arg10[%swap3A_374, %swap3A_375] {strides = array<i32>} : memref<50x128xf32, #tpu.memory_space<vmem>>, vector<16xf32>,
        tpu.vector_store %arg10[%swap3A_374, %swap3A_375], %gather3A_282 {strides = array<i32>} : memref<50x128xf32, #tpu.memory_space<vmem>>, vector<16xf32>,
        %mul3A_377 = arith.constant 5 : i32
        %mul3A_378 = arith.muli %scan3A_258, %mul3A_377 : i32
        %add3A_379 = arith.constant 2 : i32
        %add3A_380 = arith.addi %mul3A_378, %add3A_379 : i32
        %swap3A_381 = arith.index_cast %add3A_380 : i32 to index
        %swap3A_382 = arith.constant 0 : index
        %swap3A_383 = tpu.vector_load %arg10[%swap3A_381, %swap3A_382] {strides = array<i32>} : memref<50x128xf32, #tpu.memory_space<vmem>>, vector<16xf32>,
        tpu.vector_store %arg10[%swap3A_381, %swap3A_382], %gather3A_288 {strides = array<i32>} : memref<50x128xf32, #tpu.memory_space<vmem>>, vector<16xf32>,
        %swap3A_384 = arith.index_cast %add3A_380 : i32 to index
        %swap3A_385 = arith.constant 16 : index
        %swap3A_386 = tpu.vector_load %arg10[%swap3A_384, %swap3A_385] {strides = array<i32>} : memref<50x128xf32, #tpu.memory_space<vmem>>, vector<16xf32>,
        tpu.vector_store %arg10[%swap3A_384, %swap3A_385], %gather3A_289 {strides = array<i32>} : memref<50x128xf32, #tpu.memory_space<vmem>>, vector<16xf32>,
        %swap3A_387 = arith.index_cast %add3A_380 : i32 to index
        %swap3A_388 = arith.constant 32 : index
        %swap3A_389 = tpu.vector_load %arg10[%swap3A_387, %swap3A_388] {strides = array<i32>} : memref<50x128xf32, #tpu.memory_space<vmem>>, vector<16xf32>,
        tpu.vector_store %arg10[%swap3A_387, %swap3A_388], %gather3A_290 {strides = array<i32>} : memref<50x128xf32, #tpu.memory_space<vmem>>, vector<16xf32>,
        %swap3A_390 = arith.index_cast %add3A_380 : i32 to index
        %swap3A_391 = arith.constant 48 : index
        %swap3A_392 = tpu.vector_load %arg10[%swap3A_390, %swap3A_391] {strides = array<i32>} : memref<50x128xf32, #tpu.memory_space<vmem>>, vector<16xf32>,
        tpu.vector_store %arg10[%swap3A_390, %swap3A_391], %gather3A_291 {strides = array<i32>} : memref<50x128xf32, #tpu.memory_space<vmem>>, vector<16xf32>,
        %swap3A_393 = arith.index_cast %add3A_380 : i32 to index
        %swap3A_394 = arith.constant 64 : index
        %swap3A_395 = tpu.vector_load %arg10[%swap3A_393, %swap3A_394] {strides = array<i32>} : memref<50x128xf32, #tpu.memory_space<vmem>>, vector<16xf32>,
        tpu.vector_store %arg10[%swap3A_393, %swap3A_394], %gather3A_292 {strides = array<i32>} : memref<50x128xf32, #tpu.memory_space<vmem>>, vector<16xf32>,
        %swap3A_396 = arith.index_cast %add3A_380 : i32 to index
        %swap3A_397 = arith.constant 80 : index
        %swap3A_398 = tpu.vector_load %arg10[%swap3A_396, %swap3A_397] {strides = array<i32>} : memref<50x128xf32, #tpu.memory_space<vmem>>, vector<16xf32>,
        tpu.vector_store %arg10[%swap3A_396, %swap3A_397], %gather3A_293 {strides = array<i32>} : memref<50x128xf32, #tpu.memory_space<vmem>>, vector<16xf32>,
        %swap3A_399 = arith.index_cast %add3A_380 : i32 to index
        %swap3A_400 = arith.constant 96 : index
        %swap3A_401 = tpu.vector_load %arg10[%swap3A_399, %swap3A_400] {strides = array<i32>} : memref<50x128xf32, #tpu.memory_space<vmem>>, vector<16xf32>,
        tpu.vector_store %arg10[%swap3A_399, %swap3A_400], %gather3A_294 {strides = array<i32>} : memref<50x128xf32, #tpu.memory_space<vmem>>, vector<16xf32>,
        %swap3A_402 = arith.index_cast %add3A_380 : i32 to index
        %swap3A_403 = arith.constant 112 : index
        %swap3A_404 = tpu.vector_load %arg10[%swap3A_402, %swap3A_403] {strides = array<i32>} : memref<50x128xf32, #tpu.memory_space<vmem>>, vector<16xf32>,
        tpu.vector_store %arg10[%swap3A_402, %swap3A_403], %gather3A_295 {strides = array<i32>} : memref<50x128xf32, #tpu.memory_space<vmem>>, vector<16xf32>,
        %mul3A_405 = arith.constant 5 : i32
        %mul3A_406 = arith.muli %scan3A_258, %mul3A_405 : i32
        %add3A_407 = arith.constant 3 : i32
        %add3A_408 = arith.addi %mul3A_406, %add3A_407 : i32
        %swap3A_409 = arith.index_cast %add3A_408 : i32 to index
        %swap3A_410 = arith.constant 0 : index
        %swap3A_411 = tpu.vector_load %arg10[%swap3A_409, %swap3A_410] {strides = array<i32>} : memref<50x128xf32, #tpu.memory_space<vmem>>, vector<16xf32>,
        tpu.vector_store %arg10[%swap3A_409, %swap3A_410], %gather3A_301 {strides = array<i32>} : memref<50x128xf32, #tpu.memory_space<vmem>>, vector<16xf32>,
        %swap3A_412 = arith.index_cast %add3A_408 : i32 to index
        %swap3A_413 = arith.constant 16 : index
        %swap3A_414 = tpu.vector_load %arg10[%swap3A_412, %swap3A_413] {strides = array<i32>} : memref<50x128xf32, #tpu.memory_space<vmem>>, vector<16xf32>,
        tpu.vector_store %arg10[%swap3A_412, %swap3A_413], %gather3A_302 {strides = array<i32>} : memref<50x128xf32, #tpu.memory_space<vmem>>, vector<16xf32>,
        %swap3A_415 = arith.index_cast %add3A_408 : i32 to index
        %swap3A_416 = arith.constant 32 : index
        %swap3A_417 = tpu.vector_load %arg10[%swap3A_415, %swap3A_416] {strides = array<i32>} : memref<50x128xf32, #tpu.memory_space<vmem>>, vector<16xf32>,
        tpu.vector_store %arg10[%swap3A_415, %swap3A_416], %gather3A_303 {strides = array<i32>} : memref<50x128xf32, #tpu.memory_space<vmem>>, vector<16xf32>,
        %swap3A_418 = arith.index_cast %add3A_408 : i32 to index
        %swap3A_419 = arith.constant 48 : index
        %swap3A_420 = tpu.vector_load %arg10[%swap3A_418, %swap3A_419] {strides = array<i32>} : memref<50x128xf32, #tpu.memory_space<vmem>>, vector<16xf32>,
        tpu.vector_store %arg10[%swap3A_418, %swap3A_419], %gather3A_304 {strides = array<i32>} : memref<50x128xf32, #tpu.memory_space<vmem>>, vector<16xf32>,
        %swap3A_421 = arith.index_cast %add3A_408 : i32 to index
        %swap3A_422 = arith.constant 64 : index
        %swap3A_423 = tpu.vector_load %arg10[%swap3A_421, %swap3A_422] {strides = array<i32>} : memref<50x128xf32, #tpu.memory_space<vmem>>, vector<16xf32>,
        tpu.vector_store %arg10[%swap3A_421, %swap3A_422], %gather3A_305 {strides = array<i32>} : memref<50x128xf32, #tpu.memory_space<vmem>>, vector<16xf32>,
        %swap3A_424 = arith.index_cast %add3A_408 : i32 to index
        %swap3A_425 = arith.constant 80 : index
        %swap3A_426 = tpu.vector_load %arg10[%swap3A_424, %swap3A_425] {strides = array<i32>} : memref<50x128xf32, #tpu.memory_space<vmem>>, vector<16xf32>,
        tpu.vector_store %arg10[%swap3A_424, %swap3A_425], %gather3A_306 {strides = array<i32>} : memref<50x128xf32, #tpu.memory_space<vmem>>, vector<16xf32>,
        %swap3A_427 = arith.index_cast %add3A_408 : i32 to index
        %swap3A_428 = arith.constant 96 : index
        %swap3A_429 = tpu.vector_load %arg10[%swap3A_427, %swap3A_428] {strides = array<i32>} : memref<50x128xf32, #tpu.memory_space<vmem>>, vector<16xf32>,
        tpu.vector_store %arg10[%swap3A_427, %swap3A_428], %gather3A_307 {strides = array<i32>} : memref<50x128xf32, #tpu.memory_space<vmem>>, vector<16xf32>,
        %swap3A_430 = arith.index_cast %add3A_408 : i32 to index
        %swap3A_431 = arith.constant 112 : index
        %swap3A_432 = tpu.vector_load %arg10[%swap3A_430, %swap3A_431] {strides = array<i32>} : memref<50x128xf32, #tpu.memory_space<vmem>>, vector<16xf32>,
        tpu.vector_store %arg10[%swap3A_430, %swap3A_431], %gather3A_308 {strides = array<i32>} : memref<50x128xf32, #tpu.memory_space<vmem>>, vector<16xf32>,
        %mul3A_433 = arith.constant 5 : i32
        %mul3A_434 = arith.muli %scan3A_258, %mul3A_433 : i32
        %add3A_435 = arith.constant 4 : i32
        %add3A_436 = arith.addi %mul3A_434, %add3A_435 : i32
        %swap3A_437 = arith.index_cast %add3A_436 : i32 to index
        %swap3A_438 = arith.constant 0 : index
        %swap3A_439 = tpu.vector_load %arg10[%swap3A_437, %swap3A_438] {strides = array<i32>} : memref<50x128xf32, #tpu.memory_space<vmem>>, vector<16xf32>,
        tpu.vector_store %arg10[%swap3A_437, %swap3A_438], %gather3A_314 {strides = array<i32>} : memref<50x128xf32, #tpu.memory_space<vmem>>, vector<16xf32>,
        %swap3A_440 = arith.index_cast %add3A_436 : i32 to index
        %swap3A_441 = arith.constant 16 : index
        %swap3A_442 = tpu.vector_load %arg10[%swap3A_440, %swap3A_441] {strides = array<i32>} : memref<50x128xf32, #tpu.memory_space<vmem>>, vector<16xf32>,
        tpu.vector_store %arg10[%swap3A_440, %swap3A_441], %gather3A_315 {strides = array<i32>} : memref<50x128xf32, #tpu.memory_space<vmem>>, vector<16xf32>,
        %swap3A_443 = arith.index_cast %add3A_436 : i32 to index
        %swap3A_444 = arith.constant 32 : index
        %swap3A_445 = tpu.vector_load %arg10[%swap3A_443, %swap3A_444] {strides = array<i32>} : memref<50x128xf32, #tpu.memory_space<vmem>>, vector<16xf32>,
        tpu.vector_store %arg10[%swap3A_443, %swap3A_444], %gather3A_316 {strides = array<i32>} : memref<50x128xf32, #tpu.memory_space<vmem>>, vector<16xf32>,
        %swap3A_446 = arith.index_cast %add3A_436 : i32 to index
        %swap3A_447 = arith.constant 48 : index
        %swap3A_448 = tpu.vector_load %arg10[%swap3A_446, %swap3A_447] {strides = array<i32>} : memref<50x128xf32, #tpu.memory_space<vmem>>, vector<16xf32>,
        tpu.vector_store %arg10[%swap3A_446, %swap3A_447], %gather3A_317 {strides = array<i32>} : memref<50x128xf32, #tpu.memory_space<vmem>>, vector<16xf32>,
        %swap3A_449 = arith.index_cast %add3A_436 : i32 to index
        %swap3A_450 = arith.constant 64 : index
        %swap3A_451 = tpu.vector_load %arg10[%swap3A_449, %swap3A_450] {strides = array<i32>} : memref<50x128xf32, #tpu.memory_space<vmem>>, vector<16xf32>,
        tpu.vector_store %arg10[%swap3A_449, %swap3A_450], %gather3A_318 {strides = array<i32>} : memref<50x128xf32, #tpu.memory_space<vmem>>, vector<16xf32>,
        %swap3A_452 = arith.index_cast %add3A_436 : i32 to index
        %swap3A_453 = arith.constant 80 : index
        %swap3A_454 = tpu.vector_load %arg10[%swap3A_452, %swap3A_453] {strides = array<i32>} : memref<50x128xf32, #tpu.memory_space<vmem>>, vector<16xf32>,
        tpu.vector_store %arg10[%swap3A_452, %swap3A_453], %gather3A_319 {strides = array<i32>} : memref<50x128xf32, #tpu.memory_space<vmem>>, vector<16xf32>,
        %swap3A_455 = arith.index_cast %add3A_436 : i32 to index
        %swap3A_456 = arith.constant 96 : index
        %swap3A_457 = tpu.vector_load %arg10[%swap3A_455, %swap3A_456] {strides = array<i32>} : memref<50x128xf32, #tpu.memory_space<vmem>>, vector<16xf32>,
        tpu.vector_store %arg10[%swap3A_455, %swap3A_456], %gather3A_320 {strides = array<i32>} : memref<50x128xf32, #tpu.memory_space<vmem>>, vector<16xf32>,
        %swap3A_458 = arith.index_cast %add3A_436 : i32 to index
        %swap3A_459 = arith.constant 112 : index
        %swap3A_460 = tpu.vector_load %arg10[%swap3A_458, %swap3A_459] {strides = array<i32>} : memref<50x128xf32, #tpu.memory_space<vmem>>, vector<16xf32>,
        tpu.vector_store %arg10[%swap3A_458, %swap3A_459], %gather3A_321 {strides = array<i32>} : memref<50x128xf32, #tpu.memory_space<vmem>>, vector<16xf32>,
      }
      %scan3A_122 = arith.constant 10 : i32
      %add3A_123 = arith.addi %mul3A_2, %add3A_105 : i32
      %dma_start3A_124 = arith.constant 0 : i32
      %dma_start3A_125 = arith.constant 0 : i32
      %dma_start3A_126 = tpu.memref_slice %arg4[%add3A_123, %dma_start3A_124, %dma_start3A_125] : memref<4096x50x128xf32, #tpu.memory_space<hbm>> -> memref<1x50x128xf32, #tpu.memory_space<hbm>>
      %dma_start3A_127 = tpu.memref_squeeze %dma_start3A_126 : memref<1x50x128xf32, #tpu.memory_space<hbm>> -> memref<50x128xf32, #tpu.memory_space<hbm>>
      %dma_start3A_128 = arith.constant 0 : i32
      %dma_start3A_129 = arith.constant 0 : i32
      %dma_start3A_130 = tpu.memref_slice %arg4[%add3A_123, %dma_start3A_128, %dma_start3A_129] : memref<4096x50x128xf32, #tpu.memory_space<hbm>> -> memref<1x50x128xf32, #tpu.memory_space<hbm>>
      %dma_start3A_131 = tpu.memref_squeeze %dma_start3A_130 : memref<1x50x128xf32, #tpu.memory_space<hbm>> -> memref<50x128xf32, #tpu.memory_space<hbm>>
      tpu.enqueue_dma source(%arg10 : memref<50x128xf32, #tpu.memory_space<vmem>>) target(%dma_start3A_131 : memref<50x128xf32, #tpu.memory_space<hbm>>) target_semaphore(%arg18 : memref<!tpu.dma_semaphore, #tpu.memory_space<semaphore_mem>>)
      %add3A_132 = arith.constant 1 : i32
      %add3A_133 = arith.addi %scan3A_101, %add3A_132 : i32
      %lt3A = arith.constant 32 : i32
      %lt3A_134 = arith.cmpi slt, %add3A_133, %lt3A : i32
      %convert_element_type3A_135 = arith.extui %lt3A_134 : i1 to i32
      %cond3A_136 = arith.constant 0 : i32
      %cond3A_137 = arith.cmpi ne, %convert_element_type3A_135, %cond3A_136 : i32
      scf.if %cond3A_137 {
        %add3A_258 = arith.constant 4 : i32
        %add3A_259 = arith.addi %add3A_105, %add3A_258 : i32
        %add3A_260 = arith.addi %mul3A_2, %add3A_259 : i32
        %dma_start3A_261 = arith.constant 0 : i32
        %dma_start3A_262 = arith.constant 0 : i32
        %dma_start3A_263 = tpu.memref_slice %arg2[%add3A_260, %dma_start3A_261, %dma_start3A_262] : memref<4096x50x128xf32, #tpu.memory_space<hbm>> -> memref<1x50x128xf32, #tpu.memory_space<hbm>>
        %dma_start3A_264 = tpu.memref_squeeze %dma_start3A_263 : memref<1x50x128xf32, #tpu.memory_space<hbm>> -> memref<50x128xf32, #tpu.memory_space<hbm>>
        %dma_start3A_265 = arith.constant 0 : i32
        %dma_start3A_266 = arith.constant 0 : i32
        %dma_start3A_267 = tpu.memref_slice %arg2[%add3A_260, %dma_start3A_265, %dma_start3A_266] : memref<4096x50x128xf32, #tpu.memory_space<hbm>> -> memref<1x50x128xf32, #tpu.memory_space<hbm>>
        %dma_start3A_268 = tpu.memref_squeeze %dma_start3A_267 : memref<1x50x128xf32, #tpu.memory_space<hbm>> -> memref<50x128xf32, #tpu.memory_space<hbm>>
        tpu.enqueue_dma source(%dma_start3A_268 : memref<50x128xf32, #tpu.memory_space<hbm>>) target(%arg6 : memref<50x128xf32, #tpu.memory_space<vmem>>) target_semaphore(%arg14 : memref<!tpu.dma_semaphore, #tpu.memory_space<semaphore_mem>>)
      } else {
      }
      %mul3A_138 = arith.constant 4 : i32
      %mul3A_139 = arith.muli %scan3A_101, %mul3A_138 : i32
      %add3A_140 = arith.constant 1 : i32
      %add3A_141 = arith.addi %mul3A_139, %add3A_140 : i32
      %add3A_142 = arith.addi %mul3A_2, %add3A_141 : i32
      %dma_wait3A_143 = arith.constant 0 : i32
      %dma_wait3A_144 = arith.constant 0 : i32
      %dma_wait3A_145 = tpu.memref_slice %arg2[%add3A_142, %dma_wait3A_143, %dma_wait3A_144] : memref<4096x50x128xf32, #tpu.memory_space<hbm>> -> memref<1x50x128xf32, #tpu.memory_space<hbm>>
      %dma_wait3A_146 = tpu.memref_squeeze %dma_wait3A_145 : memref<1x50x128xf32, #tpu.memory_space<hbm>> -> memref<50x128xf32, #tpu.memory_space<hbm>>
      %dma_wait3A_147 = arith.constant 0 : i32
      %dma_wait3A_148 = arith.constant 0 : i32
      %dma_wait3A_149 = tpu.memref_slice %arg2[%add3A_142, %dma_wait3A_147, %dma_wait3A_148] : memref<4096x50x128xf32, #tpu.memory_space<hbm>> -> memref<1x50x128xf32, #tpu.memory_space<hbm>>
      %dma_wait3A_150 = tpu.memref_squeeze %dma_wait3A_149 : memref<1x50x128xf32, #tpu.memory_space<hbm>> -> memref<50x128xf32, #tpu.memory_space<hbm>>
      tpu.wait_dma2 semaphore(%arg15 : memref<!tpu.dma_semaphore, #tpu.memory_space<semaphore_mem>>) src(%dma_wait3A_150 : memref<50x128xf32, #tpu.memory_space<hbm>>) dst(%arg7 : memref<50x128xf32, #tpu.memory_space<vmem>>)
      %gt3A_151 = arith.constant 0 : i32
      %gt3A_152 = arith.cmpi sgt, %scan3A_101, %gt3A_151 : i32
      %convert_element_type3A_153 = arith.extui %gt3A_152 : i1 to i32
      %cond3A_154 = arith.constant 0 : i32
      %cond3A_155 = arith.cmpi ne, %convert_element_type3A_153, %cond3A_154 : i32
      scf.if %cond3A_155 {
        %sub3A = arith.constant 4 : i32
        %sub3A_258 = arith.subi %add3A_141, %sub3A : i32
        %add3A_259 = arith.addi %mul3A_2, %sub3A_258 : i32
        %dma_wait3A_260 = arith.constant 0 : i32
        %dma_wait3A_261 = arith.constant 0 : i32
        %dma_wait3A_262 = tpu.memref_slice %arg4[%add3A_259, %dma_wait3A_260, %dma_wait3A_261] : memref<4096x50x128xf32, #tpu.memory_space<hbm>> -> memref<1x50x128xf32, #tpu.memory_space<hbm>>
        %dma_wait3A_263 = tpu.memref_squeeze %dma_wait3A_262 : memref<1x50x128xf32, #tpu.memory_space<hbm>> -> memref<50x128xf32, #tpu.memory_space<hbm>>
        %dma_wait3A_264 = arith.constant 0 : i32
        %dma_wait3A_265 = arith.constant 0 : i32
        %dma_wait3A_266 = tpu.memref_slice %arg4[%add3A_259, %dma_wait3A_264, %dma_wait3A_265] : memref<4096x50x128xf32, #tpu.memory_space<hbm>> -> memref<1x50x128xf32, #tpu.memory_space<hbm>>
        %dma_wait3A_267 = tpu.memref_squeeze %dma_wait3A_266 : memref<1x50x128xf32, #tpu.memory_space<hbm>> -> memref<50x128xf32, #tpu.memory_space<hbm>>
        tpu.wait_dma2 semaphore(%arg19 : memref<!tpu.dma_semaphore, #tpu.memory_space<semaphore_mem>>) src(%arg11 : memref<50x128xf32, #tpu.memory_space<vmem>>) dst(%dma_wait3A_267 : memref<50x128xf32, #tpu.memory_space<hbm>>)
      } else {
      }
      %scan3A_156 = arith.constant 0 : i32
      %scan3A_157 = arith.constant 0 : i32
      %scan3A_158 = arith.constant 10 : i32
      %scan3A_159 = arith.addi %scan3A_157, %scan3A_158 : i32
      %scan3A_160 = arith.constant 1 : i32
      scf.for %scan3A_258 = %scan3A_157 to %scan3A_159 step %scan3A_160  : i32 {
        %mul3A_259 = arith.constant 5 : i32
        %mul3A_260 = arith.muli %scan3A_258, %mul3A_259 : i32
        %add3A_261 = arith.constant 0 : i32
        %add3A_262 = arith.addi %mul3A_260, %add3A_261 : i32
        %broadcast_in_dim3A = vector.broadcast %add3A_262 : i32 to vector<16xi32>
        %gather3A = tpu.vector_load_idx %arg7[%broadcast_in_dim3A, %get3A_3] : memref<50x128xf32, #tpu.memory_space<vmem>>[vector<16xi32>, vector<16xi32>], vector<16xf32>,
        %gather3A_263 = tpu.vector_load_idx %arg7[%broadcast_in_dim3A, %get3A_5] : memref<50x128xf32, #tpu.memory_space<vmem>>[vector<16xi32>, vector<16xi32>], vector<16xf32>,
        %gather3A_264 = tpu.vector_load_idx %arg7[%broadcast_in_dim3A, %get3A_7] : memref<50x128xf32, #tpu.memory_space<vmem>>[vector<16xi32>, vector<16xi32>], vector<16xf32>,
        %gather3A_265 = tpu.vector_load_idx %arg7[%broadcast_in_dim3A, %get3A_9] : memref<50x128xf32, #tpu.memory_space<vmem>>[vector<16xi32>, vector<16xi32>], vector<16xf32>,
        %gather3A_266 = tpu.vector_load_idx %arg7[%broadcast_in_dim3A, %get3A_11] : memref<50x128xf32, #tpu.memory_space<vmem>>[vector<16xi32>, vector<16xi32>], vector<16xf32>,
        %gather3A_267 = tpu.vector_load_idx %arg7[%broadcast_in_dim3A, %get3A_13] : memref<50x128xf32, #tpu.memory_space<vmem>>[vector<16xi32>, vector<16xi32>], vector<16xf32>,
        %gather3A_268 = tpu.vector_load_idx %arg7[%broadcast_in_dim3A, %get3A_15] : memref<50x128xf32, #tpu.memory_space<vmem>>[vector<16xi32>, vector<16xi32>], vector<16xf32>,
        %gather3A_269 = tpu.vector_load_idx %arg7[%broadcast_in_dim3A, %get3A_17] : memref<50x128xf32, #tpu.memory_space<vmem>>[vector<16xi32>, vector<16xi32>], vector<16xf32>,
        %mul3A_270 = arith.constant 5 : i32
        %mul3A_271 = arith.muli %scan3A_258, %mul3A_270 : i32
        %add3A_272 = arith.constant 1 : i32
        %add3A_273 = arith.addi %mul3A_271, %add3A_272 : i32
        %broadcast_in_dim3A_274 = vector.broadcast %add3A_273 : i32 to vector<16xi32>
        %gather3A_275 = tpu.vector_load_idx %arg7[%broadcast_in_dim3A_274, %get3A_3] : memref<50x128xf32, #tpu.memory_space<vmem>>[vector<16xi32>, vector<16xi32>], vector<16xf32>,
        %gather3A_276 = tpu.vector_load_idx %arg7[%broadcast_in_dim3A_274, %get3A_5] : memref<50x128xf32, #tpu.memory_space<vmem>>[vector<16xi32>, vector<16xi32>], vector<16xf32>,
        %gather3A_277 = tpu.vector_load_idx %arg7[%broadcast_in_dim3A_274, %get3A_7] : memref<50x128xf32, #tpu.memory_space<vmem>>[vector<16xi32>, vector<16xi32>], vector<16xf32>,
        %gather3A_278 = tpu.vector_load_idx %arg7[%broadcast_in_dim3A_274, %get3A_9] : memref<50x128xf32, #tpu.memory_space<vmem>>[vector<16xi32>, vector<16xi32>], vector<16xf32>,
        %gather3A_279 = tpu.vector_load_idx %arg7[%broadcast_in_dim3A_274, %get3A_11] : memref<50x128xf32, #tpu.memory_space<vmem>>[vector<16xi32>, vector<16xi32>], vector<16xf32>,
        %gather3A_280 = tpu.vector_load_idx %arg7[%broadcast_in_dim3A_274, %get3A_13] : memref<50x128xf32, #tpu.memory_space<vmem>>[vector<16xi32>, vector<16xi32>], vector<16xf32>,
        %gather3A_281 = tpu.vector_load_idx %arg7[%broadcast_in_dim3A_274, %get3A_15] : memref<50x128xf32, #tpu.memory_space<vmem>>[vector<16xi32>, vector<16xi32>], vector<16xf32>,
        %gather3A_282 = tpu.vector_load_idx %arg7[%broadcast_in_dim3A_274, %get3A_17] : memref<50x128xf32, #tpu.memory_space<vmem>>[vector<16xi32>, vector<16xi32>], vector<16xf32>,
        %mul3A_283 = arith.constant 5 : i32
        %mul3A_284 = arith.muli %scan3A_258, %mul3A_283 : i32
        %add3A_285 = arith.constant 2 : i32
        %add3A_286 = arith.addi %mul3A_284, %add3A_285 : i32
        %broadcast_in_dim3A_287 = vector.broadcast %add3A_286 : i32 to vector<16xi32>
        %gather3A_288 = tpu.vector_load_idx %arg7[%broadcast_in_dim3A_287, %get3A_3] : memref<50x128xf32, #tpu.memory_space<vmem>>[vector<16xi32>, vector<16xi32>], vector<16xf32>,
        %gather3A_289 = tpu.vector_load_idx %arg7[%broadcast_in_dim3A_287, %get3A_5] : memref<50x128xf32, #tpu.memory_space<vmem>>[vector<16xi32>, vector<16xi32>], vector<16xf32>,
        %gather3A_290 = tpu.vector_load_idx %arg7[%broadcast_in_dim3A_287, %get3A_7] : memref<50x128xf32, #tpu.memory_space<vmem>>[vector<16xi32>, vector<16xi32>], vector<16xf32>,
        %gather3A_291 = tpu.vector_load_idx %arg7[%broadcast_in_dim3A_287, %get3A_9] : memref<50x128xf32, #tpu.memory_space<vmem>>[vector<16xi32>, vector<16xi32>], vector<16xf32>,
        %gather3A_292 = tpu.vector_load_idx %arg7[%broadcast_in_dim3A_287, %get3A_11] : memref<50x128xf32, #tpu.memory_space<vmem>>[vector<16xi32>, vector<16xi32>], vector<16xf32>,
        %gather3A_293 = tpu.vector_load_idx %arg7[%broadcast_in_dim3A_287, %get3A_13] : memref<50x128xf32, #tpu.memory_space<vmem>>[vector<16xi32>, vector<16xi32>], vector<16xf32>,
        %gather3A_294 = tpu.vector_load_idx %arg7[%broadcast_in_dim3A_287, %get3A_15] : memref<50x128xf32, #tpu.memory_space<vmem>>[vector<16xi32>, vector<16xi32>], vector<16xf32>,
        %gather3A_295 = tpu.vector_load_idx %arg7[%broadcast_in_dim3A_287, %get3A_17] : memref<50x128xf32, #tpu.memory_space<vmem>>[vector<16xi32>, vector<16xi32>], vector<16xf32>,
        %mul3A_296 = arith.constant 5 : i32
        %mul3A_297 = arith.muli %scan3A_258, %mul3A_296 : i32
        %add3A_298 = arith.constant 3 : i32
        %add3A_299 = arith.addi %mul3A_297, %add3A_298 : i32
        %broadcast_in_dim3A_300 = vector.broadcast %add3A_299 : i32 to vector<16xi32>
        %gather3A_301 = tpu.vector_load_idx %arg7[%broadcast_in_dim3A_300, %get3A_3] : memref<50x128xf32, #tpu.memory_space<vmem>>[vector<16xi32>, vector<16xi32>], vector<16xf32>,
        %gather3A_302 = tpu.vector_load_idx %arg7[%broadcast_in_dim3A_300, %get3A_5] : memref<50x128xf32, #tpu.memory_space<vmem>>[vector<16xi32>, vector<16xi32>], vector<16xf32>,
        %gather3A_303 = tpu.vector_load_idx %arg7[%broadcast_in_dim3A_300, %get3A_7] : memref<50x128xf32, #tpu.memory_space<vmem>>[vector<16xi32>, vector<16xi32>], vector<16xf32>,
        %gather3A_304 = tpu.vector_load_idx %arg7[%broadcast_in_dim3A_300, %get3A_9] : memref<50x128xf32, #tpu.memory_space<vmem>>[vector<16xi32>, vector<16xi32>], vector<16xf32>,
        %gather3A_305 = tpu.vector_load_idx %arg7[%broadcast_in_dim3A_300, %get3A_11] : memref<50x128xf32, #tpu.memory_space<vmem>>[vector<16xi32>, vector<16xi32>], vector<16xf32>,
        %gather3A_306 = tpu.vector_load_idx %arg7[%broadcast_in_dim3A_300, %get3A_13] : memref<50x128xf32, #tpu.memory_space<vmem>>[vector<16xi32>, vector<16xi32>], vector<16xf32>,
        %gather3A_307 = tpu.vector_load_idx %arg7[%broadcast_in_dim3A_300, %get3A_15] : memref<50x128xf32, #tpu.memory_space<vmem>>[vector<16xi32>, vector<16xi32>], vector<16xf32>,
        %gather3A_308 = tpu.vector_load_idx %arg7[%broadcast_in_dim3A_300, %get3A_17] : memref<50x128xf32, #tpu.memory_space<vmem>>[vector<16xi32>, vector<16xi32>], vector<16xf32>,
        %mul3A_309 = arith.constant 5 : i32
        %mul3A_310 = arith.muli %scan3A_258, %mul3A_309 : i32
        %add3A_311 = arith.constant 4 : i32
        %add3A_312 = arith.addi %mul3A_310, %add3A_311 : i32
        %broadcast_in_dim3A_313 = vector.broadcast %add3A_312 : i32 to vector<16xi32>
        %gather3A_314 = tpu.vector_load_idx %arg7[%broadcast_in_dim3A_313, %get3A_3] : memref<50x128xf32, #tpu.memory_space<vmem>>[vector<16xi32>, vector<16xi32>], vector<16xf32>,
        %gather3A_315 = tpu.vector_load_idx %arg7[%broadcast_in_dim3A_313, %get3A_5] : memref<50x128xf32, #tpu.memory_space<vmem>>[vector<16xi32>, vector<16xi32>], vector<16xf32>,
        %gather3A_316 = tpu.vector_load_idx %arg7[%broadcast_in_dim3A_313, %get3A_7] : memref<50x128xf32, #tpu.memory_space<vmem>>[vector<16xi32>, vector<16xi32>], vector<16xf32>,
        %gather3A_317 = tpu.vector_load_idx %arg7[%broadcast_in_dim3A_313, %get3A_9] : memref<50x128xf32, #tpu.memory_space<vmem>>[vector<16xi32>, vector<16xi32>], vector<16xf32>,
        %gather3A_318 = tpu.vector_load_idx %arg7[%broadcast_in_dim3A_313, %get3A_11] : memref<50x128xf32, #tpu.memory_space<vmem>>[vector<16xi32>, vector<16xi32>], vector<16xf32>,
        %gather3A_319 = tpu.vector_load_idx %arg7[%broadcast_in_dim3A_313, %get3A_13] : memref<50x128xf32, #tpu.memory_space<vmem>>[vector<16xi32>, vector<16xi32>], vector<16xf32>,
        %gather3A_320 = tpu.vector_load_idx %arg7[%broadcast_in_dim3A_313, %get3A_15] : memref<50x128xf32, #tpu.memory_space<vmem>>[vector<16xi32>, vector<16xi32>], vector<16xf32>,
        %gather3A_321 = tpu.vector_load_idx %arg7[%broadcast_in_dim3A_313, %get3A_17] : memref<50x128xf32, #tpu.memory_space<vmem>>[vector<16xi32>, vector<16xi32>], vector<16xf32>,
        %mul3A_322 = arith.constant 5 : i32
        %mul3A_323 = arith.muli %scan3A_258, %mul3A_322 : i32
        %add3A_324 = arith.constant 0 : i32
        %add3A_325 = arith.addi %mul3A_323, %add3A_324 : i32
        %swap3A = arith.index_cast %add3A_325 : i32 to index
        %swap3A_326 = arith.constant 0 : index
        %swap3A_327 = tpu.vector_load %arg11[%swap3A, %swap3A_326] {strides = array<i32>} : memref<50x128xf32, #tpu.memory_space<vmem>>, vector<16xf32>,
        tpu.vector_store %arg11[%swap3A, %swap3A_326], %gather3A {strides = array<i32>} : memref<50x128xf32, #tpu.memory_space<vmem>>, vector<16xf32>,
        %swap3A_328 = arith.index_cast %add3A_325 : i32 to index
        %swap3A_329 = arith.constant 16 : index
        %swap3A_330 = tpu.vector_load %arg11[%swap3A_328, %swap3A_329] {strides = array<i32>} : memref<50x128xf32, #tpu.memory_space<vmem>>, vector<16xf32>,
        tpu.vector_store %arg11[%swap3A_328, %swap3A_329], %gather3A_263 {strides = array<i32>} : memref<50x128xf32, #tpu.memory_space<vmem>>, vector<16xf32>,
        %swap3A_331 = arith.index_cast %add3A_325 : i32 to index
        %swap3A_332 = arith.constant 32 : index
        %swap3A_333 = tpu.vector_load %arg11[%swap3A_331, %swap3A_332] {strides = array<i32>} : memref<50x128xf32, #tpu.memory_space<vmem>>, vector<16xf32>,
        tpu.vector_store %arg11[%swap3A_331, %swap3A_332], %gather3A_264 {strides = array<i32>} : memref<50x128xf32, #tpu.memory_space<vmem>>, vector<16xf32>,
        %swap3A_334 = arith.index_cast %add3A_325 : i32 to index
        %swap3A_335 = arith.constant 48 : index
        %swap3A_336 = tpu.vector_load %arg11[%swap3A_334, %swap3A_335] {strides = array<i32>} : memref<50x128xf32, #tpu.memory_space<vmem>>, vector<16xf32>,
        tpu.vector_store %arg11[%swap3A_334, %swap3A_335], %gather3A_265 {strides = array<i32>} : memref<50x128xf32, #tpu.memory_space<vmem>>, vector<16xf32>,
        %swap3A_337 = arith.index_cast %add3A_325 : i32 to index
        %swap3A_338 = arith.constant 64 : index
        %swap3A_339 = tpu.vector_load %arg11[%swap3A_337, %swap3A_338] {strides = array<i32>} : memref<50x128xf32, #tpu.memory_space<vmem>>, vector<16xf32>,
        tpu.vector_store %arg11[%swap3A_337, %swap3A_338], %gather3A_266 {strides = array<i32>} : memref<50x128xf32, #tpu.memory_space<vmem>>, vector<16xf32>,
        %swap3A_340 = arith.index_cast %add3A_325 : i32 to index
        %swap3A_341 = arith.constant 80 : index
        %swap3A_342 = tpu.vector_load %arg11[%swap3A_340, %swap3A_341] {strides = array<i32>} : memref<50x128xf32, #tpu.memory_space<vmem>>, vector<16xf32>,
        tpu.vector_store %arg11[%swap3A_340, %swap3A_341], %gather3A_267 {strides = array<i32>} : memref<50x128xf32, #tpu.memory_space<vmem>>, vector<16xf32>,
        %swap3A_343 = arith.index_cast %add3A_325 : i32 to index
        %swap3A_344 = arith.constant 96 : index
        %swap3A_345 = tpu.vector_load %arg11[%swap3A_343, %swap3A_344] {strides = array<i32>} : memref<50x128xf32, #tpu.memory_space<vmem>>, vector<16xf32>,
        tpu.vector_store %arg11[%swap3A_343, %swap3A_344], %gather3A_268 {strides = array<i32>} : memref<50x128xf32, #tpu.memory_space<vmem>>, vector<16xf32>,
        %swap3A_346 = arith.index_cast %add3A_325 : i32 to index
        %swap3A_347 = arith.constant 112 : index
        %swap3A_348 = tpu.vector_load %arg11[%swap3A_346, %swap3A_347] {strides = array<i32>} : memref<50x128xf32, #tpu.memory_space<vmem>>, vector<16xf32>,
        tpu.vector_store %arg11[%swap3A_346, %swap3A_347], %gather3A_269 {strides = array<i32>} : memref<50x128xf32, #tpu.memory_space<vmem>>, vector<16xf32>,
        %mul3A_349 = arith.constant 5 : i32
        %mul3A_350 = arith.muli %scan3A_258, %mul3A_349 : i32
        %add3A_351 = arith.constant 1 : i32
        %add3A_352 = arith.addi %mul3A_350, %add3A_351 : i32
        %swap3A_353 = arith.index_cast %add3A_352 : i32 to index
        %swap3A_354 = arith.constant 0 : index
        %swap3A_355 = tpu.vector_load %arg11[%swap3A_353, %swap3A_354] {strides = array<i32>} : memref<50x128xf32, #tpu.memory_space<vmem>>, vector<16xf32>,
        tpu.vector_store %arg11[%swap3A_353, %swap3A_354], %gather3A_275 {strides = array<i32>} : memref<50x128xf32, #tpu.memory_space<vmem>>, vector<16xf32>,
        %swap3A_356 = arith.index_cast %add3A_352 : i32 to index
        %swap3A_357 = arith.constant 16 : index
        %swap3A_358 = tpu.vector_load %arg11[%swap3A_356, %swap3A_357] {strides = array<i32>} : memref<50x128xf32, #tpu.memory_space<vmem>>, vector<16xf32>,
        tpu.vector_store %arg11[%swap3A_356, %swap3A_357], %gather3A_276 {strides = array<i32>} : memref<50x128xf32, #tpu.memory_space<vmem>>, vector<16xf32>,
        %swap3A_359 = arith.index_cast %add3A_352 : i32 to index
        %swap3A_360 = arith.constant 32 : index
        %swap3A_361 = tpu.vector_load %arg11[%swap3A_359, %swap3A_360] {strides = array<i32>} : memref<50x128xf32, #tpu.memory_space<vmem>>, vector<16xf32>,
        tpu.vector_store %arg11[%swap3A_359, %swap3A_360], %gather3A_277 {strides = array<i32>} : memref<50x128xf32, #tpu.memory_space<vmem>>, vector<16xf32>,
        %swap3A_362 = arith.index_cast %add3A_352 : i32 to index
        %swap3A_363 = arith.constant 48 : index
        %swap3A_364 = tpu.vector_load %arg11[%swap3A_362, %swap3A_363] {strides = array<i32>} : memref<50x128xf32, #tpu.memory_space<vmem>>, vector<16xf32>,
        tpu.vector_store %arg11[%swap3A_362, %swap3A_363], %gather3A_278 {strides = array<i32>} : memref<50x128xf32, #tpu.memory_space<vmem>>, vector<16xf32>,
        %swap3A_365 = arith.index_cast %add3A_352 : i32 to index
        %swap3A_366 = arith.constant 64 : index
        %swap3A_367 = tpu.vector_load %arg11[%swap3A_365, %swap3A_366] {strides = array<i32>} : memref<50x128xf32, #tpu.memory_space<vmem>>, vector<16xf32>,
        tpu.vector_store %arg11[%swap3A_365, %swap3A_366], %gather3A_279 {strides = array<i32>} : memref<50x128xf32, #tpu.memory_space<vmem>>, vector<16xf32>,
        %swap3A_368 = arith.index_cast %add3A_352 : i32 to index
        %swap3A_369 = arith.constant 80 : index
        %swap3A_370 = tpu.vector_load %arg11[%swap3A_368, %swap3A_369] {strides = array<i32>} : memref<50x128xf32, #tpu.memory_space<vmem>>, vector<16xf32>,
        tpu.vector_store %arg11[%swap3A_368, %swap3A_369], %gather3A_280 {strides = array<i32>} : memref<50x128xf32, #tpu.memory_space<vmem>>, vector<16xf32>,
        %swap3A_371 = arith.index_cast %add3A_352 : i32 to index
        %swap3A_372 = arith.constant 96 : index
        %swap3A_373 = tpu.vector_load %arg11[%swap3A_371, %swap3A_372] {strides = array<i32>} : memref<50x128xf32, #tpu.memory_space<vmem>>, vector<16xf32>,
        tpu.vector_store %arg11[%swap3A_371, %swap3A_372], %gather3A_281 {strides = array<i32>} : memref<50x128xf32, #tpu.memory_space<vmem>>, vector<16xf32>,
        %swap3A_374 = arith.index_cast %add3A_352 : i32 to index
        %swap3A_375 = arith.constant 112 : index
        %swap3A_376 = tpu.vector_load %arg11[%swap3A_374, %swap3A_375] {strides = array<i32>} : memref<50x128xf32, #tpu.memory_space<vmem>>, vector<16xf32>,
        tpu.vector_store %arg11[%swap3A_374, %swap3A_375], %gather3A_282 {strides = array<i32>} : memref<50x128xf32, #tpu.memory_space<vmem>>, vector<16xf32>,
        %mul3A_377 = arith.constant 5 : i32
        %mul3A_378 = arith.muli %scan3A_258, %mul3A_377 : i32
        %add3A_379 = arith.constant 2 : i32
        %add3A_380 = arith.addi %mul3A_378, %add3A_379 : i32
        %swap3A_381 = arith.index_cast %add3A_380 : i32 to index
        %swap3A_382 = arith.constant 0 : index
        %swap3A_383 = tpu.vector_load %arg11[%swap3A_381, %swap3A_382] {strides = array<i32>} : memref<50x128xf32, #tpu.memory_space<vmem>>, vector<16xf32>,
        tpu.vector_store %arg11[%swap3A_381, %swap3A_382], %gather3A_288 {strides = array<i32>} : memref<50x128xf32, #tpu.memory_space<vmem>>, vector<16xf32>,
        %swap3A_384 = arith.index_cast %add3A_380 : i32 to index
        %swap3A_385 = arith.constant 16 : index
        %swap3A_386 = tpu.vector_load %arg11[%swap3A_384, %swap3A_385] {strides = array<i32>} : memref<50x128xf32, #tpu.memory_space<vmem>>, vector<16xf32>,
        tpu.vector_store %arg11[%swap3A_384, %swap3A_385], %gather3A_289 {strides = array<i32>} : memref<50x128xf32, #tpu.memory_space<vmem>>, vector<16xf32>,
        %swap3A_387 = arith.index_cast %add3A_380 : i32 to index
        %swap3A_388 = arith.constant 32 : index
        %swap3A_389 = tpu.vector_load %arg11[%swap3A_387, %swap3A_388] {strides = array<i32>} : memref<50x128xf32, #tpu.memory_space<vmem>>, vector<16xf32>,
        tpu.vector_store %arg11[%swap3A_387, %swap3A_388], %gather3A_290 {strides = array<i32>} : memref<50x128xf32, #tpu.memory_space<vmem>>, vector<16xf32>,
        %swap3A_390 = arith.index_cast %add3A_380 : i32 to index
        %swap3A_391 = arith.constant 48 : index
        %swap3A_392 = tpu.vector_load %arg11[%swap3A_390, %swap3A_391] {strides = array<i32>} : memref<50x128xf32, #tpu.memory_space<vmem>>, vector<16xf32>,
        tpu.vector_store %arg11[%swap3A_390, %swap3A_391], %gather3A_291 {strides = array<i32>} : memref<50x128xf32, #tpu.memory_space<vmem>>, vector<16xf32>,
        %swap3A_393 = arith.index_cast %add3A_380 : i32 to index
        %swap3A_394 = arith.constant 64 : index
        %swap3A_395 = tpu.vector_load %arg11[%swap3A_393, %swap3A_394] {strides = array<i32>} : memref<50x128xf32, #tpu.memory_space<vmem>>, vector<16xf32>,
        tpu.vector_store %arg11[%swap3A_393, %swap3A_394], %gather3A_292 {strides = array<i32>} : memref<50x128xf32, #tpu.memory_space<vmem>>, vector<16xf32>,
        %swap3A_396 = arith.index_cast %add3A_380 : i32 to index
        %swap3A_397 = arith.constant 80 : index
        %swap3A_398 = tpu.vector_load %arg11[%swap3A_396, %swap3A_397] {strides = array<i32>} : memref<50x128xf32, #tpu.memory_space<vmem>>, vector<16xf32>,
        tpu.vector_store %arg11[%swap3A_396, %swap3A_397], %gather3A_293 {strides = array<i32>} : memref<50x128xf32, #tpu.memory_space<vmem>>, vector<16xf32>,
        %swap3A_399 = arith.index_cast %add3A_380 : i32 to index
        %swap3A_400 = arith.constant 96 : index
        %swap3A_401 = tpu.vector_load %arg11[%swap3A_399, %swap3A_400] {strides = array<i32>} : memref<50x128xf32, #tpu.memory_space<vmem>>, vector<16xf32>,
        tpu.vector_store %arg11[%swap3A_399, %swap3A_400], %gather3A_294 {strides = array<i32>} : memref<50x128xf32, #tpu.memory_space<vmem>>, vector<16xf32>,
        %swap3A_402 = arith.index_cast %add3A_380 : i32 to index
        %swap3A_403 = arith.constant 112 : index
        %swap3A_404 = tpu.vector_load %arg11[%swap3A_402, %swap3A_403] {strides = array<i32>} : memref<50x128xf32, #tpu.memory_space<vmem>>, vector<16xf32>,
        tpu.vector_store %arg11[%swap3A_402, %swap3A_403], %gather3A_295 {strides = array<i32>} : memref<50x128xf32, #tpu.memory_space<vmem>>, vector<16xf32>,
        %mul3A_405 = arith.constant 5 : i32
        %mul3A_406 = arith.muli %scan3A_258, %mul3A_405 : i32
        %add3A_407 = arith.constant 3 : i32
        %add3A_408 = arith.addi %mul3A_406, %add3A_407 : i32
        %swap3A_409 = arith.index_cast %add3A_408 : i32 to index
        %swap3A_410 = arith.constant 0 : index
        %swap3A_411 = tpu.vector_load %arg11[%swap3A_409, %swap3A_410] {strides = array<i32>} : memref<50x128xf32, #tpu.memory_space<vmem>>, vector<16xf32>,
        tpu.vector_store %arg11[%swap3A_409, %swap3A_410], %gather3A_301 {strides = array<i32>} : memref<50x128xf32, #tpu.memory_space<vmem>>, vector<16xf32>,
        %swap3A_412 = arith.index_cast %add3A_408 : i32 to index
        %swap3A_413 = arith.constant 16 : index
        %swap3A_414 = tpu.vector_load %arg11[%swap3A_412, %swap3A_413] {strides = array<i32>} : memref<50x128xf32, #tpu.memory_space<vmem>>, vector<16xf32>,
        tpu.vector_store %arg11[%swap3A_412, %swap3A_413], %gather3A_302 {strides = array<i32>} : memref<50x128xf32, #tpu.memory_space<vmem>>, vector<16xf32>,
        %swap3A_415 = arith.index_cast %add3A_408 : i32 to index
        %swap3A_416 = arith.constant 32 : index
        %swap3A_417 = tpu.vector_load %arg11[%swap3A_415, %swap3A_416] {strides = array<i32>} : memref<50x128xf32, #tpu.memory_space<vmem>>, vector<16xf32>,
        tpu.vector_store %arg11[%swap3A_415, %swap3A_416], %gather3A_303 {strides = array<i32>} : memref<50x128xf32, #tpu.memory_space<vmem>>, vector<16xf32>,
        %swap3A_418 = arith.index_cast %add3A_408 : i32 to index
        %swap3A_419 = arith.constant 48 : index
        %swap3A_420 = tpu.vector_load %arg11[%swap3A_418, %swap3A_419] {strides = array<i32>} : memref<50x128xf32, #tpu.memory_space<vmem>>, vector<16xf32>,
        tpu.vector_store %arg11[%swap3A_418, %swap3A_419], %gather3A_304 {strides = array<i32>} : memref<50x128xf32, #tpu.memory_space<vmem>>, vector<16xf32>,
        %swap3A_421 = arith.index_cast %add3A_408 : i32 to index
        %swap3A_422 = arith.constant 64 : index
        %swap3A_423 = tpu.vector_load %arg11[%swap3A_421, %swap3A_422] {strides = array<i32>} : memref<50x128xf32, #tpu.memory_space<vmem>>, vector<16xf32>,
        tpu.vector_store %arg11[%swap3A_421, %swap3A_422], %gather3A_305 {strides = array<i32>} : memref<50x128xf32, #tpu.memory_space<vmem>>, vector<16xf32>,
        %swap3A_424 = arith.index_cast %add3A_408 : i32 to index
        %swap3A_425 = arith.constant 80 : index
        %swap3A_426 = tpu.vector_load %arg11[%swap3A_424, %swap3A_425] {strides = array<i32>} : memref<50x128xf32, #tpu.memory_space<vmem>>, vector<16xf32>,
        tpu.vector_store %arg11[%swap3A_424, %swap3A_425], %gather3A_306 {strides = array<i32>} : memref<50x128xf32, #tpu.memory_space<vmem>>, vector<16xf32>,
        %swap3A_427 = arith.index_cast %add3A_408 : i32 to index
        %swap3A_428 = arith.constant 96 : index
        %swap3A_429 = tpu.vector_load %arg11[%swap3A_427, %swap3A_428] {strides = array<i32>} : memref<50x128xf32, #tpu.memory_space<vmem>>, vector<16xf32>,
        tpu.vector_store %arg11[%swap3A_427, %swap3A_428], %gather3A_307 {strides = array<i32>} : memref<50x128xf32, #tpu.memory_space<vmem>>, vector<16xf32>,
        %swap3A_430 = arith.index_cast %add3A_408 : i32 to index
        %swap3A_431 = arith.constant 112 : index
        %swap3A_432 = tpu.vector_load %arg11[%swap3A_430, %swap3A_431] {strides = array<i32>} : memref<50x128xf32, #tpu.memory_space<vmem>>, vector<16xf32>,
        tpu.vector_store %arg11[%swap3A_430, %swap3A_431], %gather3A_308 {strides = array<i32>} : memref<50x128xf32, #tpu.memory_space<vmem>>, vector<16xf32>,
        %mul3A_433 = arith.constant 5 : i32
        %mul3A_434 = arith.muli %scan3A_258, %mul3A_433 : i32
        %add3A_435 = arith.constant 4 : i32
        %add3A_436 = arith.addi %mul3A_434, %add3A_435 : i32
        %swap3A_437 = arith.index_cast %add3A_436 : i32 to index
        %swap3A_438 = arith.constant 0 : index
        %swap3A_439 = tpu.vector_load %arg11[%swap3A_437, %swap3A_438] {strides = array<i32>} : memref<50x128xf32, #tpu.memory_space<vmem>>, vector<16xf32>,
        tpu.vector_store %arg11[%swap3A_437, %swap3A_438], %gather3A_314 {strides = array<i32>} : memref<50x128xf32, #tpu.memory_space<vmem>>, vector<16xf32>,
        %swap3A_440 = arith.index_cast %add3A_436 : i32 to index
        %swap3A_441 = arith.constant 16 : index
        %swap3A_442 = tpu.vector_load %arg11[%swap3A_440, %swap3A_441] {strides = array<i32>} : memref<50x128xf32, #tpu.memory_space<vmem>>, vector<16xf32>,
        tpu.vector_store %arg11[%swap3A_440, %swap3A_441], %gather3A_315 {strides = array<i32>} : memref<50x128xf32, #tpu.memory_space<vmem>>, vector<16xf32>,
        %swap3A_443 = arith.index_cast %add3A_436 : i32 to index
        %swap3A_444 = arith.constant 32 : index
        %swap3A_445 = tpu.vector_load %arg11[%swap3A_443, %swap3A_444] {strides = array<i32>} : memref<50x128xf32, #tpu.memory_space<vmem>>, vector<16xf32>,
        tpu.vector_store %arg11[%swap3A_443, %swap3A_444], %gather3A_316 {strides = array<i32>} : memref<50x128xf32, #tpu.memory_space<vmem>>, vector<16xf32>,
        %swap3A_446 = arith.index_cast %add3A_436 : i32 to index
        %swap3A_447 = arith.constant 48 : index
        %swap3A_448 = tpu.vector_load %arg11[%swap3A_446, %swap3A_447] {strides = array<i32>} : memref<50x128xf32, #tpu.memory_space<vmem>>, vector<16xf32>,
        tpu.vector_store %arg11[%swap3A_446, %swap3A_447], %gather3A_317 {strides = array<i32>} : memref<50x128xf32, #tpu.memory_space<vmem>>, vector<16xf32>,
        %swap3A_449 = arith.index_cast %add3A_436 : i32 to index
        %swap3A_450 = arith.constant 64 : index
        %swap3A_451 = tpu.vector_load %arg11[%swap3A_449, %swap3A_450] {strides = array<i32>} : memref<50x128xf32, #tpu.memory_space<vmem>>, vector<16xf32>,
        tpu.vector_store %arg11[%swap3A_449, %swap3A_450], %gather3A_318 {strides = array<i32>} : memref<50x128xf32, #tpu.memory_space<vmem>>, vector<16xf32>,
        %swap3A_452 = arith.index_cast %add3A_436 : i32 to index
        %swap3A_453 = arith.constant 80 : index
        %swap3A_454 = tpu.vector_load %arg11[%swap3A_452, %swap3A_453] {strides = array<i32>} : memref<50x128xf32, #tpu.memory_space<vmem>>, vector<16xf32>,
        tpu.vector_store %arg11[%swap3A_452, %swap3A_453], %gather3A_319 {strides = array<i32>} : memref<50x128xf32, #tpu.memory_space<vmem>>, vector<16xf32>,
        %swap3A_455 = arith.index_cast %add3A_436 : i32 to index
        %swap3A_456 = arith.constant 96 : index
        %swap3A_457 = tpu.vector_load %arg11[%swap3A_455, %swap3A_456] {strides = array<i32>} : memref<50x128xf32, #tpu.memory_space<vmem>>, vector<16xf32>,
        tpu.vector_store %arg11[%swap3A_455, %swap3A_456], %gather3A_320 {strides = array<i32>} : memref<50x128xf32, #tpu.memory_space<vmem>>, vector<16xf32>,
        %swap3A_458 = arith.index_cast %add3A_436 : i32 to index
        %swap3A_459 = arith.constant 112 : index
        %swap3A_460 = tpu.vector_load %arg11[%swap3A_458, %swap3A_459] {strides = array<i32>} : memref<50x128xf32, #tpu.memory_space<vmem>>, vector<16xf32>,
        tpu.vector_store %arg11[%swap3A_458, %swap3A_459], %gather3A_321 {strides = array<i32>} : memref<50x128xf32, #tpu.memory_space<vmem>>, vector<16xf32>,
      }
      %scan3A_161 = arith.constant 10 : i32
      %add3A_162 = arith.addi %mul3A_2, %add3A_141 : i32
      %dma_start3A_163 = arith.constant 0 : i32
      %dma_start3A_164 = arith.constant 0 : i32
      %dma_start3A_165 = tpu.memref_slice %arg4[%add3A_162, %dma_start3A_163, %dma_start3A_164] : memref<4096x50x128xf32, #tpu.memory_space<hbm>> -> memref<1x50x128xf32, #tpu.memory_space<hbm>>
      %dma_start3A_166 = tpu.memref_squeeze %dma_start3A_165 : memref<1x50x128xf32, #tpu.memory_space<hbm>> -> memref<50x128xf32, #tpu.memory_space<hbm>>
      %dma_start3A_167 = arith.constant 0 : i32
      %dma_start3A_168 = arith.constant 0 : i32
      %dma_start3A_169 = tpu.memref_slice %arg4[%add3A_162, %dma_start3A_167, %dma_start3A_168] : memref<4096x50x128xf32, #tpu.memory_space<hbm>> -> memref<1x50x128xf32, #tpu.memory_space<hbm>>
      %dma_start3A_170 = tpu.memref_squeeze %dma_start3A_169 : memref<1x50x128xf32, #tpu.memory_space<hbm>> -> memref<50x128xf32, #tpu.memory_space<hbm>>
      tpu.enqueue_dma source(%arg11 : memref<50x128xf32, #tpu.memory_space<vmem>>) target(%dma_start3A_170 : memref<50x128xf32, #tpu.memory_space<hbm>>) target_semaphore(%arg19 : memref<!tpu.dma_semaphore, #tpu.memory_space<semaphore_mem>>)
      %add3A_171 = arith.constant 1 : i32
      %add3A_172 = arith.addi %scan3A_101, %add3A_171 : i32
      %lt3A_173 = arith.constant 32 : i32
      %lt3A_174 = arith.cmpi slt, %add3A_172, %lt3A_173 : i32
      %convert_element_type3A_175 = arith.extui %lt3A_174 : i1 to i32
      %cond3A_176 = arith.constant 0 : i32
      %cond3A_177 = arith.cmpi ne, %convert_element_type3A_175, %cond3A_176 : i32
      scf.if %cond3A_177 {
        %add3A_258 = arith.constant 4 : i32
        %add3A_259 = arith.addi %add3A_141, %add3A_258 : i32
        %add3A_260 = arith.addi %mul3A_2, %add3A_259 : i32
        %dma_start3A_261 = arith.constant 0 : i32
        %dma_start3A_262 = arith.constant 0 : i32
        %dma_start3A_263 = tpu.memref_slice %arg2[%add3A_260, %dma_start3A_261, %dma_start3A_262] : memref<4096x50x128xf32, #tpu.memory_space<hbm>> -> memref<1x50x128xf32, #tpu.memory_space<hbm>>
        %dma_start3A_264 = tpu.memref_squeeze %dma_start3A_263 : memref<1x50x128xf32, #tpu.memory_space<hbm>> -> memref<50x128xf32, #tpu.memory_space<hbm>>
        %dma_start3A_265 = arith.constant 0 : i32
        %dma_start3A_266 = arith.constant 0 : i32
        %dma_start3A_267 = tpu.memref_slice %arg2[%add3A_260, %dma_start3A_265, %dma_start3A_266] : memref<4096x50x128xf32, #tpu.memory_space<hbm>> -> memref<1x50x128xf32, #tpu.memory_space<hbm>>
        %dma_start3A_268 = tpu.memref_squeeze %dma_start3A_267 : memref<1x50x128xf32, #tpu.memory_space<hbm>> -> memref<50x128xf32, #tpu.memory_space<hbm>>
        tpu.enqueue_dma source(%dma_start3A_268 : memref<50x128xf32, #tpu.memory_space<hbm>>) target(%arg7 : memref<50x128xf32, #tpu.memory_space<vmem>>) target_semaphore(%arg15 : memref<!tpu.dma_semaphore, #tpu.memory_space<semaphore_mem>>)
      } else {
      }
      %mul3A_178 = arith.constant 4 : i32
      %mul3A_179 = arith.muli %scan3A_101, %mul3A_178 : i32
      %add3A_180 = arith.constant 2 : i32
      %add3A_181 = arith.addi %mul3A_179, %add3A_180 : i32
      %add3A_182 = arith.addi %mul3A_2, %add3A_181 : i32
      %dma_wait3A_183 = arith.constant 0 : i32
      %dma_wait3A_184 = arith.constant 0 : i32
      %dma_wait3A_185 = tpu.memref_slice %arg2[%add3A_182, %dma_wait3A_183, %dma_wait3A_184] : memref<4096x50x128xf32, #tpu.memory_space<hbm>> -> memref<1x50x128xf32, #tpu.memory_space<hbm>>
      %dma_wait3A_186 = tpu.memref_squeeze %dma_wait3A_185 : memref<1x50x128xf32, #tpu.memory_space<hbm>> -> memref<50x128xf32, #tpu.memory_space<hbm>>
      %dma_wait3A_187 = arith.constant 0 : i32
      %dma_wait3A_188 = arith.constant 0 : i32
      %dma_wait3A_189 = tpu.memref_slice %arg2[%add3A_182, %dma_wait3A_187, %dma_wait3A_188] : memref<4096x50x128xf32, #tpu.memory_space<hbm>> -> memref<1x50x128xf32, #tpu.memory_space<hbm>>
      %dma_wait3A_190 = tpu.memref_squeeze %dma_wait3A_189 : memref<1x50x128xf32, #tpu.memory_space<hbm>> -> memref<50x128xf32, #tpu.memory_space<hbm>>
      tpu.wait_dma2 semaphore(%arg16 : memref<!tpu.dma_semaphore, #tpu.memory_space<semaphore_mem>>) src(%dma_wait3A_190 : memref<50x128xf32, #tpu.memory_space<hbm>>) dst(%arg8 : memref<50x128xf32, #tpu.memory_space<vmem>>)
      %gt3A_191 = arith.constant 0 : i32
      %gt3A_192 = arith.cmpi sgt, %scan3A_101, %gt3A_191 : i32
      %convert_element_type3A_193 = arith.extui %gt3A_192 : i1 to i32
      %cond3A_194 = arith.constant 0 : i32
      %cond3A_195 = arith.cmpi ne, %convert_element_type3A_193, %cond3A_194 : i32
      scf.if %cond3A_195 {
        %sub3A = arith.constant 4 : i32
        %sub3A_258 = arith.subi %add3A_181, %sub3A : i32
        %add3A_259 = arith.addi %mul3A_2, %sub3A_258 : i32
        %dma_wait3A_260 = arith.constant 0 : i32
        %dma_wait3A_261 = arith.constant 0 : i32
        %dma_wait3A_262 = tpu.memref_slice %arg4[%add3A_259, %dma_wait3A_260, %dma_wait3A_261] : memref<4096x50x128xf32, #tpu.memory_space<hbm>> -> memref<1x50x128xf32, #tpu.memory_space<hbm>>
        %dma_wait3A_263 = tpu.memref_squeeze %dma_wait3A_262 : memref<1x50x128xf32, #tpu.memory_space<hbm>> -> memref<50x128xf32, #tpu.memory_space<hbm>>
        %dma_wait3A_264 = arith.constant 0 : i32
        %dma_wait3A_265 = arith.constant 0 : i32
        %dma_wait3A_266 = tpu.memref_slice %arg4[%add3A_259, %dma_wait3A_264, %dma_wait3A_265] : memref<4096x50x128xf32, #tpu.memory_space<hbm>> -> memref<1x50x128xf32, #tpu.memory_space<hbm>>
        %dma_wait3A_267 = tpu.memref_squeeze %dma_wait3A_266 : memref<1x50x128xf32, #tpu.memory_space<hbm>> -> memref<50x128xf32, #tpu.memory_space<hbm>>
        tpu.wait_dma2 semaphore(%arg20 : memref<!tpu.dma_semaphore, #tpu.memory_space<semaphore_mem>>) src(%arg12 : memref<50x128xf32, #tpu.memory_space<vmem>>) dst(%dma_wait3A_267 : memref<50x128xf32, #tpu.memory_space<hbm>>)
      } else {
      }
      %scan3A_196 = arith.constant 0 : i32
      %scan3A_197 = arith.constant 0 : i32
      %scan3A_198 = arith.constant 10 : i32
      %scan3A_199 = arith.addi %scan3A_197, %scan3A_198 : i32
      %scan3A_200 = arith.constant 1 : i32
      scf.for %scan3A_258 = %scan3A_197 to %scan3A_199 step %scan3A_200  : i32 {
        %mul3A_259 = arith.constant 5 : i32
        %mul3A_260 = arith.muli %scan3A_258, %mul3A_259 : i32
        %add3A_261 = arith.constant 0 : i32
        %add3A_262 = arith.addi %mul3A_260, %add3A_261 : i32
        %broadcast_in_dim3A = vector.broadcast %add3A_262 : i32 to vector<16xi32>
        %gather3A = tpu.vector_load_idx %arg8[%broadcast_in_dim3A, %get3A_3] : memref<50x128xf32, #tpu.memory_space<vmem>>[vector<16xi32>, vector<16xi32>], vector<16xf32>,
        %gather3A_263 = tpu.vector_load_idx %arg8[%broadcast_in_dim3A, %get3A_5] : memref<50x128xf32, #tpu.memory_space<vmem>>[vector<16xi32>, vector<16xi32>], vector<16xf32>,
        %gather3A_264 = tpu.vector_load_idx %arg8[%broadcast_in_dim3A, %get3A_7] : memref<50x128xf32, #tpu.memory_space<vmem>>[vector<16xi32>, vector<16xi32>], vector<16xf32>,
        %gather3A_265 = tpu.vector_load_idx %arg8[%broadcast_in_dim3A, %get3A_9] : memref<50x128xf32, #tpu.memory_space<vmem>>[vector<16xi32>, vector<16xi32>], vector<16xf32>,
        %gather3A_266 = tpu.vector_load_idx %arg8[%broadcast_in_dim3A, %get3A_11] : memref<50x128xf32, #tpu.memory_space<vmem>>[vector<16xi32>, vector<16xi32>], vector<16xf32>,
        %gather3A_267 = tpu.vector_load_idx %arg8[%broadcast_in_dim3A, %get3A_13] : memref<50x128xf32, #tpu.memory_space<vmem>>[vector<16xi32>, vector<16xi32>], vector<16xf32>,
        %gather3A_268 = tpu.vector_load_idx %arg8[%broadcast_in_dim3A, %get3A_15] : memref<50x128xf32, #tpu.memory_space<vmem>>[vector<16xi32>, vector<16xi32>], vector<16xf32>,
        %gather3A_269 = tpu.vector_load_idx %arg8[%broadcast_in_dim3A, %get3A_17] : memref<50x128xf32, #tpu.memory_space<vmem>>[vector<16xi32>, vector<16xi32>], vector<16xf32>,
        %mul3A_270 = arith.constant 5 : i32
        %mul3A_271 = arith.muli %scan3A_258, %mul3A_270 : i32
        %add3A_272 = arith.constant 1 : i32
        %add3A_273 = arith.addi %mul3A_271, %add3A_272 : i32
        %broadcast_in_dim3A_274 = vector.broadcast %add3A_273 : i32 to vector<16xi32>
        %gather3A_275 = tpu.vector_load_idx %arg8[%broadcast_in_dim3A_274, %get3A_3] : memref<50x128xf32, #tpu.memory_space<vmem>>[vector<16xi32>, vector<16xi32>], vector<16xf32>,
        %gather3A_276 = tpu.vector_load_idx %arg8[%broadcast_in_dim3A_274, %get3A_5] : memref<50x128xf32, #tpu.memory_space<vmem>>[vector<16xi32>, vector<16xi32>], vector<16xf32>,
        %gather3A_277 = tpu.vector_load_idx %arg8[%broadcast_in_dim3A_274, %get3A_7] : memref<50x128xf32, #tpu.memory_space<vmem>>[vector<16xi32>, vector<16xi32>], vector<16xf32>,
        %gather3A_278 = tpu.vector_load_idx %arg8[%broadcast_in_dim3A_274, %get3A_9] : memref<50x128xf32, #tpu.memory_space<vmem>>[vector<16xi32>, vector<16xi32>], vector<16xf32>,
        %gather3A_279 = tpu.vector_load_idx %arg8[%broadcast_in_dim3A_274, %get3A_11] : memref<50x128xf32, #tpu.memory_space<vmem>>[vector<16xi32>, vector<16xi32>], vector<16xf32>,
        %gather3A_280 = tpu.vector_load_idx %arg8[%broadcast_in_dim3A_274, %get3A_13] : memref<50x128xf32, #tpu.memory_space<vmem>>[vector<16xi32>, vector<16xi32>], vector<16xf32>,
        %gather3A_281 = tpu.vector_load_idx %arg8[%broadcast_in_dim3A_274, %get3A_15] : memref<50x128xf32, #tpu.memory_space<vmem>>[vector<16xi32>, vector<16xi32>], vector<16xf32>,
        %gather3A_282 = tpu.vector_load_idx %arg8[%broadcast_in_dim3A_274, %get3A_17] : memref<50x128xf32, #tpu.memory_space<vmem>>[vector<16xi32>, vector<16xi32>], vector<16xf32>,
        %mul3A_283 = arith.constant 5 : i32
        %mul3A_284 = arith.muli %scan3A_258, %mul3A_283 : i32
        %add3A_285 = arith.constant 2 : i32
        %add3A_286 = arith.addi %mul3A_284, %add3A_285 : i32
        %broadcast_in_dim3A_287 = vector.broadcast %add3A_286 : i32 to vector<16xi32>
        %gather3A_288 = tpu.vector_load_idx %arg8[%broadcast_in_dim3A_287, %get3A_3] : memref<50x128xf32, #tpu.memory_space<vmem>>[vector<16xi32>, vector<16xi32>], vector<16xf32>,
        %gather3A_289 = tpu.vector_load_idx %arg8[%broadcast_in_dim3A_287, %get3A_5] : memref<50x128xf32, #tpu.memory_space<vmem>>[vector<16xi32>, vector<16xi32>], vector<16xf32>,
        %gather3A_290 = tpu.vector_load_idx %arg8[%broadcast_in_dim3A_287, %get3A_7] : memref<50x128xf32, #tpu.memory_space<vmem>>[vector<16xi32>, vector<16xi32>], vector<16xf32>,
        %gather3A_291 = tpu.vector_load_idx %arg8[%broadcast_in_dim3A_287, %get3A_9] : memref<50x128xf32, #tpu.memory_space<vmem>>[vector<16xi32>, vector<16xi32>], vector<16xf32>,
        %gather3A_292 = tpu.vector_load_idx %arg8[%broadcast_in_dim3A_287, %get3A_11] : memref<50x128xf32, #tpu.memory_space<vmem>>[vector<16xi32>, vector<16xi32>], vector<16xf32>,
        %gather3A_293 = tpu.vector_load_idx %arg8[%broadcast_in_dim3A_287, %get3A_13] : memref<50x128xf32, #tpu.memory_space<vmem>>[vector<16xi32>, vector<16xi32>], vector<16xf32>,
        %gather3A_294 = tpu.vector_load_idx %arg8[%broadcast_in_dim3A_287, %get3A_15] : memref<50x128xf32, #tpu.memory_space<vmem>>[vector<16xi32>, vector<16xi32>], vector<16xf32>,
        %gather3A_295 = tpu.vector_load_idx %arg8[%broadcast_in_dim3A_287, %get3A_17] : memref<50x128xf32, #tpu.memory_space<vmem>>[vector<16xi32>, vector<16xi32>], vector<16xf32>,
        %mul3A_296 = arith.constant 5 : i32
        %mul3A_297 = arith.muli %scan3A_258, %mul3A_296 : i32
        %add3A_298 = arith.constant 3 : i32
        %add3A_299 = arith.addi %mul3A_297, %add3A_298 : i32
        %broadcast_in_dim3A_300 = vector.broadcast %add3A_299 : i32 to vector<16xi32>
        %gather3A_301 = tpu.vector_load_idx %arg8[%broadcast_in_dim3A_300, %get3A_3] : memref<50x128xf32, #tpu.memory_space<vmem>>[vector<16xi32>, vector<16xi32>], vector<16xf32>,
        %gather3A_302 = tpu.vector_load_idx %arg8[%broadcast_in_dim3A_300, %get3A_5] : memref<50x128xf32, #tpu.memory_space<vmem>>[vector<16xi32>, vector<16xi32>], vector<16xf32>,
        %gather3A_303 = tpu.vector_load_idx %arg8[%broadcast_in_dim3A_300, %get3A_7] : memref<50x128xf32, #tpu.memory_space<vmem>>[vector<16xi32>, vector<16xi32>], vector<16xf32>,
        %gather3A_304 = tpu.vector_load_idx %arg8[%broadcast_in_dim3A_300, %get3A_9] : memref<50x128xf32, #tpu.memory_space<vmem>>[vector<16xi32>, vector<16xi32>], vector<16xf32>,
        %gather3A_305 = tpu.vector_load_idx %arg8[%broadcast_in_dim3A_300, %get3A_11] : memref<50x128xf32, #tpu.memory_space<vmem>>[vector<16xi32>, vector<16xi32>], vector<16xf32>,
        %gather3A_306 = tpu.vector_load_idx %arg8[%broadcast_in_dim3A_300, %get3A_13] : memref<50x128xf32, #tpu.memory_space<vmem>>[vector<16xi32>, vector<16xi32>], vector<16xf32>,
        %gather3A_307 = tpu.vector_load_idx %arg8[%broadcast_in_dim3A_300, %get3A_15] : memref<50x128xf32, #tpu.memory_space<vmem>>[vector<16xi32>, vector<16xi32>], vector<16xf32>,
        %gather3A_308 = tpu.vector_load_idx %arg8[%broadcast_in_dim3A_300, %get3A_17] : memref<50x128xf32, #tpu.memory_space<vmem>>[vector<16xi32>, vector<16xi32>], vector<16xf32>,
        %mul3A_309 = arith.constant 5 : i32
        %mul3A_310 = arith.muli %scan3A_258, %mul3A_309 : i32
        %add3A_311 = arith.constant 4 : i32
        %add3A_312 = arith.addi %mul3A_310, %add3A_311 : i32
        %broadcast_in_dim3A_313 = vector.broadcast %add3A_312 : i32 to vector<16xi32>
        %gather3A_314 = tpu.vector_load_idx %arg8[%broadcast_in_dim3A_313, %get3A_3] : memref<50x128xf32, #tpu.memory_space<vmem>>[vector<16xi32>, vector<16xi32>], vector<16xf32>,
        %gather3A_315 = tpu.vector_load_idx %arg8[%broadcast_in_dim3A_313, %get3A_5] : memref<50x128xf32, #tpu.memory_space<vmem>>[vector<16xi32>, vector<16xi32>], vector<16xf32>,
        %gather3A_316 = tpu.vector_load_idx %arg8[%broadcast_in_dim3A_313, %get3A_7] : memref<50x128xf32, #tpu.memory_space<vmem>>[vector<16xi32>, vector<16xi32>], vector<16xf32>,
        %gather3A_317 = tpu.vector_load_idx %arg8[%broadcast_in_dim3A_313, %get3A_9] : memref<50x128xf32, #tpu.memory_space<vmem>>[vector<16xi32>, vector<16xi32>], vector<16xf32>,
        %gather3A_318 = tpu.vector_load_idx %arg8[%broadcast_in_dim3A_313, %get3A_11] : memref<50x128xf32, #tpu.memory_space<vmem>>[vector<16xi32>, vector<16xi32>], vector<16xf32>,
        %gather3A_319 = tpu.vector_load_idx %arg8[%broadcast_in_dim3A_313, %get3A_13] : memref<50x128xf32, #tpu.memory_space<vmem>>[vector<16xi32>, vector<16xi32>], vector<16xf32>,
        %gather3A_320 = tpu.vector_load_idx %arg8[%broadcast_in_dim3A_313, %get3A_15] : memref<50x128xf32, #tpu.memory_space<vmem>>[vector<16xi32>, vector<16xi32>], vector<16xf32>,
        %gather3A_321 = tpu.vector_load_idx %arg8[%broadcast_in_dim3A_313, %get3A_17] : memref<50x128xf32, #tpu.memory_space<vmem>>[vector<16xi32>, vector<16xi32>], vector<16xf32>,
        %mul3A_322 = arith.constant 5 : i32
        %mul3A_323 = arith.muli %scan3A_258, %mul3A_322 : i32
        %add3A_324 = arith.constant 0 : i32
        %add3A_325 = arith.addi %mul3A_323, %add3A_324 : i32
        %swap3A = arith.index_cast %add3A_325 : i32 to index
        %swap3A_326 = arith.constant 0 : index
        %swap3A_327 = tpu.vector_load %arg12[%swap3A, %swap3A_326] {strides = array<i32>} : memref<50x128xf32, #tpu.memory_space<vmem>>, vector<16xf32>,
        tpu.vector_store %arg12[%swap3A, %swap3A_326], %gather3A {strides = array<i32>} : memref<50x128xf32, #tpu.memory_space<vmem>>, vector<16xf32>,
        %swap3A_328 = arith.index_cast %add3A_325 : i32 to index
        %swap3A_329 = arith.constant 16 : index
        %swap3A_330 = tpu.vector_load %arg12[%swap3A_328, %swap3A_329] {strides = array<i32>} : memref<50x128xf32, #tpu.memory_space<vmem>>, vector<16xf32>,
        tpu.vector_store %arg12[%swap3A_328, %swap3A_329], %gather3A_263 {strides = array<i32>} : memref<50x128xf32, #tpu.memory_space<vmem>>, vector<16xf32>,
        %swap3A_331 = arith.index_cast %add3A_325 : i32 to index
        %swap3A_332 = arith.constant 32 : index
        %swap3A_333 = tpu.vector_load %arg12[%swap3A_331, %swap3A_332] {strides = array<i32>} : memref<50x128xf32, #tpu.memory_space<vmem>>, vector<16xf32>,
        tpu.vector_store %arg12[%swap3A_331, %swap3A_332], %gather3A_264 {strides = array<i32>} : memref<50x128xf32, #tpu.memory_space<vmem>>, vector<16xf32>,
        %swap3A_334 = arith.index_cast %add3A_325 : i32 to index
        %swap3A_335 = arith.constant 48 : index
        %swap3A_336 = tpu.vector_load %arg12[%swap3A_334, %swap3A_335] {strides = array<i32>} : memref<50x128xf32, #tpu.memory_space<vmem>>, vector<16xf32>,
        tpu.vector_store %arg12[%swap3A_334, %swap3A_335], %gather3A_265 {strides = array<i32>} : memref<50x128xf32, #tpu.memory_space<vmem>>, vector<16xf32>,
        %swap3A_337 = arith.index_cast %add3A_325 : i32 to index
        %swap3A_338 = arith.constant 64 : index
        %swap3A_339 = tpu.vector_load %arg12[%swap3A_337, %swap3A_338] {strides = array<i32>} : memref<50x128xf32, #tpu.memory_space<vmem>>, vector<16xf32>,
        tpu.vector_store %arg12[%swap3A_337, %swap3A_338], %gather3A_266 {strides = array<i32>} : memref<50x128xf32, #tpu.memory_space<vmem>>, vector<16xf32>,
        %swap3A_340 = arith.index_cast %add3A_325 : i32 to index
        %swap3A_341 = arith.constant 80 : index
        %swap3A_342 = tpu.vector_load %arg12[%swap3A_340, %swap3A_341] {strides = array<i32>} : memref<50x128xf32, #tpu.memory_space<vmem>>, vector<16xf32>,
        tpu.vector_store %arg12[%swap3A_340, %swap3A_341], %gather3A_267 {strides = array<i32>} : memref<50x128xf32, #tpu.memory_space<vmem>>, vector<16xf32>,
        %swap3A_343 = arith.index_cast %add3A_325 : i32 to index
        %swap3A_344 = arith.constant 96 : index
        %swap3A_345 = tpu.vector_load %arg12[%swap3A_343, %swap3A_344] {strides = array<i32>} : memref<50x128xf32, #tpu.memory_space<vmem>>, vector<16xf32>,
        tpu.vector_store %arg12[%swap3A_343, %swap3A_344], %gather3A_268 {strides = array<i32>} : memref<50x128xf32, #tpu.memory_space<vmem>>, vector<16xf32>,
        %swap3A_346 = arith.index_cast %add3A_325 : i32 to index
        %swap3A_347 = arith.constant 112 : index
        %swap3A_348 = tpu.vector_load %arg12[%swap3A_346, %swap3A_347] {strides = array<i32>} : memref<50x128xf32, #tpu.memory_space<vmem>>, vector<16xf32>,
        tpu.vector_store %arg12[%swap3A_346, %swap3A_347], %gather3A_269 {strides = array<i32>} : memref<50x128xf32, #tpu.memory_space<vmem>>, vector<16xf32>,
        %mul3A_349 = arith.constant 5 : i32
        %mul3A_350 = arith.muli %scan3A_258, %mul3A_349 : i32
        %add3A_351 = arith.constant 1 : i32
        %add3A_352 = arith.addi %mul3A_350, %add3A_351 : i32
        %swap3A_353 = arith.index_cast %add3A_352 : i32 to index
        %swap3A_354 = arith.constant 0 : index
        %swap3A_355 = tpu.vector_load %arg12[%swap3A_353, %swap3A_354] {strides = array<i32>} : memref<50x128xf32, #tpu.memory_space<vmem>>, vector<16xf32>,
        tpu.vector_store %arg12[%swap3A_353, %swap3A_354], %gather3A_275 {strides = array<i32>} : memref<50x128xf32, #tpu.memory_space<vmem>>, vector<16xf32>,
        %swap3A_356 = arith.index_cast %add3A_352 : i32 to index
        %swap3A_357 = arith.constant 16 : index
        %swap3A_358 = tpu.vector_load %arg12[%swap3A_356, %swap3A_357] {strides = array<i32>} : memref<50x128xf32, #tpu.memory_space<vmem>>, vector<16xf32>,
        tpu.vector_store %arg12[%swap3A_356, %swap3A_357], %gather3A_276 {strides = array<i32>} : memref<50x128xf32, #tpu.memory_space<vmem>>, vector<16xf32>,
        %swap3A_359 = arith.index_cast %add3A_352 : i32 to index
        %swap3A_360 = arith.constant 32 : index
        %swap3A_361 = tpu.vector_load %arg12[%swap3A_359, %swap3A_360] {strides = array<i32>} : memref<50x128xf32, #tpu.memory_space<vmem>>, vector<16xf32>,
        tpu.vector_store %arg12[%swap3A_359, %swap3A_360], %gather3A_277 {strides = array<i32>} : memref<50x128xf32, #tpu.memory_space<vmem>>, vector<16xf32>,
        %swap3A_362 = arith.index_cast %add3A_352 : i32 to index
        %swap3A_363 = arith.constant 48 : index
        %swap3A_364 = tpu.vector_load %arg12[%swap3A_362, %swap3A_363] {strides = array<i32>} : memref<50x128xf32, #tpu.memory_space<vmem>>, vector<16xf32>,
        tpu.vector_store %arg12[%swap3A_362, %swap3A_363], %gather3A_278 {strides = array<i32>} : memref<50x128xf32, #tpu.memory_space<vmem>>, vector<16xf32>,
        %swap3A_365 = arith.index_cast %add3A_352 : i32 to index
        %swap3A_366 = arith.constant 64 : index
        %swap3A_367 = tpu.vector_load %arg12[%swap3A_365, %swap3A_366] {strides = array<i32>} : memref<50x128xf32, #tpu.memory_space<vmem>>, vector<16xf32>,
        tpu.vector_store %arg12[%swap3A_365, %swap3A_366], %gather3A_279 {strides = array<i32>} : memref<50x128xf32, #tpu.memory_space<vmem>>, vector<16xf32>,
        %swap3A_368 = arith.index_cast %add3A_352 : i32 to index
        %swap3A_369 = arith.constant 80 : index
        %swap3A_370 = tpu.vector_load %arg12[%swap3A_368, %swap3A_369] {strides = array<i32>} : memref<50x128xf32, #tpu.memory_space<vmem>>, vector<16xf32>,
        tpu.vector_store %arg12[%swap3A_368, %swap3A_369], %gather3A_280 {strides = array<i32>} : memref<50x128xf32, #tpu.memory_space<vmem>>, vector<16xf32>,
        %swap3A_371 = arith.index_cast %add3A_352 : i32 to index
        %swap3A_372 = arith.constant 96 : index
        %swap3A_373 = tpu.vector_load %arg12[%swap3A_371, %swap3A_372] {strides = array<i32>} : memref<50x128xf32, #tpu.memory_space<vmem>>, vector<16xf32>,
        tpu.vector_store %arg12[%swap3A_371, %swap3A_372], %gather3A_281 {strides = array<i32>} : memref<50x128xf32, #tpu.memory_space<vmem>>, vector<16xf32>,
        %swap3A_374 = arith.index_cast %add3A_352 : i32 to index
        %swap3A_375 = arith.constant 112 : index
        %swap3A_376 = tpu.vector_load %arg12[%swap3A_374, %swap3A_375] {strides = array<i32>} : memref<50x128xf32, #tpu.memory_space<vmem>>, vector<16xf32>,
        tpu.vector_store %arg12[%swap3A_374, %swap3A_375], %gather3A_282 {strides = array<i32>} : memref<50x128xf32, #tpu.memory_space<vmem>>, vector<16xf32>,
        %mul3A_377 = arith.constant 5 : i32
        %mul3A_378 = arith.muli %scan3A_258, %mul3A_377 : i32
        %add3A_379 = arith.constant 2 : i32
        %add3A_380 = arith.addi %mul3A_378, %add3A_379 : i32
        %swap3A_381 = arith.index_cast %add3A_380 : i32 to index
        %swap3A_382 = arith.constant 0 : index
        %swap3A_383 = tpu.vector_load %arg12[%swap3A_381, %swap3A_382] {strides = array<i32>} : memref<50x128xf32, #tpu.memory_space<vmem>>, vector<16xf32>,
        tpu.vector_store %arg12[%swap3A_381, %swap3A_382], %gather3A_288 {strides = array<i32>} : memref<50x128xf32, #tpu.memory_space<vmem>>, vector<16xf32>,
        %swap3A_384 = arith.index_cast %add3A_380 : i32 to index
        %swap3A_385 = arith.constant 16 : index
        %swap3A_386 = tpu.vector_load %arg12[%swap3A_384, %swap3A_385] {strides = array<i32>} : memref<50x128xf32, #tpu.memory_space<vmem>>, vector<16xf32>,
        tpu.vector_store %arg12[%swap3A_384, %swap3A_385], %gather3A_289 {strides = array<i32>} : memref<50x128xf32, #tpu.memory_space<vmem>>, vector<16xf32>,
        %swap3A_387 = arith.index_cast %add3A_380 : i32 to index
        %swap3A_388 = arith.constant 32 : index
        %swap3A_389 = tpu.vector_load %arg12[%swap3A_387, %swap3A_388] {strides = array<i32>} : memref<50x128xf32, #tpu.memory_space<vmem>>, vector<16xf32>,
        tpu.vector_store %arg12[%swap3A_387, %swap3A_388], %gather3A_290 {strides = array<i32>} : memref<50x128xf32, #tpu.memory_space<vmem>>, vector<16xf32>,
        %swap3A_390 = arith.index_cast %add3A_380 : i32 to index
        %swap3A_391 = arith.constant 48 : index
        %swap3A_392 = tpu.vector_load %arg12[%swap3A_390, %swap3A_391] {strides = array<i32>} : memref<50x128xf32, #tpu.memory_space<vmem>>, vector<16xf32>,
        tpu.vector_store %arg12[%swap3A_390, %swap3A_391], %gather3A_291 {strides = array<i32>} : memref<50x128xf32, #tpu.memory_space<vmem>>, vector<16xf32>,
        %swap3A_393 = arith.index_cast %add3A_380 : i32 to index
        %swap3A_394 = arith.constant 64 : index
        %swap3A_395 = tpu.vector_load %arg12[%swap3A_393, %swap3A_394] {strides = array<i32>} : memref<50x128xf32, #tpu.memory_space<vmem>>, vector<16xf32>,
        tpu.vector_store %arg12[%swap3A_393, %swap3A_394], %gather3A_292 {strides = array<i32>} : memref<50x128xf32, #tpu.memory_space<vmem>>, vector<16xf32>,
        %swap3A_396 = arith.index_cast %add3A_380 : i32 to index
        %swap3A_397 = arith.constant 80 : index
        %swap3A_398 = tpu.vector_load %arg12[%swap3A_396, %swap3A_397] {strides = array<i32>} : memref<50x128xf32, #tpu.memory_space<vmem>>, vector<16xf32>,
        tpu.vector_store %arg12[%swap3A_396, %swap3A_397], %gather3A_293 {strides = array<i32>} : memref<50x128xf32, #tpu.memory_space<vmem>>, vector<16xf32>,
        %swap3A_399 = arith.index_cast %add3A_380 : i32 to index
        %swap3A_400 = arith.constant 96 : index
        %swap3A_401 = tpu.vector_load %arg12[%swap3A_399, %swap3A_400] {strides = array<i32>} : memref<50x128xf32, #tpu.memory_space<vmem>>, vector<16xf32>,
        tpu.vector_store %arg12[%swap3A_399, %swap3A_400], %gather3A_294 {strides = array<i32>} : memref<50x128xf32, #tpu.memory_space<vmem>>, vector<16xf32>,
        %swap3A_402 = arith.index_cast %add3A_380 : i32 to index
        %swap3A_403 = arith.constant 112 : index
        %swap3A_404 = tpu.vector_load %arg12[%swap3A_402, %swap3A_403] {strides = array<i32>} : memref<50x128xf32, #tpu.memory_space<vmem>>, vector<16xf32>,
        tpu.vector_store %arg12[%swap3A_402, %swap3A_403], %gather3A_295 {strides = array<i32>} : memref<50x128xf32, #tpu.memory_space<vmem>>, vector<16xf32>,
        %mul3A_405 = arith.constant 5 : i32
        %mul3A_406 = arith.muli %scan3A_258, %mul3A_405 : i32
        %add3A_407 = arith.constant 3 : i32
        %add3A_408 = arith.addi %mul3A_406, %add3A_407 : i32
        %swap3A_409 = arith.index_cast %add3A_408 : i32 to index
        %swap3A_410 = arith.constant 0 : index
        %swap3A_411 = tpu.vector_load %arg12[%swap3A_409, %swap3A_410] {strides = array<i32>} : memref<50x128xf32, #tpu.memory_space<vmem>>, vector<16xf32>,
        tpu.vector_store %arg12[%swap3A_409, %swap3A_410], %gather3A_301 {strides = array<i32>} : memref<50x128xf32, #tpu.memory_space<vmem>>, vector<16xf32>,
        %swap3A_412 = arith.index_cast %add3A_408 : i32 to index
        %swap3A_413 = arith.constant 16 : index
        %swap3A_414 = tpu.vector_load %arg12[%swap3A_412, %swap3A_413] {strides = array<i32>} : memref<50x128xf32, #tpu.memory_space<vmem>>, vector<16xf32>,
        tpu.vector_store %arg12[%swap3A_412, %swap3A_413], %gather3A_302 {strides = array<i32>} : memref<50x128xf32, #tpu.memory_space<vmem>>, vector<16xf32>,
        %swap3A_415 = arith.index_cast %add3A_408 : i32 to index
        %swap3A_416 = arith.constant 32 : index
        %swap3A_417 = tpu.vector_load %arg12[%swap3A_415, %swap3A_416] {strides = array<i32>} : memref<50x128xf32, #tpu.memory_space<vmem>>, vector<16xf32>,
        tpu.vector_store %arg12[%swap3A_415, %swap3A_416], %gather3A_303 {strides = array<i32>} : memref<50x128xf32, #tpu.memory_space<vmem>>, vector<16xf32>,
        %swap3A_418 = arith.index_cast %add3A_408 : i32 to index
        %swap3A_419 = arith.constant 48 : index
        %swap3A_420 = tpu.vector_load %arg12[%swap3A_418, %swap3A_419] {strides = array<i32>} : memref<50x128xf32, #tpu.memory_space<vmem>>, vector<16xf32>,
        tpu.vector_store %arg12[%swap3A_418, %swap3A_419], %gather3A_304 {strides = array<i32>} : memref<50x128xf32, #tpu.memory_space<vmem>>, vector<16xf32>,
        %swap3A_421 = arith.index_cast %add3A_408 : i32 to index
        %swap3A_422 = arith.constant 64 : index
        %swap3A_423 = tpu.vector_load %arg12[%swap3A_421, %swap3A_422] {strides = array<i32>} : memref<50x128xf32, #tpu.memory_space<vmem>>, vector<16xf32>,
        tpu.vector_store %arg12[%swap3A_421, %swap3A_422], %gather3A_305 {strides = array<i32>} : memref<50x128xf32, #tpu.memory_space<vmem>>, vector<16xf32>,
        %swap3A_424 = arith.index_cast %add3A_408 : i32 to index
        %swap3A_425 = arith.constant 80 : index
        %swap3A_426 = tpu.vector_load %arg12[%swap3A_424, %swap3A_425] {strides = array<i32>} : memref<50x128xf32, #tpu.memory_space<vmem>>, vector<16xf32>,
        tpu.vector_store %arg12[%swap3A_424, %swap3A_425], %gather3A_306 {strides = array<i32>} : memref<50x128xf32, #tpu.memory_space<vmem>>, vector<16xf32>,
        %swap3A_427 = arith.index_cast %add3A_408 : i32 to index
        %swap3A_428 = arith.constant 96 : index
        %swap3A_429 = tpu.vector_load %arg12[%swap3A_427, %swap3A_428] {strides = array<i32>} : memref<50x128xf32, #tpu.memory_space<vmem>>, vector<16xf32>,
        tpu.vector_store %arg12[%swap3A_427, %swap3A_428], %gather3A_307 {strides = array<i32>} : memref<50x128xf32, #tpu.memory_space<vmem>>, vector<16xf32>,
        %swap3A_430 = arith.index_cast %add3A_408 : i32 to index
        %swap3A_431 = arith.constant 112 : index
        %swap3A_432 = tpu.vector_load %arg12[%swap3A_430, %swap3A_431] {strides = array<i32>} : memref<50x128xf32, #tpu.memory_space<vmem>>, vector<16xf32>,
        tpu.vector_store %arg12[%swap3A_430, %swap3A_431], %gather3A_308 {strides = array<i32>} : memref<50x128xf32, #tpu.memory_space<vmem>>, vector<16xf32>,
        %mul3A_433 = arith.constant 5 : i32
        %mul3A_434 = arith.muli %scan3A_258, %mul3A_433 : i32
        %add3A_435 = arith.constant 4 : i32
        %add3A_436 = arith.addi %mul3A_434, %add3A_435 : i32
        %swap3A_437 = arith.index_cast %add3A_436 : i32 to index
        %swap3A_438 = arith.constant 0 : index
        %swap3A_439 = tpu.vector_load %arg12[%swap3A_437, %swap3A_438] {strides = array<i32>} : memref<50x128xf32, #tpu.memory_space<vmem>>, vector<16xf32>,
        tpu.vector_store %arg12[%swap3A_437, %swap3A_438], %gather3A_314 {strides = array<i32>} : memref<50x128xf32, #tpu.memory_space<vmem>>, vector<16xf32>,
        %swap3A_440 = arith.index_cast %add3A_436 : i32 to index
        %swap3A_441 = arith.constant 16 : index
        %swap3A_442 = tpu.vector_load %arg12[%swap3A_440, %swap3A_441] {strides = array<i32>} : memref<50x128xf32, #tpu.memory_space<vmem>>, vector<16xf32>,
        tpu.vector_store %arg12[%swap3A_440, %swap3A_441], %gather3A_315 {strides = array<i32>} : memref<50x128xf32, #tpu.memory_space<vmem>>, vector<16xf32>,
        %swap3A_443 = arith.index_cast %add3A_436 : i32 to index
        %swap3A_444 = arith.constant 32 : index
        %swap3A_445 = tpu.vector_load %arg12[%swap3A_443, %swap3A_444] {strides = array<i32>} : memref<50x128xf32, #tpu.memory_space<vmem>>, vector<16xf32>,
        tpu.vector_store %arg12[%swap3A_443, %swap3A_444], %gather3A_316 {strides = array<i32>} : memref<50x128xf32, #tpu.memory_space<vmem>>, vector<16xf32>,
        %swap3A_446 = arith.index_cast %add3A_436 : i32 to index
        %swap3A_447 = arith.constant 48 : index
        %swap3A_448 = tpu.vector_load %arg12[%swap3A_446, %swap3A_447] {strides = array<i32>} : memref<50x128xf32, #tpu.memory_space<vmem>>, vector<16xf32>,
        tpu.vector_store %arg12[%swap3A_446, %swap3A_447], %gather3A_317 {strides = array<i32>} : memref<50x128xf32, #tpu.memory_space<vmem>>, vector<16xf32>,
        %swap3A_449 = arith.index_cast %add3A_436 : i32 to index
        %swap3A_450 = arith.constant 64 : index
        %swap3A_451 = tpu.vector_load %arg12[%swap3A_449, %swap3A_450] {strides = array<i32>} : memref<50x128xf32, #tpu.memory_space<vmem>>, vector<16xf32>,
        tpu.vector_store %arg12[%swap3A_449, %swap3A_450], %gather3A_318 {strides = array<i32>} : memref<50x128xf32, #tpu.memory_space<vmem>>, vector<16xf32>,
        %swap3A_452 = arith.index_cast %add3A_436 : i32 to index
        %swap3A_453 = arith.constant 80 : index
        %swap3A_454 = tpu.vector_load %arg12[%swap3A_452, %swap3A_453] {strides = array<i32>} : memref<50x128xf32, #tpu.memory_space<vmem>>, vector<16xf32>,
        tpu.vector_store %arg12[%swap3A_452, %swap3A_453], %gather3A_319 {strides = array<i32>} : memref<50x128xf32, #tpu.memory_space<vmem>>, vector<16xf32>,
        %swap3A_455 = arith.index_cast %add3A_436 : i32 to index
        %swap3A_456 = arith.constant 96 : index
        %swap3A_457 = tpu.vector_load %arg12[%swap3A_455, %swap3A_456] {strides = array<i32>} : memref<50x128xf32, #tpu.memory_space<vmem>>, vector<16xf32>,
        tpu.vector_store %arg12[%swap3A_455, %swap3A_456], %gather3A_320 {strides = array<i32>} : memref<50x128xf32, #tpu.memory_space<vmem>>, vector<16xf32>,
        %swap3A_458 = arith.index_cast %add3A_436 : i32 to index
        %swap3A_459 = arith.constant 112 : index
        %swap3A_460 = tpu.vector_load %arg12[%swap3A_458, %swap3A_459] {strides = array<i32>} : memref<50x128xf32, #tpu.memory_space<vmem>>, vector<16xf32>,
        tpu.vector_store %arg12[%swap3A_458, %swap3A_459], %gather3A_321 {strides = array<i32>} : memref<50x128xf32, #tpu.memory_space<vmem>>, vector<16xf32>,
      }
      %scan3A_201 = arith.constant 10 : i32
      %add3A_202 = arith.addi %mul3A_2, %add3A_181 : i32
      %dma_start3A_203 = arith.constant 0 : i32
      %dma_start3A_204 = arith.constant 0 : i32
      %dma_start3A_205 = tpu.memref_slice %arg4[%add3A_202, %dma_start3A_203, %dma_start3A_204] : memref<4096x50x128xf32, #tpu.memory_space<hbm>> -> memref<1x50x128xf32, #tpu.memory_space<hbm>>
      %dma_start3A_206 = tpu.memref_squeeze %dma_start3A_205 : memref<1x50x128xf32, #tpu.memory_space<hbm>> -> memref<50x128xf32, #tpu.memory_space<hbm>>
      %dma_start3A_207 = arith.constant 0 : i32
      %dma_start3A_208 = arith.constant 0 : i32
      %dma_start3A_209 = tpu.memref_slice %arg4[%add3A_202, %dma_start3A_207, %dma_start3A_208] : memref<4096x50x128xf32, #tpu.memory_space<hbm>> -> memref<1x50x128xf32, #tpu.memory_space<hbm>>
      %dma_start3A_210 = tpu.memref_squeeze %dma_start3A_209 : memref<1x50x128xf32, #tpu.memory_space<hbm>> -> memref<50x128xf32, #tpu.memory_space<hbm>>
      tpu.enqueue_dma source(%arg12 : memref<50x128xf32, #tpu.memory_space<vmem>>) target(%dma_start3A_210 : memref<50x128xf32, #tpu.memory_space<hbm>>) target_semaphore(%arg20 : memref<!tpu.dma_semaphore, #tpu.memory_space<semaphore_mem>>)
      %add3A_211 = arith.constant 1 : i32
      %add3A_212 = arith.addi %scan3A_101, %add3A_211 : i32
      %lt3A_213 = arith.constant 32 : i32
      %lt3A_214 = arith.cmpi slt, %add3A_212, %lt3A_213 : i32
      %convert_element_type3A_215 = arith.extui %lt3A_214 : i1 to i32
      %cond3A_216 = arith.constant 0 : i32
      %cond3A_217 = arith.cmpi ne, %convert_element_type3A_215, %cond3A_216 : i32
      scf.if %cond3A_217 {
        %add3A_258 = arith.constant 4 : i32
        %add3A_259 = arith.addi %add3A_181, %add3A_258 : i32
        %add3A_260 = arith.addi %mul3A_2, %add3A_259 : i32
        %dma_start3A_261 = arith.constant 0 : i32
        %dma_start3A_262 = arith.constant 0 : i32
        %dma_start3A_263 = tpu.memref_slice %arg2[%add3A_260, %dma_start3A_261, %dma_start3A_262] : memref<4096x50x128xf32, #tpu.memory_space<hbm>> -> memref<1x50x128xf32, #tpu.memory_space<hbm>>
        %dma_start3A_264 = tpu.memref_squeeze %dma_start3A_263 : memref<1x50x128xf32, #tpu.memory_space<hbm>> -> memref<50x128xf32, #tpu.memory_space<hbm>>
        %dma_start3A_265 = arith.constant 0 : i32
        %dma_start3A_266 = arith.constant 0 : i32
        %dma_start3A_267 = tpu.memref_slice %arg2[%add3A_260, %dma_start3A_265, %dma_start3A_266] : memref<4096x50x128xf32, #tpu.memory_space<hbm>> -> memref<1x50x128xf32, #tpu.memory_space<hbm>>
        %dma_start3A_268 = tpu.memref_squeeze %dma_start3A_267 : memref<1x50x128xf32, #tpu.memory_space<hbm>> -> memref<50x128xf32, #tpu.memory_space<hbm>>
        tpu.enqueue_dma source(%dma_start3A_268 : memref<50x128xf32, #tpu.memory_space<hbm>>) target(%arg8 : memref<50x128xf32, #tpu.memory_space<vmem>>) target_semaphore(%arg16 : memref<!tpu.dma_semaphore, #tpu.memory_space<semaphore_mem>>)
      } else {
      }
      %mul3A_218 = arith.constant 4 : i32
      %mul3A_219 = arith.muli %scan3A_101, %mul3A_218 : i32
      %add3A_220 = arith.constant 3 : i32
      %add3A_221 = arith.addi %mul3A_219, %add3A_220 : i32
      %add3A_222 = arith.addi %mul3A_2, %add3A_221 : i32
      %dma_wait3A_223 = arith.constant 0 : i32
      %dma_wait3A_224 = arith.constant 0 : i32
      %dma_wait3A_225 = tpu.memref_slice %arg2[%add3A_222, %dma_wait3A_223, %dma_wait3A_224] : memref<4096x50x128xf32, #tpu.memory_space<hbm>> -> memref<1x50x128xf32, #tpu.memory_space<hbm>>
      %dma_wait3A_226 = tpu.memref_squeeze %dma_wait3A_225 : memref<1x50x128xf32, #tpu.memory_space<hbm>> -> memref<50x128xf32, #tpu.memory_space<hbm>>
      %dma_wait3A_227 = arith.constant 0 : i32
      %dma_wait3A_228 = arith.constant 0 : i32
      %dma_wait3A_229 = tpu.memref_slice %arg2[%add3A_222, %dma_wait3A_227, %dma_wait3A_228] : memref<4096x50x128xf32, #tpu.memory_space<hbm>> -> memref<1x50x128xf32, #tpu.memory_space<hbm>>
      %dma_wait3A_230 = tpu.memref_squeeze %dma_wait3A_229 : memref<1x50x128xf32, #tpu.memory_space<hbm>> -> memref<50x128xf32, #tpu.memory_space<hbm>>
      tpu.wait_dma2 semaphore(%arg17 : memref<!tpu.dma_semaphore, #tpu.memory_space<semaphore_mem>>) src(%dma_wait3A_230 : memref<50x128xf32, #tpu.memory_space<hbm>>) dst(%arg9 : memref<50x128xf32, #tpu.memory_space<vmem>>)
      %gt3A_231 = arith.constant 0 : i32
      %gt3A_232 = arith.cmpi sgt, %scan3A_101, %gt3A_231 : i32
      %convert_element_type3A_233 = arith.extui %gt3A_232 : i1 to i32
      %cond3A_234 = arith.constant 0 : i32
      %cond3A_235 = arith.cmpi ne, %convert_element_type3A_233, %cond3A_234 : i32
      scf.if %cond3A_235 {
        %sub3A = arith.constant 4 : i32
        %sub3A_258 = arith.subi %add3A_221, %sub3A : i32
        %add3A_259 = arith.addi %mul3A_2, %sub3A_258 : i32
        %dma_wait3A_260 = arith.constant 0 : i32
        %dma_wait3A_261 = arith.constant 0 : i32
        %dma_wait3A_262 = tpu.memref_slice %arg4[%add3A_259, %dma_wait3A_260, %dma_wait3A_261] : memref<4096x50x128xf32, #tpu.memory_space<hbm>> -> memref<1x50x128xf32, #tpu.memory_space<hbm>>
        %dma_wait3A_263 = tpu.memref_squeeze %dma_wait3A_262 : memref<1x50x128xf32, #tpu.memory_space<hbm>> -> memref<50x128xf32, #tpu.memory_space<hbm>>
        %dma_wait3A_264 = arith.constant 0 : i32
        %dma_wait3A_265 = arith.constant 0 : i32
        %dma_wait3A_266 = tpu.memref_slice %arg4[%add3A_259, %dma_wait3A_264, %dma_wait3A_265] : memref<4096x50x128xf32, #tpu.memory_space<hbm>> -> memref<1x50x128xf32, #tpu.memory_space<hbm>>
        %dma_wait3A_267 = tpu.memref_squeeze %dma_wait3A_266 : memref<1x50x128xf32, #tpu.memory_space<hbm>> -> memref<50x128xf32, #tpu.memory_space<hbm>>
        tpu.wait_dma2 semaphore(%arg21 : memref<!tpu.dma_semaphore, #tpu.memory_space<semaphore_mem>>) src(%arg13 : memref<50x128xf32, #tpu.memory_space<vmem>>) dst(%dma_wait3A_267 : memref<50x128xf32, #tpu.memory_space<hbm>>)
      } else {
      }
      %scan3A_236 = arith.constant 0 : i32
      %scan3A_237 = arith.constant 0 : i32
      %scan3A_238 = arith.constant 10 : i32
      %scan3A_239 = arith.addi %scan3A_237, %scan3A_238 : i32
      %scan3A_240 = arith.constant 1 : i32
      scf.for %scan3A_258 = %scan3A_237 to %scan3A_239 step %scan3A_240  : i32 {
        %mul3A_259 = arith.constant 5 : i32
        %mul3A_260 = arith.muli %scan3A_258, %mul3A_259 : i32
        %add3A_261 = arith.constant 0 : i32
        %add3A_262 = arith.addi %mul3A_260, %add3A_261 : i32
        %broadcast_in_dim3A = vector.broadcast %add3A_262 : i32 to vector<16xi32>
        %gather3A = tpu.vector_load_idx %arg9[%broadcast_in_dim3A, %get3A_3] : memref<50x128xf32, #tpu.memory_space<vmem>>[vector<16xi32>, vector<16xi32>], vector<16xf32>,
        %gather3A_263 = tpu.vector_load_idx %arg9[%broadcast_in_dim3A, %get3A_5] : memref<50x128xf32, #tpu.memory_space<vmem>>[vector<16xi32>, vector<16xi32>], vector<16xf32>,
        %gather3A_264 = tpu.vector_load_idx %arg9[%broadcast_in_dim3A, %get3A_7] : memref<50x128xf32, #tpu.memory_space<vmem>>[vector<16xi32>, vector<16xi32>], vector<16xf32>,
        %gather3A_265 = tpu.vector_load_idx %arg9[%broadcast_in_dim3A, %get3A_9] : memref<50x128xf32, #tpu.memory_space<vmem>>[vector<16xi32>, vector<16xi32>], vector<16xf32>,
        %gather3A_266 = tpu.vector_load_idx %arg9[%broadcast_in_dim3A, %get3A_11] : memref<50x128xf32, #tpu.memory_space<vmem>>[vector<16xi32>, vector<16xi32>], vector<16xf32>,
        %gather3A_267 = tpu.vector_load_idx %arg9[%broadcast_in_dim3A, %get3A_13] : memref<50x128xf32, #tpu.memory_space<vmem>>[vector<16xi32>, vector<16xi32>], vector<16xf32>,
        %gather3A_268 = tpu.vector_load_idx %arg9[%broadcast_in_dim3A, %get3A_15] : memref<50x128xf32, #tpu.memory_space<vmem>>[vector<16xi32>, vector<16xi32>], vector<16xf32>,
        %gather3A_269 = tpu.vector_load_idx %arg9[%broadcast_in_dim3A, %get3A_17] : memref<50x128xf32, #tpu.memory_space<vmem>>[vector<16xi32>, vector<16xi32>], vector<16xf32>,
        %mul3A_270 = arith.constant 5 : i32
        %mul3A_271 = arith.muli %scan3A_258, %mul3A_270 : i32
        %add3A_272 = arith.constant 1 : i32
        %add3A_273 = arith.addi %mul3A_271, %add3A_272 : i32
        %broadcast_in_dim3A_274 = vector.broadcast %add3A_273 : i32 to vector<16xi32>
        %gather3A_275 = tpu.vector_load_idx %arg9[%broadcast_in_dim3A_274, %get3A_3] : memref<50x128xf32, #tpu.memory_space<vmem>>[vector<16xi32>, vector<16xi32>], vector<16xf32>,
        %gather3A_276 = tpu.vector_load_idx %arg9[%broadcast_in_dim3A_274, %get3A_5] : memref<50x128xf32, #tpu.memory_space<vmem>>[vector<16xi32>, vector<16xi32>], vector<16xf32>,
        %gather3A_277 = tpu.vector_load_idx %arg9[%broadcast_in_dim3A_274, %get3A_7] : memref<50x128xf32, #tpu.memory_space<vmem>>[vector<16xi32>, vector<16xi32>], vector<16xf32>,
        %gather3A_278 = tpu.vector_load_idx %arg9[%broadcast_in_dim3A_274, %get3A_9] : memref<50x128xf32, #tpu.memory_space<vmem>>[vector<16xi32>, vector<16xi32>], vector<16xf32>,
        %gather3A_279 = tpu.vector_load_idx %arg9[%broadcast_in_dim3A_274, %get3A_11] : memref<50x128xf32, #tpu.memory_space<vmem>>[vector<16xi32>, vector<16xi32>], vector<16xf32>,
        %gather3A_280 = tpu.vector_load_idx %arg9[%broadcast_in_dim3A_274, %get3A_13] : memref<50x128xf32, #tpu.memory_space<vmem>>[vector<16xi32>, vector<16xi32>], vector<16xf32>,
        %gather3A_281 = tpu.vector_load_idx %arg9[%broadcast_in_dim3A_274, %get3A_15] : memref<50x128xf32, #tpu.memory_space<vmem>>[vector<16xi32>, vector<16xi32>], vector<16xf32>,
        %gather3A_282 = tpu.vector_load_idx %arg9[%broadcast_in_dim3A_274, %get3A_17] : memref<50x128xf32, #tpu.memory_space<vmem>>[vector<16xi32>, vector<16xi32>], vector<16xf32>,
        %mul3A_283 = arith.constant 5 : i32
        %mul3A_284 = arith.muli %scan3A_258, %mul3A_283 : i32
        %add3A_285 = arith.constant 2 : i32
        %add3A_286 = arith.addi %mul3A_284, %add3A_285 : i32
        %broadcast_in_dim3A_287 = vector.broadcast %add3A_286 : i32 to vector<16xi32>
        %gather3A_288 = tpu.vector_load_idx %arg9[%broadcast_in_dim3A_287, %get3A_3] : memref<50x128xf32, #tpu.memory_space<vmem>>[vector<16xi32>, vector<16xi32>], vector<16xf32>,
        %gather3A_289 = tpu.vector_load_idx %arg9[%broadcast_in_dim3A_287, %get3A_5] : memref<50x128xf32, #tpu.memory_space<vmem>>[vector<16xi32>, vector<16xi32>], vector<16xf32>,
        %gather3A_290 = tpu.vector_load_idx %arg9[%broadcast_in_dim3A_287, %get3A_7] : memref<50x128xf32, #tpu.memory_space<vmem>>[vector<16xi32>, vector<16xi32>], vector<16xf32>,
        %gather3A_291 = tpu.vector_load_idx %arg9[%broadcast_in_dim3A_287, %get3A_9] : memref<50x128xf32, #tpu.memory_space<vmem>>[vector<16xi32>, vector<16xi32>], vector<16xf32>,
        %gather3A_292 = tpu.vector_load_idx %arg9[%broadcast_in_dim3A_287, %get3A_11] : memref<50x128xf32, #tpu.memory_space<vmem>>[vector<16xi32>, vector<16xi32>], vector<16xf32>,
        %gather3A_293 = tpu.vector_load_idx %arg9[%broadcast_in_dim3A_287, %get3A_13] : memref<50x128xf32, #tpu.memory_space<vmem>>[vector<16xi32>, vector<16xi32>], vector<16xf32>,
        %gather3A_294 = tpu.vector_load_idx %arg9[%broadcast_in_dim3A_287, %get3A_15] : memref<50x128xf32, #tpu.memory_space<vmem>>[vector<16xi32>, vector<16xi32>], vector<16xf32>,
        %gather3A_295 = tpu.vector_load_idx %arg9[%broadcast_in_dim3A_287, %get3A_17] : memref<50x128xf32, #tpu.memory_space<vmem>>[vector<16xi32>, vector<16xi32>], vector<16xf32>,
        %mul3A_296 = arith.constant 5 : i32
        %mul3A_297 = arith.muli %scan3A_258, %mul3A_296 : i32
        %add3A_298 = arith.constant 3 : i32
        %add3A_299 = arith.addi %mul3A_297, %add3A_298 : i32
        %broadcast_in_dim3A_300 = vector.broadcast %add3A_299 : i32 to vector<16xi32>
        %gather3A_301 = tpu.vector_load_idx %arg9[%broadcast_in_dim3A_300, %get3A_3] : memref<50x128xf32, #tpu.memory_space<vmem>>[vector<16xi32>, vector<16xi32>], vector<16xf32>,
        %gather3A_302 = tpu.vector_load_idx %arg9[%broadcast_in_dim3A_300, %get3A_5] : memref<50x128xf32, #tpu.memory_space<vmem>>[vector<16xi32>, vector<16xi32>], vector<16xf32>,
        %gather3A_303 = tpu.vector_load_idx %arg9[%broadcast_in_dim3A_300, %get3A_7] : memref<50x128xf32, #tpu.memory_space<vmem>>[vector<16xi32>, vector<16xi32>], vector<16xf32>,
        %gather3A_304 = tpu.vector_load_idx %arg9[%broadcast_in_dim3A_300, %get3A_9] : memref<50x128xf32, #tpu.memory_space<vmem>>[vector<16xi32>, vector<16xi32>], vector<16xf32>,
        %gather3A_305 = tpu.vector_load_idx %arg9[%broadcast_in_dim3A_300, %get3A_11] : memref<50x128xf32, #tpu.memory_space<vmem>>[vector<16xi32>, vector<16xi32>], vector<16xf32>,
        %gather3A_306 = tpu.vector_load_idx %arg9[%broadcast_in_dim3A_300, %get3A_13] : memref<50x128xf32, #tpu.memory_space<vmem>>[vector<16xi32>, vector<16xi32>], vector<16xf32>,
        %gather3A_307 = tpu.vector_load_idx %arg9[%broadcast_in_dim3A_300, %get3A_15] : memref<50x128xf32, #tpu.memory_space<vmem>>[vector<16xi32>, vector<16xi32>], vector<16xf32>,
        %gather3A_308 = tpu.vector_load_idx %arg9[%broadcast_in_dim3A_300, %get3A_17] : memref<50x128xf32, #tpu.memory_space<vmem>>[vector<16xi32>, vector<16xi32>], vector<16xf32>,
        %mul3A_309 = arith.constant 5 : i32
        %mul3A_310 = arith.muli %scan3A_258, %mul3A_309 : i32
        %add3A_311 = arith.constant 4 : i32
        %add3A_312 = arith.addi %mul3A_310, %add3A_311 : i32
        %broadcast_in_dim3A_313 = vector.broadcast %add3A_312 : i32 to vector<16xi32>
        %gather3A_314 = tpu.vector_load_idx %arg9[%broadcast_in_dim3A_313, %get3A_3] : memref<50x128xf32, #tpu.memory_space<vmem>>[vector<16xi32>, vector<16xi32>], vector<16xf32>,
        %gather3A_315 = tpu.vector_load_idx %arg9[%broadcast_in_dim3A_313, %get3A_5] : memref<50x128xf32, #tpu.memory_space<vmem>>[vector<16xi32>, vector<16xi32>], vector<16xf32>,
        %gather3A_316 = tpu.vector_load_idx %arg9[%broadcast_in_dim3A_313, %get3A_7] : memref<50x128xf32, #tpu.memory_space<vmem>>[vector<16xi32>, vector<16xi32>], vector<16xf32>,
        %gather3A_317 = tpu.vector_load_idx %arg9[%broadcast_in_dim3A_313, %get3A_9] : memref<50x128xf32, #tpu.memory_space<vmem>>[vector<16xi32>, vector<16xi32>], vector<16xf32>,
        %gather3A_318 = tpu.vector_load_idx %arg9[%broadcast_in_dim3A_313, %get3A_11] : memref<50x128xf32, #tpu.memory_space<vmem>>[vector<16xi32>, vector<16xi32>], vector<16xf32>,
        %gather3A_319 = tpu.vector_load_idx %arg9[%broadcast_in_dim3A_313, %get3A_13] : memref<50x128xf32, #tpu.memory_space<vmem>>[vector<16xi32>, vector<16xi32>], vector<16xf32>,
        %gather3A_320 = tpu.vector_load_idx %arg9[%broadcast_in_dim3A_313, %get3A_15] : memref<50x128xf32, #tpu.memory_space<vmem>>[vector<16xi32>, vector<16xi32>], vector<16xf32>,
        %gather3A_321 = tpu.vector_load_idx %arg9[%broadcast_in_dim3A_313, %get3A_17] : memref<50x128xf32, #tpu.memory_space<vmem>>[vector<16xi32>, vector<16xi32>], vector<16xf32>,
        %mul3A_322 = arith.constant 5 : i32
        %mul3A_323 = arith.muli %scan3A_258, %mul3A_322 : i32
        %add3A_324 = arith.constant 0 : i32
        %add3A_325 = arith.addi %mul3A_323, %add3A_324 : i32
        %swap3A = arith.index_cast %add3A_325 : i32 to index
        %swap3A_326 = arith.constant 0 : index
        %swap3A_327 = tpu.vector_load %arg13[%swap3A, %swap3A_326] {strides = array<i32>} : memref<50x128xf32, #tpu.memory_space<vmem>>, vector<16xf32>,
        tpu.vector_store %arg13[%swap3A, %swap3A_326], %gather3A {strides = array<i32>} : memref<50x128xf32, #tpu.memory_space<vmem>>, vector<16xf32>,
        %swap3A_328 = arith.index_cast %add3A_325 : i32 to index
        %swap3A_329 = arith.constant 16 : index
        %swap3A_330 = tpu.vector_load %arg13[%swap3A_328, %swap3A_329] {strides = array<i32>} : memref<50x128xf32, #tpu.memory_space<vmem>>, vector<16xf32>,
        tpu.vector_store %arg13[%swap3A_328, %swap3A_329], %gather3A_263 {strides = array<i32>} : memref<50x128xf32, #tpu.memory_space<vmem>>, vector<16xf32>,
        %swap3A_331 = arith.index_cast %add3A_325 : i32 to index
        %swap3A_332 = arith.constant 32 : index
        %swap3A_333 = tpu.vector_load %arg13[%swap3A_331, %swap3A_332] {strides = array<i32>} : memref<50x128xf32, #tpu.memory_space<vmem>>, vector<16xf32>,
        tpu.vector_store %arg13[%swap3A_331, %swap3A_332], %gather3A_264 {strides = array<i32>} : memref<50x128xf32, #tpu.memory_space<vmem>>, vector<16xf32>,
        %swap3A_334 = arith.index_cast %add3A_325 : i32 to index
        %swap3A_335 = arith.constant 48 : index
        %swap3A_336 = tpu.vector_load %arg13[%swap3A_334, %swap3A_335] {strides = array<i32>} : memref<50x128xf32, #tpu.memory_space<vmem>>, vector<16xf32>,
        tpu.vector_store %arg13[%swap3A_334, %swap3A_335], %gather3A_265 {strides = array<i32>} : memref<50x128xf32, #tpu.memory_space<vmem>>, vector<16xf32>,
        %swap3A_337 = arith.index_cast %add3A_325 : i32 to index
        %swap3A_338 = arith.constant 64 : index
        %swap3A_339 = tpu.vector_load %arg13[%swap3A_337, %swap3A_338] {strides = array<i32>} : memref<50x128xf32, #tpu.memory_space<vmem>>, vector<16xf32>,
        tpu.vector_store %arg13[%swap3A_337, %swap3A_338], %gather3A_266 {strides = array<i32>} : memref<50x128xf32, #tpu.memory_space<vmem>>, vector<16xf32>,
        %swap3A_340 = arith.index_cast %add3A_325 : i32 to index
        %swap3A_341 = arith.constant 80 : index
        %swap3A_342 = tpu.vector_load %arg13[%swap3A_340, %swap3A_341] {strides = array<i32>} : memref<50x128xf32, #tpu.memory_space<vmem>>, vector<16xf32>,
        tpu.vector_store %arg13[%swap3A_340, %swap3A_341], %gather3A_267 {strides = array<i32>} : memref<50x128xf32, #tpu.memory_space<vmem>>, vector<16xf32>,
        %swap3A_343 = arith.index_cast %add3A_325 : i32 to index
        %swap3A_344 = arith.constant 96 : index
        %swap3A_345 = tpu.vector_load %arg13[%swap3A_343, %swap3A_344] {strides = array<i32>} : memref<50x128xf32, #tpu.memory_space<vmem>>, vector<16xf32>,
        tpu.vector_store %arg13[%swap3A_343, %swap3A_344], %gather3A_268 {strides = array<i32>} : memref<50x128xf32, #tpu.memory_space<vmem>>, vector<16xf32>,
        %swap3A_346 = arith.index_cast %add3A_325 : i32 to index
        %swap3A_347 = arith.constant 112 : index
        %swap3A_348 = tpu.vector_load %arg13[%swap3A_346, %swap3A_347] {strides = array<i32>} : memref<50x128xf32, #tpu.memory_space<vmem>>, vector<16xf32>,
        tpu.vector_store %arg13[%swap3A_346, %swap3A_347], %gather3A_269 {strides = array<i32>} : memref<50x128xf32, #tpu.memory_space<vmem>>, vector<16xf32>,
        %mul3A_349 = arith.constant 5 : i32
        %mul3A_350 = arith.muli %scan3A_258, %mul3A_349 : i32
        %add3A_351 = arith.constant 1 : i32
        %add3A_352 = arith.addi %mul3A_350, %add3A_351 : i32
        %swap3A_353 = arith.index_cast %add3A_352 : i32 to index
        %swap3A_354 = arith.constant 0 : index
        %swap3A_355 = tpu.vector_load %arg13[%swap3A_353, %swap3A_354] {strides = array<i32>} : memref<50x128xf32, #tpu.memory_space<vmem>>, vector<16xf32>,
        tpu.vector_store %arg13[%swap3A_353, %swap3A_354], %gather3A_275 {strides = array<i32>} : memref<50x128xf32, #tpu.memory_space<vmem>>, vector<16xf32>,
        %swap3A_356 = arith.index_cast %add3A_352 : i32 to index
        %swap3A_357 = arith.constant 16 : index
        %swap3A_358 = tpu.vector_load %arg13[%swap3A_356, %swap3A_357] {strides = array<i32>} : memref<50x128xf32, #tpu.memory_space<vmem>>, vector<16xf32>,
        tpu.vector_store %arg13[%swap3A_356, %swap3A_357], %gather3A_276 {strides = array<i32>} : memref<50x128xf32, #tpu.memory_space<vmem>>, vector<16xf32>,
        %swap3A_359 = arith.index_cast %add3A_352 : i32 to index
        %swap3A_360 = arith.constant 32 : index
        %swap3A_361 = tpu.vector_load %arg13[%swap3A_359, %swap3A_360] {strides = array<i32>} : memref<50x128xf32, #tpu.memory_space<vmem>>, vector<16xf32>,
        tpu.vector_store %arg13[%swap3A_359, %swap3A_360], %gather3A_277 {strides = array<i32>} : memref<50x128xf32, #tpu.memory_space<vmem>>, vector<16xf32>,
        %swap3A_362 = arith.index_cast %add3A_352 : i32 to index
        %swap3A_363 = arith.constant 48 : index
        %swap3A_364 = tpu.vector_load %arg13[%swap3A_362, %swap3A_363] {strides = array<i32>} : memref<50x128xf32, #tpu.memory_space<vmem>>, vector<16xf32>,
        tpu.vector_store %arg13[%swap3A_362, %swap3A_363], %gather3A_278 {strides = array<i32>} : memref<50x128xf32, #tpu.memory_space<vmem>>, vector<16xf32>,
        %swap3A_365 = arith.index_cast %add3A_352 : i32 to index
        %swap3A_366 = arith.constant 64 : index
        %swap3A_367 = tpu.vector_load %arg13[%swap3A_365, %swap3A_366] {strides = array<i32>} : memref<50x128xf32, #tpu.memory_space<vmem>>, vector<16xf32>,
        tpu.vector_store %arg13[%swap3A_365, %swap3A_366], %gather3A_279 {strides = array<i32>} : memref<50x128xf32, #tpu.memory_space<vmem>>, vector<16xf32>,
        %swap3A_368 = arith.index_cast %add3A_352 : i32 to index
        %swap3A_369 = arith.constant 80 : index
        %swap3A_370 = tpu.vector_load %arg13[%swap3A_368, %swap3A_369] {strides = array<i32>} : memref<50x128xf32, #tpu.memory_space<vmem>>, vector<16xf32>,
        tpu.vector_store %arg13[%swap3A_368, %swap3A_369], %gather3A_280 {strides = array<i32>} : memref<50x128xf32, #tpu.memory_space<vmem>>, vector<16xf32>,
        %swap3A_371 = arith.index_cast %add3A_352 : i32 to index
        %swap3A_372 = arith.constant 96 : index
        %swap3A_373 = tpu.vector_load %arg13[%swap3A_371, %swap3A_372] {strides = array<i32>} : memref<50x128xf32, #tpu.memory_space<vmem>>, vector<16xf32>,
        tpu.vector_store %arg13[%swap3A_371, %swap3A_372], %gather3A_281 {strides = array<i32>} : memref<50x128xf32, #tpu.memory_space<vmem>>, vector<16xf32>,
        %swap3A_374 = arith.index_cast %add3A_352 : i32 to index
        %swap3A_375 = arith.constant 112 : index
        %swap3A_376 = tpu.vector_load %arg13[%swap3A_374, %swap3A_375] {strides = array<i32>} : memref<50x128xf32, #tpu.memory_space<vmem>>, vector<16xf32>,
        tpu.vector_store %arg13[%swap3A_374, %swap3A_375], %gather3A_282 {strides = array<i32>} : memref<50x128xf32, #tpu.memory_space<vmem>>, vector<16xf32>,
        %mul3A_377 = arith.constant 5 : i32
        %mul3A_378 = arith.muli %scan3A_258, %mul3A_377 : i32
        %add3A_379 = arith.constant 2 : i32
        %add3A_380 = arith.addi %mul3A_378, %add3A_379 : i32
        %swap3A_381 = arith.index_cast %add3A_380 : i32 to index
        %swap3A_382 = arith.constant 0 : index
        %swap3A_383 = tpu.vector_load %arg13[%swap3A_381, %swap3A_382] {strides = array<i32>} : memref<50x128xf32, #tpu.memory_space<vmem>>, vector<16xf32>,
        tpu.vector_store %arg13[%swap3A_381, %swap3A_382], %gather3A_288 {strides = array<i32>} : memref<50x128xf32, #tpu.memory_space<vmem>>, vector<16xf32>,
        %swap3A_384 = arith.index_cast %add3A_380 : i32 to index
        %swap3A_385 = arith.constant 16 : index
        %swap3A_386 = tpu.vector_load %arg13[%swap3A_384, %swap3A_385] {strides = array<i32>} : memref<50x128xf32, #tpu.memory_space<vmem>>, vector<16xf32>,
        tpu.vector_store %arg13[%swap3A_384, %swap3A_385], %gather3A_289 {strides = array<i32>} : memref<50x128xf32, #tpu.memory_space<vmem>>, vector<16xf32>,
        %swap3A_387 = arith.index_cast %add3A_380 : i32 to index
        %swap3A_388 = arith.constant 32 : index
        %swap3A_389 = tpu.vector_load %arg13[%swap3A_387, %swap3A_388] {strides = array<i32>} : memref<50x128xf32, #tpu.memory_space<vmem>>, vector<16xf32>,
        tpu.vector_store %arg13[%swap3A_387, %swap3A_388], %gather3A_290 {strides = array<i32>} : memref<50x128xf32, #tpu.memory_space<vmem>>, vector<16xf32>,
        %swap3A_390 = arith.index_cast %add3A_380 : i32 to index
        %swap3A_391 = arith.constant 48 : index
        %swap3A_392 = tpu.vector_load %arg13[%swap3A_390, %swap3A_391] {strides = array<i32>} : memref<50x128xf32, #tpu.memory_space<vmem>>, vector<16xf32>,
        tpu.vector_store %arg13[%swap3A_390, %swap3A_391], %gather3A_291 {strides = array<i32>} : memref<50x128xf32, #tpu.memory_space<vmem>>, vector<16xf32>,
        %swap3A_393 = arith.index_cast %add3A_380 : i32 to index
        %swap3A_394 = arith.constant 64 : index
        %swap3A_395 = tpu.vector_load %arg13[%swap3A_393, %swap3A_394] {strides = array<i32>} : memref<50x128xf32, #tpu.memory_space<vmem>>, vector<16xf32>,
        tpu.vector_store %arg13[%swap3A_393, %swap3A_394], %gather3A_292 {strides = array<i32>} : memref<50x128xf32, #tpu.memory_space<vmem>>, vector<16xf32>,
        %swap3A_396 = arith.index_cast %add3A_380 : i32 to index
        %swap3A_397 = arith.constant 80 : index
        %swap3A_398 = tpu.vector_load %arg13[%swap3A_396, %swap3A_397] {strides = array<i32>} : memref<50x128xf32, #tpu.memory_space<vmem>>, vector<16xf32>,
        tpu.vector_store %arg13[%swap3A_396, %swap3A_397], %gather3A_293 {strides = array<i32>} : memref<50x128xf32, #tpu.memory_space<vmem>>, vector<16xf32>,
        %swap3A_399 = arith.index_cast %add3A_380 : i32 to index
        %swap3A_400 = arith.constant 96 : index
        %swap3A_401 = tpu.vector_load %arg13[%swap3A_399, %swap3A_400] {strides = array<i32>} : memref<50x128xf32, #tpu.memory_space<vmem>>, vector<16xf32>,
        tpu.vector_store %arg13[%swap3A_399, %swap3A_400], %gather3A_294 {strides = array<i32>} : memref<50x128xf32, #tpu.memory_space<vmem>>, vector<16xf32>,
        %swap3A_402 = arith.index_cast %add3A_380 : i32 to index
        %swap3A_403 = arith.constant 112 : index
        %swap3A_404 = tpu.vector_load %arg13[%swap3A_402, %swap3A_403] {strides = array<i32>} : memref<50x128xf32, #tpu.memory_space<vmem>>, vector<16xf32>,
        tpu.vector_store %arg13[%swap3A_402, %swap3A_403], %gather3A_295 {strides = array<i32>} : memref<50x128xf32, #tpu.memory_space<vmem>>, vector<16xf32>,
        %mul3A_405 = arith.constant 5 : i32
        %mul3A_406 = arith.muli %scan3A_258, %mul3A_405 : i32
        %add3A_407 = arith.constant 3 : i32
        %add3A_408 = arith.addi %mul3A_406, %add3A_407 : i32
        %swap3A_409 = arith.index_cast %add3A_408 : i32 to index
        %swap3A_410 = arith.constant 0 : index
        %swap3A_411 = tpu.vector_load %arg13[%swap3A_409, %swap3A_410] {strides = array<i32>} : memref<50x128xf32, #tpu.memory_space<vmem>>, vector<16xf32>,
        tpu.vector_store %arg13[%swap3A_409, %swap3A_410], %gather3A_301 {strides = array<i32>} : memref<50x128xf32, #tpu.memory_space<vmem>>, vector<16xf32>,
        %swap3A_412 = arith.index_cast %add3A_408 : i32 to index
        %swap3A_413 = arith.constant 16 : index
        %swap3A_414 = tpu.vector_load %arg13[%swap3A_412, %swap3A_413] {strides = array<i32>} : memref<50x128xf32, #tpu.memory_space<vmem>>, vector<16xf32>,
        tpu.vector_store %arg13[%swap3A_412, %swap3A_413], %gather3A_302 {strides = array<i32>} : memref<50x128xf32, #tpu.memory_space<vmem>>, vector<16xf32>,
        %swap3A_415 = arith.index_cast %add3A_408 : i32 to index
        %swap3A_416 = arith.constant 32 : index
        %swap3A_417 = tpu.vector_load %arg13[%swap3A_415, %swap3A_416] {strides = array<i32>} : memref<50x128xf32, #tpu.memory_space<vmem>>, vector<16xf32>,
        tpu.vector_store %arg13[%swap3A_415, %swap3A_416], %gather3A_303 {strides = array<i32>} : memref<50x128xf32, #tpu.memory_space<vmem>>, vector<16xf32>,
        %swap3A_418 = arith.index_cast %add3A_408 : i32 to index
        %swap3A_419 = arith.constant 48 : index
        %swap3A_420 = tpu.vector_load %arg13[%swap3A_418, %swap3A_419] {strides = array<i32>} : memref<50x128xf32, #tpu.memory_space<vmem>>, vector<16xf32>,
        tpu.vector_store %arg13[%swap3A_418, %swap3A_419], %gather3A_304 {strides = array<i32>} : memref<50x128xf32, #tpu.memory_space<vmem>>, vector<16xf32>,
        %swap3A_421 = arith.index_cast %add3A_408 : i32 to index
        %swap3A_422 = arith.constant 64 : index
        %swap3A_423 = tpu.vector_load %arg13[%swap3A_421, %swap3A_422] {strides = array<i32>} : memref<50x128xf32, #tpu.memory_space<vmem>>, vector<16xf32>,
        tpu.vector_store %arg13[%swap3A_421, %swap3A_422], %gather3A_305 {strides = array<i32>} : memref<50x128xf32, #tpu.memory_space<vmem>>, vector<16xf32>,
        %swap3A_424 = arith.index_cast %add3A_408 : i32 to index
        %swap3A_425 = arith.constant 80 : index
        %swap3A_426 = tpu.vector_load %arg13[%swap3A_424, %swap3A_425] {strides = array<i32>} : memref<50x128xf32, #tpu.memory_space<vmem>>, vector<16xf32>,
        tpu.vector_store %arg13[%swap3A_424, %swap3A_425], %gather3A_306 {strides = array<i32>} : memref<50x128xf32, #tpu.memory_space<vmem>>, vector<16xf32>,
        %swap3A_427 = arith.index_cast %add3A_408 : i32 to index
        %swap3A_428 = arith.constant 96 : index
        %swap3A_429 = tpu.vector_load %arg13[%swap3A_427, %swap3A_428] {strides = array<i32>} : memref<50x128xf32, #tpu.memory_space<vmem>>, vector<16xf32>,
        tpu.vector_store %arg13[%swap3A_427, %swap3A_428], %gather3A_307 {strides = array<i32>} : memref<50x128xf32, #tpu.memory_space<vmem>>, vector<16xf32>,
        %swap3A_430 = arith.index_cast %add3A_408 : i32 to index
        %swap3A_431 = arith.constant 112 : index
        %swap3A_432 = tpu.vector_load %arg13[%swap3A_430, %swap3A_431] {strides = array<i32>} : memref<50x128xf32, #tpu.memory_space<vmem>>, vector<16xf32>,
        tpu.vector_store %arg13[%swap3A_430, %swap3A_431], %gather3A_308 {strides = array<i32>} : memref<50x128xf32, #tpu.memory_space<vmem>>, vector<16xf32>,
        %mul3A_433 = arith.constant 5 : i32
        %mul3A_434 = arith.muli %scan3A_258, %mul3A_433 : i32
        %add3A_435 = arith.constant 4 : i32
        %add3A_436 = arith.addi %mul3A_434, %add3A_435 : i32
        %swap3A_437 = arith.index_cast %add3A_436 : i32 to index
        %swap3A_438 = arith.constant 0 : index
        %swap3A_439 = tpu.vector_load %arg13[%swap3A_437, %swap3A_438] {strides = array<i32>} : memref<50x128xf32, #tpu.memory_space<vmem>>, vector<16xf32>,
        tpu.vector_store %arg13[%swap3A_437, %swap3A_438], %gather3A_314 {strides = array<i32>} : memref<50x128xf32, #tpu.memory_space<vmem>>, vector<16xf32>,
        %swap3A_440 = arith.index_cast %add3A_436 : i32 to index
        %swap3A_441 = arith.constant 16 : index
        %swap3A_442 = tpu.vector_load %arg13[%swap3A_440, %swap3A_441] {strides = array<i32>} : memref<50x128xf32, #tpu.memory_space<vmem>>, vector<16xf32>,
        tpu.vector_store %arg13[%swap3A_440, %swap3A_441], %gather3A_315 {strides = array<i32>} : memref<50x128xf32, #tpu.memory_space<vmem>>, vector<16xf32>,
        %swap3A_443 = arith.index_cast %add3A_436 : i32 to index
        %swap3A_444 = arith.constant 32 : index
        %swap3A_445 = tpu.vector_load %arg13[%swap3A_443, %swap3A_444] {strides = array<i32>} : memref<50x128xf32, #tpu.memory_space<vmem>>, vector<16xf32>,
        tpu.vector_store %arg13[%swap3A_443, %swap3A_444], %gather3A_316 {strides = array<i32>} : memref<50x128xf32, #tpu.memory_space<vmem>>, vector<16xf32>,
        %swap3A_446 = arith.index_cast %add3A_436 : i32 to index
        %swap3A_447 = arith.constant 48 : index
        %swap3A_448 = tpu.vector_load %arg13[%swap3A_446, %swap3A_447] {strides = array<i32>} : memref<50x128xf32, #tpu.memory_space<vmem>>, vector<16xf32>,
        tpu.vector_store %arg13[%swap3A_446, %swap3A_447], %gather3A_317 {strides = array<i32>} : memref<50x128xf32, #tpu.memory_space<vmem>>, vector<16xf32>,
        %swap3A_449 = arith.index_cast %add3A_436 : i32 to index
        %swap3A_450 = arith.constant 64 : index
        %swap3A_451 = tpu.vector_load %arg13[%swap3A_449, %swap3A_450] {strides = array<i32>} : memref<50x128xf32, #tpu.memory_space<vmem>>, vector<16xf32>,
        tpu.vector_store %arg13[%swap3A_449, %swap3A_450], %gather3A_318 {strides = array<i32>} : memref<50x128xf32, #tpu.memory_space<vmem>>, vector<16xf32>,
        %swap3A_452 = arith.index_cast %add3A_436 : i32 to index
        %swap3A_453 = arith.constant 80 : index
        %swap3A_454 = tpu.vector_load %arg13[%swap3A_452, %swap3A_453] {strides = array<i32>} : memref<50x128xf32, #tpu.memory_space<vmem>>, vector<16xf32>,
        tpu.vector_store %arg13[%swap3A_452, %swap3A_453], %gather3A_319 {strides = array<i32>} : memref<50x128xf32, #tpu.memory_space<vmem>>, vector<16xf32>,
        %swap3A_455 = arith.index_cast %add3A_436 : i32 to index
        %swap3A_456 = arith.constant 96 : index
        %swap3A_457 = tpu.vector_load %arg13[%swap3A_455, %swap3A_456] {strides = array<i32>} : memref<50x128xf32, #tpu.memory_space<vmem>>, vector<16xf32>,
        tpu.vector_store %arg13[%swap3A_455, %swap3A_456], %gather3A_320 {strides = array<i32>} : memref<50x128xf32, #tpu.memory_space<vmem>>, vector<16xf32>,
        %swap3A_458 = arith.index_cast %add3A_436 : i32 to index
        %swap3A_459 = arith.constant 112 : index
        %swap3A_460 = tpu.vector_load %arg13[%swap3A_458, %swap3A_459] {strides = array<i32>} : memref<50x128xf32, #tpu.memory_space<vmem>>, vector<16xf32>,
        tpu.vector_store %arg13[%swap3A_458, %swap3A_459], %gather3A_321 {strides = array<i32>} : memref<50x128xf32, #tpu.memory_space<vmem>>, vector<16xf32>,
      }
      %scan3A_241 = arith.constant 10 : i32
      %add3A_242 = arith.addi %mul3A_2, %add3A_221 : i32
      %dma_start3A_243 = arith.constant 0 : i32
      %dma_start3A_244 = arith.constant 0 : i32
      %dma_start3A_245 = tpu.memref_slice %arg4[%add3A_242, %dma_start3A_243, %dma_start3A_244] : memref<4096x50x128xf32, #tpu.memory_space<hbm>> -> memref<1x50x128xf32, #tpu.memory_space<hbm>>
      %dma_start3A_246 = tpu.memref_squeeze %dma_start3A_245 : memref<1x50x128xf32, #tpu.memory_space<hbm>> -> memref<50x128xf32, #tpu.memory_space<hbm>>
      %dma_start3A_247 = arith.constant 0 : i32
      %dma_start3A_248 = arith.constant 0 : i32
      %dma_start3A_249 = tpu.memref_slice %arg4[%add3A_242, %dma_start3A_247, %dma_start3A_248] : memref<4096x50x128xf32, #tpu.memory_space<hbm>> -> memref<1x50x128xf32, #tpu.memory_space<hbm>>
      %dma_start3A_250 = tpu.memref_squeeze %dma_start3A_249 : memref<1x50x128xf32, #tpu.memory_space<hbm>> -> memref<50x128xf32, #tpu.memory_space<hbm>>
      tpu.enqueue_dma source(%arg13 : memref<50x128xf32, #tpu.memory_space<vmem>>) target(%dma_start3A_250 : memref<50x128xf32, #tpu.memory_space<hbm>>) target_semaphore(%arg21 : memref<!tpu.dma_semaphore, #tpu.memory_space<semaphore_mem>>)
      %add3A_251 = arith.constant 1 : i32
      %add3A_252 = arith.addi %scan3A_101, %add3A_251 : i32
      %lt3A_253 = arith.constant 32 : i32
      %lt3A_254 = arith.cmpi slt, %add3A_252, %lt3A_253 : i32
      %convert_element_type3A_255 = arith.extui %lt3A_254 : i1 to i32
      %cond3A_256 = arith.constant 0 : i32
      %cond3A_257 = arith.cmpi ne, %convert_element_type3A_255, %cond3A_256 : i32
      scf.if %cond3A_257 {
        %add3A_258 = arith.constant 4 : i32
        %add3A_259 = arith.addi %add3A_221, %add3A_258 : i32
        %add3A_260 = arith.addi %mul3A_2, %add3A_259 : i32
        %dma_start3A_261 = arith.constant 0 : i32
        %dma_start3A_262 = arith.constant 0 : i32
        %dma_start3A_263 = tpu.memref_slice %arg2[%add3A_260, %dma_start3A_261, %dma_start3A_262] : memref<4096x50x128xf32, #tpu.memory_space<hbm>> -> memref<1x50x128xf32, #tpu.memory_space<hbm>>
        %dma_start3A_264 = tpu.memref_squeeze %dma_start3A_263 : memref<1x50x128xf32, #tpu.memory_space<hbm>> -> memref<50x128xf32, #tpu.memory_space<hbm>>
        %dma_start3A_265 = arith.constant 0 : i32
        %dma_start3A_266 = arith.constant 0 : i32
        %dma_start3A_267 = tpu.memref_slice %arg2[%add3A_260, %dma_start3A_265, %dma_start3A_266] : memref<4096x50x128xf32, #tpu.memory_space<hbm>> -> memref<1x50x128xf32, #tpu.memory_space<hbm>>
        %dma_start3A_268 = tpu.memref_squeeze %dma_start3A_267 : memref<1x50x128xf32, #tpu.memory_space<hbm>> -> memref<50x128xf32, #tpu.memory_space<hbm>>
        tpu.enqueue_dma source(%dma_start3A_268 : memref<50x128xf32, #tpu.memory_space<hbm>>) target(%arg9 : memref<50x128xf32, #tpu.memory_space<vmem>>) target_semaphore(%arg17 : memref<!tpu.dma_semaphore, #tpu.memory_space<semaphore_mem>>)
      } else {
      }
    }
    %scan3A_61 = arith.constant 32 : i32
    %add3A_62 = arith.constant 124 : i32
    %add3A_63 = arith.addi %mul3A_2, %add3A_62 : i32
    %dma_wait3A = arith.constant 0 : i32
    %dma_wait3A_64 = arith.constant 0 : i32
    %dma_wait3A_65 = tpu.memref_slice %arg4[%add3A_63, %dma_wait3A, %dma_wait3A_64] : memref<4096x50x128xf32, #tpu.memory_space<hbm>> -> memref<1x50x128xf32, #tpu.memory_space<hbm>>
    %dma_wait3A_66 = tpu.memref_squeeze %dma_wait3A_65 : memref<1x50x128xf32, #tpu.memory_space<hbm>> -> memref<50x128xf32, #tpu.memory_space<hbm>>
    %dma_wait3A_67 = arith.constant 0 : i32
    %dma_wait3A_68 = arith.constant 0 : i32
    %dma_wait3A_69 = tpu.memref_slice %arg4[%add3A_63, %dma_wait3A_67, %dma_wait3A_68] : memref<4096x50x128xf32, #tpu.memory_space<hbm>> -> memref<1x50x128xf32, #tpu.memory_space<hbm>>
    %dma_wait3A_70 = tpu.memref_squeeze %dma_wait3A_69 : memref<1x50x128xf32, #tpu.memory_space<hbm>> -> memref<50x128xf32, #tpu.memory_space<hbm>>
    tpu.wait_dma2 semaphore(%arg18 : memref<!tpu.dma_semaphore, #tpu.memory_space<semaphore_mem>>) src(%arg10 : memref<50x128xf32, #tpu.memory_space<vmem>>) dst(%dma_wait3A_70 : memref<50x128xf32, #tpu.memory_space<hbm>>)
    %add3A_71 = arith.constant 125 : i32
    %add3A_72 = arith.addi %mul3A_2, %add3A_71 : i32
    %dma_wait3A_73 = arith.constant 0 : i32
    %dma_wait3A_74 = arith.constant 0 : i32
    %dma_wait3A_75 = tpu.memref_slice %arg4[%add3A_72, %dma_wait3A_73, %dma_wait3A_74] : memref<4096x50x128xf32, #tpu.memory_space<hbm>> -> memref<1x50x128xf32, #tpu.memory_space<hbm>>
    %dma_wait3A_76 = tpu.memref_squeeze %dma_wait3A_75 : memref<1x50x128xf32, #tpu.memory_space<hbm>> -> memref<50x128xf32, #tpu.memory_space<hbm>>
    %dma_wait3A_77 = arith.constant 0 : i32
    %dma_wait3A_78 = arith.constant 0 : i32
    %dma_wait3A_79 = tpu.memref_slice %arg4[%add3A_72, %dma_wait3A_77, %dma_wait3A_78] : memref<4096x50x128xf32, #tpu.memory_space<hbm>> -> memref<1x50x128xf32, #tpu.memory_space<hbm>>
    %dma_wait3A_80 = tpu.memref_squeeze %dma_wait3A_79 : memref<1x50x128xf32, #tpu.memory_space<hbm>> -> memref<50x128xf32, #tpu.memory_space<hbm>>
    tpu.wait_dma2 semaphore(%arg19 : memref<!tpu.dma_semaphore, #tpu.memory_space<semaphore_mem>>) src(%arg11 : memref<50x128xf32, #tpu.memory_space<vmem>>) dst(%dma_wait3A_80 : memref<50x128xf32, #tpu.memory_space<hbm>>)
    %add3A_81 = arith.constant 126 : i32
    %add3A_82 = arith.addi %mul3A_2, %add3A_81 : i32
    %dma_wait3A_83 = arith.constant 0 : i32
    %dma_wait3A_84 = arith.constant 0 : i32
    %dma_wait3A_85 = tpu.memref_slice %arg4[%add3A_82, %dma_wait3A_83, %dma_wait3A_84] : memref<4096x50x128xf32, #tpu.memory_space<hbm>> -> memref<1x50x128xf32, #tpu.memory_space<hbm>>
    %dma_wait3A_86 = tpu.memref_squeeze %dma_wait3A_85 : memref<1x50x128xf32, #tpu.memory_space<hbm>> -> memref<50x128xf32, #tpu.memory_space<hbm>>
    %dma_wait3A_87 = arith.constant 0 : i32
    %dma_wait3A_88 = arith.constant 0 : i32
    %dma_wait3A_89 = tpu.memref_slice %arg4[%add3A_82, %dma_wait3A_87, %dma_wait3A_88] : memref<4096x50x128xf32, #tpu.memory_space<hbm>> -> memref<1x50x128xf32, #tpu.memory_space<hbm>>
    %dma_wait3A_90 = tpu.memref_squeeze %dma_wait3A_89 : memref<1x50x128xf32, #tpu.memory_space<hbm>> -> memref<50x128xf32, #tpu.memory_space<hbm>>
    tpu.wait_dma2 semaphore(%arg20 : memref<!tpu.dma_semaphore, #tpu.memory_space<semaphore_mem>>) src(%arg12 : memref<50x128xf32, #tpu.memory_space<vmem>>) dst(%dma_wait3A_90 : memref<50x128xf32, #tpu.memory_space<hbm>>)
    %add3A_91 = arith.constant 127 : i32
    %add3A_92 = arith.addi %mul3A_2, %add3A_91 : i32
    %dma_wait3A_93 = arith.constant 0 : i32
    %dma_wait3A_94 = arith.constant 0 : i32
    %dma_wait3A_95 = tpu.memref_slice %arg4[%add3A_92, %dma_wait3A_93, %dma_wait3A_94] : memref<4096x50x128xf32, #tpu.memory_space<hbm>> -> memref<1x50x128xf32, #tpu.memory_space<hbm>>
    %dma_wait3A_96 = tpu.memref_squeeze %dma_wait3A_95 : memref<1x50x128xf32, #tpu.memory_space<hbm>> -> memref<50x128xf32, #tpu.memory_space<hbm>>
    %dma_wait3A_97 = arith.constant 0 : i32
    %dma_wait3A_98 = arith.constant 0 : i32
    %dma_wait3A_99 = tpu.memref_slice %arg4[%add3A_92, %dma_wait3A_97, %dma_wait3A_98] : memref<4096x50x128xf32, #tpu.memory_space<hbm>> -> memref<1x50x128xf32, #tpu.memory_space<hbm>>
    %dma_wait3A_100 = tpu.memref_squeeze %dma_wait3A_99 : memref<1x50x128xf32, #tpu.memory_space<hbm>> -> memref<50x128xf32, #tpu.memory_space<hbm>>
    tpu.wait_dma2 semaphore(%arg21 : memref<!tpu.dma_semaphore, #tpu.memory_space<semaphore_mem>>) src(%arg13 : memref<50x128xf32, #tpu.memory_space<vmem>>) dst(%dma_wait3A_100 : memref<50x128xf32, #tpu.memory_space<hbm>>)
    return
  }
}

</mosaic_0001>

<sc_bundles>
// kernel: _sc_permute.3.cloned.1.call-start
scs
__scs_entry_jumppad:
0x0: {  	(pc) =	sbr.rel $0x88, $3  }
0x1: {  	(tag) =	ssettag $0x0;
	lr =	simm.s32 $0x1  }
0x2: {  	[smem:$0x3F9F] =	sst lr;
	_ =	strace $0xD0000000  }
0x3: {  	_ = 	snop  }
0x4: {  	_ = 	snop  }
0x5: {  	_ = 	snop  }
0x6: {  	_ = 	snop  }
0x7: {  	_ = 	snop  }
__scs_overlays_trampoline_lowered:
0x8: {  	[smem:$0x3FAE] =	sst s0  }
0x9: {  	[smem:$0x3FAF] =	sst s1  }
0xa: {  	[smem:$0x3FB0] =	sst s2  }
0xb: {  	[smem:$0x3FB1] =	sst s3  }
0xc: {  	[smem:$0x3FB2] =	sst s4  }
0xd: {  	[smem:$0x3FB3] =	sst s5  }
0xe: {  	[smem:$0x3FB4] =	sst s6  }
0xf: {  	[smem:$0x3FB5] =	sst s7  }
0x10: {  	[smem:$0x3FB6] =	sst s8  }
0x11: {  	[smem:$0x3FB7] =	sst s9;
	s0 =	simm.s32 @!p0 $0x0  }
0x12: {  	s1 =	sld [smem:$0x3F9D];
	s0 =	simm.s32 @p0 $0x1  }
0x13: {  	[smem:$0x3FB8] =	sst s0;
	s0 =	simm.s32 @!p1 $0x0  }
0x14: {  	s2 =	sld [smem:$0x3F9C];
	s0 =	simm.s32 @p1 $0x1  }
0x15: {  	[smem:$0x3FB9] =	sst s0;
	s0 =	simm.s32 @!p2 $0x0  }
0x16: {  	s3 =	sld [smem:$0x3FDB];
	s0 =	simm.s32 @p2 $0x1  }
0x17: {  	s4 =	simm.s32 $0x1BF5;
	[smem:$0x3FBB] =	sst s0  }
0x18: {  	s0 =	sld [smem:$0x3F9E];
	_ =	swait.ge [sflag:s4], $0x0  }
0x19: {  	s7 =	sld [smem:$0x3F9F]  }
0x1a: {  	s8 =	sadd.s32 $0xFFFFE003, lr  }
0x1b: {  	s9 =	sadd.s32 $0xFFFFFEF7, lr;
	s5 =	simm.s32 $0xFFFFFFFF;
	p2 =	slt.u32 s8, $0xFFFFF086  }
0x1c: {  	p1 =	slt.u32 s9, $0xF7A;
	s5 =	simm.s32 @!p2 $0x0  }
0x1d: {  	s5 =	simm.s32 @p1 $0x1;
	p0 =	seq.s32 s7, s2  }
0x1e: {  	s7 =	smul.u32 @!p0 $0xF7A, s2;
	p2 =	seq.s32 @!p0 s5, $0x0  }
0x1f: {  	s9 =	smul.u32 $0xF7A, s1;
	s8 =	simm.s32 @!p0 $0x1BF5;
	p2 =	por !p2, p0  }
0x20: {  	[sflag:s8] =	ssyncset.s32 @!p0 $0xFFFFF086;
	s6 =	sadd.s32 @!p0 s3, s7;
	s7 =	simm.s32 @!p0 $0x108  }
0x21: {  	s3 =	sadd.s32 s3, s9;
	s6 =	sadd.s32 @!p0 $0x88, s6;
	s7 =	simm.s32 @p2 $0x1082  }
0x22: {  	[simem:s7], [sflag:s8] =	dma.local @!p0 [hbm:s6], $0xF7A  }
0x23: {  	s9 =	sor.u32 $0xD0000000, s2;
	s6 =	simm.s32 $0x108;
	_ =	swait.ge @!p0 [sflag:s8], $0x0  }
0x24: {  	s3 =	sadd.s32 $0x88, s3;
	s6 =	simm.s32 @!p1 $0x1082;
	[sflag:s4] =	ssyncset.s32 $0xFFFFF086  }
0x25: {  	[simem:s6], [sflag:s4] =	dma.local [hbm:s3], $0xF7A  }
0x26: {  	[smem:$0x3F9F] =	sst s1;
	(tag) =	ssettag s2;
	_ =	strace s9  }
0x27: {  	s1 =	sld [smem:$0x3FAF]  }
0x28: {  	s2 =	sld [smem:$0x3FB0]  }
0x29: {  	s4 =	sld [smem:$0x3FB2]  }
0x2a: {  	p0 =	seq.s32 s5, $0x0;
	s5 =	sld [smem:$0x3FB3]  }
0x2b: {  	s6 =	sld [smem:$0x3FB4]  }
0x2c: {  	s7 =	sld [smem:$0x3FB5]  }
0x2d: {  	s3 =	simm.s32 $0x108;
	s8 =	sld [smem:$0x3FB6]  }
0x2e: {  	s3 =	simm.s32 @!p0 $0x1082;
	s9 =	sld [smem:$0x3FB7]  }
0x2f: {  	lr =	sadd.s32 s0, s3;
	s0 =	sld [smem:$0x3FAE]  }
0x30: {  	s3 =	sld [smem:$0x3FB1]  }
0x31: {  	[smem:$0x3FBA] =	sst s10  }
0x32: {  	s10 =	sld [smem:$0x3FB8];
	_ =	sdelay $0x3  }
0x33: {  	p0 =	seq.s32 s10, $0x1;
	s10 =	sld [smem:$0x3FBA];
	_ =	sdelay $0x3  }
0x34: {  	[smem:$0x3FBA] =	sst s10  }
0x35: {  	s10 =	sld [smem:$0x3FB9];
	_ =	sdelay $0x3  }
0x36: {  	p1 =	seq.s32 s10, $0x1;
	s10 =	sld [smem:$0x3FBA];
	_ =	sdelay $0x3  }
0x37: {  	[smem:$0x3FBA] =	sst s10  }
0x38: {  	s10 =	sld [smem:$0x3FBB]  }
0x39: {  	_ = 	snop;
	(pc) =	sbr.ind lr, $3  }
0x3a: {  	_ = 	snop  }
0x3b: {  	_ = 	snop  }
0x3c: {  	p2 =	seq.s32 s10, $0x1;
	s10 =	sld [smem:$0x3FBA]  }
0x3d: {  	_ =	shalt  }
0x3e: {  	_ =	shalt  }
0x3f: {  	_ =	shalt  }
0x40: {  	_ =	shalt  }
0x41: {  	_ =	shalt  }
0x42: {  	_ =	shalt  }
0x43: {  	_ =	shalt  }
0x44: {  	_ =	shalt  }
0x45: {  	_ =	shalt  }
0x46: {  	_ =	shalt  }
0x47: {  	_ =	shalt  }
0x48: {  	_ =	shalt  }
0x49: {  	_ =	shalt  }
0x4a: {  	_ =	shalt  }
0x4b: {  	_ =	shalt  }
0x4c: {  	_ =	shalt  }
0x4d: {  	_ =	shalt  }
0x4e: {  	_ =	shalt  }
0x4f: {  	_ =	shalt  }
0x50: {  	_ =	shalt  }
0x51: {  	_ =	shalt  }
0x52: {  	_ =	shalt  }
0x53: {  	_ =	shalt  }
0x54: {  	_ =	shalt  }
0x55: {  	_ =	shalt  }
0x56: {  	_ =	shalt  }
0x57: {  	_ =	shalt  }
0x58: {  	_ =	shalt  }
0x59: {  	_ =	shalt  }
0x5a: {  	_ =	shalt  }
0x5b: {  	_ =	shalt  }
0x5c: {  	_ =	shalt  }
0x5d: {  	_ =	shalt  }
0x5e: {  	_ =	shalt  }
0x5f: {  	_ =	shalt  }
0x60: {  	_ =	shalt  }
0x61: {  	_ =	shalt  }
0x62: {  	_ =	shalt  }
0x63: {  	_ =	shalt  }
0x64: {  	_ =	shalt  }
0x65: {  	_ =	shalt  }
0x66: {  	_ =	shalt  }
0x67: {  	_ =	shalt  }
0x68: {  	_ =	shalt  }
0x69: {  	_ =	shalt  }
0x6a: {  	_ =	shalt  }
0x6b: {  	_ =	shalt  }
0x6c: {  	_ =	shalt  }
0x6d: {  	_ =	shalt  }
0x6e: {  	_ =	shalt  }
0x6f: {  	_ =	shalt  }
0x70: {  	_ =	shalt  }
0x71: {  	_ =	shalt  }
0x72: {  	_ =	shalt  }
0x73: {  	_ =	shalt  }
0x74: {  	_ =	shalt  }
0x75: {  	_ =	shalt  }
0x76: {  	_ =	shalt  }
0x77: {  	_ =	shalt  }
0x78: {  	_ =	shalt  }
0x79: {  	_ =	shalt  }
0x7a: {  	_ =	shalt  }
0x7b: {  	_ =	shalt  }
0x7c: {  	_ =	shalt  }
0x7d: {  	_ =	shalt  }
0x7e: {  	_ =	shalt  }
0x7f: {  	_ =	shalt  }
0x80: {  	_ =	shalt  }
0x81: {  	_ =	shalt  }
0x82: {  	_ =	shalt  }
0x83: {  	_ =	shalt  }
0x84: {  	_ =	shalt  }
0x85: {  	_ =	shalt  }
0x86: {  	_ =	shalt  }
0x87: {  	_ =	shalt  }
.Lfunc_end0:
.L_simem_size_0:
called_computation_lowered:
.L_overlay_start_0:
0x88: {  	s2 =	sld [smem:$0x3FD9]  }
0x89: {  	s3 =	sld [smem:$0x3FFE];
	_ =	sdelay $0x1  }
0x8a: {  	s1 =	srdreg.scid  }
0x8b: {  	s0 =	sand.u32 $0x1, s1  }
0x8c: {  	s17 =	sshll.u32 s0, $0xA;
	s2 =	sadd.s32 s3, s2  }
0x8d: {  	s2 =	sadd.s32 s2, s17  }
0x8e: {  	[smem:$0x3FC6] =	sst s2  }
0x8f: {  	_ = 	snop  }
0x90: {  	s2 =	sld [smem:$0x3FC8];
	(tm) =	ssettm $0x1  }
0x91: {  	s18 =	sld [smem:$0x3FFB];
	_ =	sdelay $0x3  }
0x92: {  	_ =	strace s18  }
0x93: {  	s3 =	sld [smem:$0x3FFC];
	_ =	sdelay $0x3  }
0x94: {  	_ =	strace s3  }
0x95: {  	s3 =	sld [smem:$0x3FFD];
	_ =	sdelay $0x3  }
0x96: {  	_ =	strace s3  }
0x97: {  	_ =	strace $0x8FFFFFFF  }
0x98: {  	s19 =	sld [smem:$0x3FDB];
	_ =	sdelay $0x1  }
0x99: {  	s4 =	simm.s32 $_scs_section_size  }
0x9a: {  	s5 =	simm.s32 $_size__tile_overlayer_lowered;
	s6 =	simm.s32 $_tile_overlayer_lowered  }
0x9b: {  	s22 =	simm.s32 $0x1BFF;
	s21 =	sshll.u32 s6, $0x1;
	s3 =	sadd.s32 s4, s19  }
0x9c: {  	s7 =	simm.s32 $0x0;
	s20 =	sshll.u32 s5, $0x1;
	s5 =	sadd.s32 s21, s3  }
0x9d: {  	[timem:s7], [sflag:s22] =	dma.local [hbm:s5], s20  }
0x9e: {  	_ =	swait.ge [sflag:s22], s20  }
0x9f: {  	s4 =	ssub.s32 $0x0, s20;
	[sflag:s22] =	ssyncset.done $0x0  }
0xa0: {  	[sflag:s22] =	ssyncadd.s32 s4;
	_ =	sdelay $0x1  }
0xa1: {  	s23 =	simm.s32 $0x1B8B  }
0xa2: {  	_ =	swait.ge [sflag:s23], $0x1  }
0xa3: {  	[sflag:s23] =	ssyncset.done $0x0  }
0xa4: {  	s25 =	simm.s32 $0x1B8E;
	s24 =	sld [smem:$0x3FFE];
	[sflag:s23] =	ssyncadd.s32 $0xFFFFFFFF  }
0xa5: {  	s26 =	simm.s32 $execute0_lowered;
	[smem:$0x3FD2] =	sst s25  }
0xa6: {  	s5 =	sshll.u32 s26, $0x1;
	_ =	strace $0x80000046;
	[dreg:$0x1] =	wrdreg $0xFFFFFFFF  }
0xa7: {  	s28 =	simm.s32 $_size_execute0_lowered;
	s3 =	sadd.s32 s3, s5;
	[dreg:$0x0] =	wrdreg $0x0  }
0xa8: {  	s5 =	sshll.u32 s28, $0x1;
	[dreg:$0x2] =	wrdreg s3  }
0xa9: {  	[dreg:$0x3] =	wrdreg s5  }
0xaa: {  	[dreg:$0x4] =	wrdreg $0xC0  }
0xab: {  	_ =	task [dreg:s7], $0x5FFFF  }
0xac: {  	[dreg:$0x1] =	wrdreg $0xFFFFFFFF  }
0xad: {  	[dreg:$0x0] =	wrdreg $0x60  }
0xae: {  	[dreg:$0x2] =	wrdreg s24  }
0xaf: {  	[dreg:$0x3] =	wrdreg s2  }
0xb0: {  	[dreg:$0x4] =	wrdreg $0x9  }
0xb1: {  	_ =	task.clear_ibuf [dreg:s7], $0x5FFFF;
	_ =	strace $0x90000046  }
0xb2: {  	s29 =	simm.s32 $0x9;
	_ =	strace $0x80000048  }
0xb3: {  	_ =	swait.ge [sflag:s29], $0x1  }
0xb4: {  	[sflag:s29] =	ssyncadd.s32 $0xFFFFFFFF  }
0xb5: {  	_ =	strace $0x90000048  }
0xb6: {  	_ =	sfence  }
0xb7: {  	s30 =	sld [smem:$0x0];
	_ =	sdelay $0x2  }
0xb8: {  	s31 =	sshll.u32 s1, $0xD;
	s1 =	sshrl.u32 s1, $0x2  }
0xb9: {  	s3 =	sand.u32 $0x4000, s31;
	s1 =	sadd.s32 s1, s30  }
0xba: {  	s0 =	sor.u32 s3, s0;
	s1 =	sshll.u32 s1, $0x11  }
0xbb: {  	s0 =	sor.u32 s1, s0  }
0xbc: {  	s0 =	sadd.s32 $0x8F2B, s0  }
0xbd: {  	[sflag:s0] =	ssyncadd.remote.s32 $0x1  }
0xbe: {  	_ =	sfence.sel $0xFFFF  }
0xbf: {  	[dreg:$0x0] =	wrdreg $0xFFFFFFFF;
	(pc) =	sbr.abs _section_cstart, $3  }
0xc0: {  	[dreg:$0x1] =	wrdreg $0xFFFFFFFF  }
0xc1: {  	_ =	task.clear_ibuf [dreg:s7], $0x2FFFF;
	_ =	strace $0x9FFFFFFF  }
0xc2: {  	(tm) =	ssettm $0x7FFFFFFF  }
0xc3: {  	_ =	shalt  }
tec
execute0_lowered:
.L_overlay_start_1:
0x0: {  	(tag) =	ssettag $0x1  }
0x1: {  	s0 =	srdreg.scid  }
0x2: {  	s1 =	rddreg [dreg:$0x0];
	s2 =	stileid.u32  }
0x3: {  	s3 =	simm.s32 $0x0;
	s17 =	simm.s32 $0x80;
	s18 =	simm.s32 $0x1C80  }
0x4: {  	s19 =	simm.s32 $0x3880;
	s20 =	simm.s32 $0x5480;
	s21 =	simm.s32 $0x1  }
0x5: {  	s22 =	simm.s32 $0x7080;
	s23 =	simm.s32 $0x2;
	s24 =	simm.s32 $0x8C80  }
0x6: {  	s28 =	simm.s32 $0x4;
	s29 =	simm.s32 $0xC480;
	s0 =	sand.u32 $0x1, s0  }
0x7: {  	s2 =	sshll.u32 s2, $0x8;
	[smem:$0x7FF] =	sst s3;
	s5 =	sadd.s32 $0x400, s1  }
0x8: {  	s6 =	sadd.s32 $0x380400, s1;
	s4 =	sshll.u32 s0, $0x7;
	s0 =	ssub.s32 $0x2, s0  }
0x9: {  	s1 =	simm.s32 $0x7;
	s4 =	sor.u32 s4, s2;
	s25 =	sshrl.u32 s0, $0x1  }
0xa: {  	_ =	strace $0x80000047;
	s2 =	smul.u32 $0x380, s4;
	s0 =	ssub.s32 s0, s25  }
0xb: {  	s11 =	sor.u32 $0x4, s4;
	s12 =	sor.u32 $0x5, s4;
	s0 =	smax.u32 s0, $0x1  }
0xc: {  	s13 =	sor.u32 $0x6, s4;
	s2 =	sadd.s32 s5, s2;
	[dreg:$0x7] =	wrdreg s0  }
0xd: {  	s14 =	sor.u32 $0x7, s4;
	s26 =	sadd.s32 $0x380, s2;
	[dreg:$0x3] =	wrdreg s2  }
0xe: {  	s25 =	simm.s32 $0x3;
	s30 =	sadd.s32 $0x700, s2;
	[dreg:$0x4] =	wrdreg s26  }
0xf: {  	s0 =	simm.s32 $0x8;
	s31 =	sadd.s32 $0xA80, s2;
	[dreg:$0x5] =	wrdreg s30  }
0x10: {  	s2 =	simm.s32 $0x0;
	[dreg:$0x6] =	wrdreg s31;
	s26 =	simm.s32 $0xA880  }
.LBB2_1:
0x11: {  	s7 =	rddreg [dreg:$0x1];
	s10 =	simm.s32 $0x9  }
0x12: {  	[tilespmem:s3], [sflag:$0x9] =	stream.linear.gather [hbm4b:s7+s3], $0x80, $0x38;
	[tilespmem:$0xE080] =	vst v63  }
0x13: {  	_ =	swait.ge [sflag:s10], $0x80  }
0x14: {  	[sflag:s10] =	ssyncset.done $0x0  }
0x15: {  	[sflag:s10] =	ssyncadd.s32 $0xFFFFFF80  }
0x16: {  	v0 =	vld [tilespmem:$0x0]  }
0x17: {  	v1 =	vld [tilespmem:$0x10]  }
0x18: {  	v2 =	vld [tilespmem:$0x20]  }
0x19: {  	v3 =	vld [tilespmem:$0x30]  }
0x1a: {  	v4 =	vld [tilespmem:$0x40]  }
0x1b: {  	v5 =	vld [tilespmem:$0x50]  }
0x1c: {  	s15 =	rddreg [dreg:$0x3];
	v6 =	vld [tilespmem:$0x60]  }
0x1d: {  	v7 =	vld [tilespmem:$0x70];
	[tilespmem:s17], [sflag:$0x1] =	stream.linear.gather [hbm4b:s15+s3], $0x1900, $0x38  }
0x1e: {  	s16 =	rddreg [dreg:$0x4]  }
0x1f: {  	[tilespmem:s18], [sflag:$0x2] =	stream.linear.gather [hbm4b:s16+s3], $0x1900, $0x38;
	[tilespmem:$0xE080] =	vst v63  }
0x20: {  	s30 =	rddreg [dreg:$0x5]  }
0x21: {  	[tilespmem:s19], [sflag:$0x3] =	stream.linear.gather [hbm4b:s30+s3], $0x1900, $0x38;
	[tilespmem:$0xE080] =	vst v63  }
0x22: {  	s9 =	simm.s32 $0x0;
	s31 =	rddreg [dreg:$0x6]  }
0x23: {  	[tilespmem:s20], [sflag:$0x4] =	stream.linear.gather [hbm4b:s31+s3], $0x1900, $0x38;
	[tilespmem:$0xE080] =	vst v63  }
.LBB2_2:
0x24: {  	_ =	swait.ge [sflag:s21], $0x1900;
	s7 =	simm.s32 $0x200  }
0x25: {  	p1 =	seq.s32 s9, $0x0;
	[sflag:s21] =	ssyncset.done $0x0;
	v8 =	vadd.s32 s7, v0  }
0x26: {  	s8 =	simm.s32 @!p1 $0x5;
	v9 =	vadd.s32 s7, v1;
	[sflag:s21] =	ssyncadd.s32 $0xFFFFE700  }
0x27: {  	v10 =	vadd.s32 s7, v2;
	_ =	swait.ge @!p1 [sflag:s8], $0x1900  }
0x28: {  	v11 =	vadd.s32 s7, v3;
	[sflag:s8] =	ssyncset.done @!p1 $0x0  }
0x29: {  	v12 =	vadd.s32 s7, v4;
	[sflag:s8] =	ssyncadd.s32 @!p1 $0xFFFFE700  }
0x2a: {  	v13 =	vadd.s32 s7, v5;
	v8 =	vld.idx.msk [tilespmem:v8+s17+$0x0], $0xffff  }
0x2b: {  	v14 =	vadd.s32 s7, v6;
	v9 =	vld.idx.msk [tilespmem:v9+s17+$0x0], $0xffff  }
0x2c: {  	s30 =	simm.s32 $0x0;
	v15 =	vadd.s32 s7, v7;
	v10 =	vld.idx.msk [tilespmem:v10+s17+$0x0], $0xffff  }
0x2d: {  	v16 =	vadd.s32 s30, v0;
	v11 =	vld.idx.msk [tilespmem:v11+s17+$0x0], $0xffff  }
0x2e: {  	v17 =	vadd.s32 s30, v1;
	v12 =	vld.idx.msk [tilespmem:v12+s17+$0x0], $0xffff  }
0x2f: {  	v18 =	vadd.s32 s30, v2;
	v13 =	vld.idx.msk [tilespmem:v13+s17+$0x0], $0xffff  }
0x30: {  	v19 =	vadd.s32 s30, v3;
	v14 =	vld.idx.msk [tilespmem:v14+s17+$0x0], $0xffff  }
0x31: {  	v20 =	vadd.s32 s30, v4;
	v15 =	vld.idx.msk [tilespmem:v15+s17+$0x0], $0xffff  }
0x32: {  	v21 =	vadd.s32 s30, v5;
	v16 =	vld.idx.msk [tilespmem:v16+s17+$0x0], $0xffff  }
0x33: {  	v22 =	vadd.s32 s30, v6;
	v17 =	vld.idx.msk [tilespmem:v17+s17+$0x0], $0xffff  }
0x34: {  	s31 =	simm.s32 $0x80;
	v23 =	vadd.s32 s30, v7;
	v18 =	vld.idx.msk [tilespmem:v18+s17+$0x0], $0xffff  }
0x35: {  	v24 =	vadd.s32 s31, v0;
	v19 =	vld.idx.msk [tilespmem:v19+s17+$0x0], $0xffff  }
0x36: {  	v25 =	vadd.s32 s31, v1;
	v20 =	vld.idx.msk [tilespmem:v20+s17+$0x0], $0xffff  }
0x37: {  	v26 =	vadd.s32 s31, v2;
	v21 =	vld.idx.msk [tilespmem:v21+s17+$0x0], $0xffff  }
0x38: {  	v27 =	vadd.s32 s31, v3;
	v22 =	vld.idx.msk [tilespmem:v22+s17+$0x0], $0xffff  }
0x39: {  	v28 =	vadd.s32 s31, v4;
	v23 =	vld.idx.msk [tilespmem:v23+s17+$0x0], $0xffff  }
0x3a: {  	v29 =	vadd.s32 s31, v5;
	v24 =	vld.idx.msk [tilespmem:v24+s17+$0x0], $0xffff  }
0x3b: {  	v30 =	vadd.s32 s31, v6;
	v25 =	vld.idx.msk [tilespmem:v25+s17+$0x0], $0xffff  }
0x3c: {  	s10 =	simm.s32 $0x180;
	v31 =	vadd.s32 s31, v7;
	v26 =	vld.idx.msk [tilespmem:v26+s17+$0x0], $0xffff  }
0x3d: {  	v40 =	vadd.s32 s10, v0;
	v27 =	vld.idx.msk [tilespmem:v27+s17+$0x0], $0xffff  }
0x3e: {  	v41 =	vadd.s32 s10, v7;
	v28 =	vld.idx.msk [tilespmem:v28+s17+$0x0], $0xffff  }
0x3f: {  	v42 =	vadd.s32 s10, v1;
	v29 =	vld.idx.msk [tilespmem:v29+s17+$0x0], $0xffff  }
0x40: {  	v43 =	vadd.s32 s10, v2;
	v30 =	vld.idx.msk [tilespmem:v30+s17+$0x0], $0xffff  }
0x41: {  	v44 =	vadd.s32 s10, v3;
	v31 =	vld.idx.msk [tilespmem:v31+s17+$0x0], $0xffff  }
0x42: {  	v45 =	vadd.s32 s10, v4;
	v40 =	vld.idx.msk [tilespmem:v40+s17+$0x0], $0xffff  }
0x43: {  	v46 =	vadd.s32 s10, v5;
	v41 =	vld.idx.msk [tilespmem:v41+s17+$0x0], $0xffff  }
0x44: {  	v47 =	vadd.s32 s10, v6;
	s8 =	simm.s32 $0x100;
	v42 =	vld.idx.msk [tilespmem:v42+s17+$0x0], $0xffff  }
0x45: {  	v32 =	vadd.s32 s8, v0;
	v43 =	vld.idx.msk [tilespmem:v43+s17+$0x0], $0xffff  }
0x46: {  	v33 =	vadd.s32 s8, v1;
	v44 =	vld.idx.msk [tilespmem:v44+s17+$0x0], $0xffff  }
0x47: {  	v34 =	vadd.s32 s8, v2;
	v45 =	vld.idx.msk [tilespmem:v45+s17+$0x0], $0xffff  }
0x48: {  	v35 =	vadd.s32 s8, v3;
	v46 =	vld.idx.msk [tilespmem:v46+s17+$0x0], $0xffff  }
0x49: {  	v36 =	vadd.s32 s8, v4;
	v47 =	vld.idx.msk [tilespmem:v47+s17+$0x0], $0xffff  }
0x4a: {  	v37 =	vadd.s32 s8, v5;
	v32 =	vld.idx.msk [tilespmem:v32+s17+$0x0], $0xffff  }
0x4b: {  	v38 =	vadd.s32 s8, v6;
	v33 =	vld.idx.msk [tilespmem:v33+s17+$0x0], $0xffff  }
0x4c: {  	v39 =	vadd.s32 s8, v7;
	v34 =	vld.idx.msk [tilespmem:v34+s17+$0x0], $0xffff  }
0x4d: {  	v35 =	vld.idx.msk [tilespmem:v35+s17+$0x0], $0xffff  }
0x4e: {  	v36 =	vld.idx.msk [tilespmem:v36+s17+$0x0], $0xffff  }
0x4f: {  	v37 =	vld.idx.msk [tilespmem:v37+s17+$0x0], $0xffff  }
0x50: {  	s10 =	simm.s32 $0x71C0;
	v38 =	vld.idx.msk [tilespmem:v38+s17+$0x0], $0xffff  }
0x51: {  	v39 =	vld.idx.msk [tilespmem:v39+s17+$0x0], $0xffff;
	[tilespmem:s10+$0xB0] =	vst v41  }
0x52: {  	[tilespmem:s10+$0xFFFFFEC0] =	vst v16  }
0x53: {  	[tilespmem:s10+$0xFFFFFED0] =	vst v17  }
0x54: {  	[tilespmem:s10+$0xFFFFFEE0] =	vst v18  }
0x55: {  	[tilespmem:s10+$0xFFFFFEF0] =	vst v19  }
0x56: {  	[tilespmem:s10+$0xFFFFFF00] =	vst v20  }
0x57: {  	[tilespmem:s10+$0xFFFFFF10] =	vst v21  }
0x58: {  	[tilespmem:s10+$0xFFFFFF20] =	vst v22  }
0x59: {  	[tilespmem:s10+$0xFFFFFF30] =	vst v23  }
0x5a: {  	[tilespmem:s10+$0xFFFFFF40] =	vst v24  }
0x5b: {  	[tilespmem:s10+$0xFFFFFF50] =	vst v25  }
0x5c: {  	[tilespmem:s10+$0xFFFFFF60] =	vst v26  }
0x5d: {  	[tilespmem:s10+$0xFFFFFF70] =	vst v27  }
0x5e: {  	[tilespmem:s10+$0xFFFFFF80] =	vst v28  }
0x5f: {  	[tilespmem:s10+$0xFFFFFF90] =	vst v29  }
0x60: {  	[tilespmem:s10+$0xFFFFFFA0] =	vst v30  }
0x61: {  	[tilespmem:s10+$0xFFFFFFB0] =	vst v31  }
0x62: {  	[tilespmem:s10+$0x40] =	vst v40  }
0x63: {  	[tilespmem:s10+$0x50] =	vst v42  }
0x64: {  	[tilespmem:s10+$0x60] =	vst v43  }
0x65: {  	[tilespmem:s10+$0x70] =	vst v44  }
0x66: {  	[tilespmem:s10+$0x80] =	vst v45  }
0x67: {  	[tilespmem:s10+$0x90] =	vst v46  }
0x68: {  	[tilespmem:s10+$0xA0] =	vst v47  }
0x69: {  	[tilespmem:s10+$0xC0] =	vst v8  }
0x6a: {  	[tilespmem:s10+$0xD0] =	vst v9  }
0x6b: {  	[tilespmem:s10+$0xE0] =	vst v10  }
0x6c: {  	[tilespmem:s10+$0xF0] =	vst v11  }
0x6d: {  	[tilespmem:s10+$0x100] =	vst v12  }
0x6e: {  	[tilespmem:s10+$0x110] =	vst v13  }
0x6f: {  	[tilespmem:s10+$0x120] =	vst v14  }
0x70: {  	[tilespmem:s10+$0x130] =	vst v15  }
0x71: {  	[tilespmem:s10+$0xFFFFFFC0] =	vst v32  }
0x72: {  	[tilespmem:s10+$0xFFFFFFD0] =	vst v33  }
0x73: {  	s15 =	simm.s32 $0x480;
	[tilespmem:s10+$0xFFFFFFE0] =	vst v34  }
0x74: {  	v8 =	vadd.s32 s15, v0;
	[tilespmem:s10+$0xFFFFFFF0] =	vst v35  }
0x75: {  	v9 =	vadd.s32 s15, v1;
	[tilespmem:s10+$0x0] =	vst v36  }
0x76: {  	v10 =	vadd.s32 s15, v2;
	[tilespmem:s10+$0x10] =	vst v37  }
0x77: {  	v11 =	vadd.s32 s15, v3;
	[tilespmem:s10+$0x20] =	vst v38  }
0x78: {  	v12 =	vadd.s32 s15, v4;
	[tilespmem:s10+$0x30] =	vst v39  }
0x79: {  	v13 =	vadd.s32 s15, v5;
	v8 =	vld.idx.msk [tilespmem:v8+s17+$0x0], $0xffff  }
0x7a: {  	v14 =	vadd.s32 s15, v6;
	v9 =	vld.idx.msk [tilespmem:v9+s17+$0x0], $0xffff  }
0x7b: {  	s16 =	simm.s32 $0x280;
	v16 =	vadd.s32 s15, v7;
	v10 =	vld.idx.msk [tilespmem:v10+s17+$0x0], $0xffff  }
0x7c: {  	v17 =	vadd.s32 s16, v0;
	v11 =	vld.idx.msk [tilespmem:v11+s17+$0x0], $0xffff  }
0x7d: {  	v18 =	vadd.s32 s16, v1;
	v12 =	vld.idx.msk [tilespmem:v12+s17+$0x0], $0xffff  }
0x7e: {  	v19 =	vadd.s32 s16, v2;
	v15 =	vld.idx.msk [tilespmem:v13+s17+$0x0], $0xffff  }
0x7f: {  	v20 =	vadd.s32 s16, v3;
	v13 =	vld.idx.msk [tilespmem:v14+s17+$0x0], $0xffff  }
0x80: {  	v21 =	vadd.s32 s16, v4;
	v14 =	vld.idx.msk [tilespmem:v16+s17+$0x0], $0xffff  }
0x81: {  	v22 =	vadd.s32 s16, v5;
	v16 =	vld.idx.msk [tilespmem:v17+s17+$0x0], $0xffff  }
0x82: {  	v23 =	vadd.s32 s16, v6;
	v17 =	vld.idx.msk [tilespmem:v18+s17+$0x0], $0xffff  }
0x83: {  	s30 =	simm.s32 $0x300;
	v24 =	vadd.s32 s16, v7;
	v18 =	vld.idx.msk [tilespmem:v19+s17+$0x0], $0xffff  }
0x84: {  	v25 =	vadd.s32 s30, v0;
	v19 =	vld.idx.msk [tilespmem:v20+s17+$0x0], $0xffff  }
0x85: {  	v26 =	vadd.s32 s30, v1;
	v20 =	vld.idx.msk [tilespmem:v21+s17+$0x0], $0xffff  }
0x86: {  	v27 =	vadd.s32 s30, v2;
	v21 =	vld.idx.msk [tilespmem:v22+s17+$0x0], $0xffff  }
0x87: {  	v28 =	vadd.s32 s30, v3;
	v22 =	vld.idx.msk [tilespmem:v23+s17+$0x0], $0xffff  }
0x88: {  	v29 =	vadd.s32 s30, v4;
	v23 =	vld.idx.msk [tilespmem:v24+s17+$0x0], $0xffff  }
0x89: {  	v30 =	vadd.s32 s30, v5;
	v24 =	vld.idx.msk [tilespmem:v25+s17+$0x0], $0xffff  }
0x8a: {  	v31 =	vadd.s32 s30, v6;
	v25 =	vld.idx.msk [tilespmem:v26+s17+$0x0], $0xffff  }
0x8b: {  	s31 =	simm.s32 $0x380;
	v60 =	vadd.s32 s30, v7;
	v26 =	vld.idx.msk [tilespmem:v27+s17+$0x0], $0xffff  }
0x8c: {  	v61 =	vadd.s32 s31, v0;
	v27 =	vld.idx.msk [tilespmem:v28+s17+$0x0], $0xffff  }
0x8d: {  	v62 =	vadd.s32 s31, v1;
	v28 =	vld.idx.msk [tilespmem:v29+s17+$0x0], $0xffff  }
0x8e: {  	v63 =	vadd.s32 s31, v2;
	v29 =	vld.idx.msk [tilespmem:v30+s17+$0x0], $0xffff  }
0x8f: {  	v38 =	vadd.s32 s31, v3;
	v30 =	vld.idx.msk [tilespmem:v31+s17+$0x0], $0xffff  }
0x90: {  	v35 =	vadd.s32 s31, v4;
	v31 =	vld.idx.msk [tilespmem:v60+s17+$0x0], $0xffff  }
0x91: {  	v39 =	vadd.s32 s31, v5;
	v32 =	vld.idx.msk [tilespmem:v61+s17+$0x0], $0xffff  }
0x92: {  	s8 =	sshll.u32 s9, $0x2;
	v36 =	vadd.s32 s31, v6;
	v33 =	vld.idx.msk [tilespmem:v62+s17+$0x0], $0xffff  }
0x93: {  	s7 =	simm.s32 $0xE;
	s15 =	sadd.s32 s4, s8;
	s16 =	simm.s32 $0x400;
	v37 =	vadd.s32 s31, v7;
	v34 =	vld.idx.msk [tilespmem:v63+s17+$0x0], $0xffff  }
.LBB2_3:
0x94: {  	p0 =	sne.s32 s7, $0x31;
	v38 =	vld.idx.msk [tilespmem:v38+s17+$0x0], $0xffff;
	v40 =	vadd.s32 s16, v0  }
0x95: {  	v41 =	vadd.s32 s16, v7;
	v35 =	vld.idx.msk [tilespmem:v35+s17+$0x0], $0xffff  }
0x96: {  	v42 =	vadd.s32 s16, v1;
	v39 =	vld.idx.msk [tilespmem:v39+s17+$0x0], $0xffff  }
0x97: {  	v43 =	vadd.s32 s16, v2;
	v36 =	vld.idx.msk [tilespmem:v36+s17+$0x0], $0xffff  }
0x98: {  	v44 =	vadd.s32 s16, v3;
	v37 =	vld.idx.msk [tilespmem:v37+s17+$0x0], $0xffff  }
0x99: {  	v45 =	vadd.s32 s16, v4;
	v40 =	vld.idx.msk [tilespmem:v40+s17+$0x0], $0xffff  }
0x9a: {  	v46 =	vadd.s32 s16, v5;
	v41 =	vld.idx.msk [tilespmem:v41+s17+$0x0], $0xffff  }
0x9b: {  	v47 =	vadd.s32 s16, v6;
	v42 =	vld.idx.msk [tilespmem:v42+s17+$0x0], $0xffff  }
0x9c: {  	v43 =	vld.idx.msk [tilespmem:v43+s17+$0x0], $0xffff  }
0x9d: {  	v44 =	vld.idx.msk [tilespmem:v44+s17+$0x0], $0xffff  }
0x9e: {  	v45 =	vld.idx.msk [tilespmem:v45+s17+$0x0], $0xffff  }
0x9f: {  	s10 =	sadd.s32 $0x280, s10;
	v46 =	vld.idx.msk [tilespmem:v46+s17+$0x0], $0xffff  }
0xa0: {  	v47 =	vld.idx.msk [tilespmem:v47+s17+$0x0], $0xffff;
	[tilespmem:s10+$0xB0] =	vst v41  }
0xa1: {  	[tilespmem:s10+$0xFFFFFEC0] =	vst v16  }
0xa2: {  	[tilespmem:s10+$0xFFFFFED0] =	vst v17  }
0xa3: {  	[tilespmem:s10+$0xFFFFFEE0] =	vst v18  }
0xa4: {  	[tilespmem:s10+$0xFFFFFEF0] =	vst v19  }
0xa5: {  	[tilespmem:s10+$0xFFFFFF00] =	vst v20  }
0xa6: {  	[tilespmem:s10+$0xFFFFFF10] =	vst v21  }
0xa7: {  	[tilespmem:s10+$0xFFFFFF20] =	vst v22  }
0xa8: {  	[tilespmem:s10+$0xFFFFFF30] =	vst v23  }
0xa9: {  	[tilespmem:s10+$0xFFFFFF40] =	vst v24  }
0xaa: {  	[tilespmem:s10+$0xFFFFFF50] =	vst v25  }
0xab: {  	[tilespmem:s10+$0xFFFFFF60] =	vst v26  }
0xac: {  	[tilespmem:s10+$0xFFFFFF70] =	vst v27  }
0xad: {  	[tilespmem:s10+$0xFFFFFF80] =	vst v28  }
0xae: {  	[tilespmem:s10+$0xFFFFFF90] =	vst v29  }
0xaf: {  	[tilespmem:s10+$0xFFFFFFA0] =	vst v30  }
0xb0: {  	[tilespmem:s10+$0xFFFFFFB0] =	vst v31  }
0xb1: {  	[tilespmem:s10+$0xFFFFFFC0] =	vst v32  }
0xb2: {  	[tilespmem:s10+$0xFFFFFFD0] =	vst v33  }
0xb3: {  	[tilespmem:s10+$0xFFFFFFE0] =	vst v34  }
0xb4: {  	[tilespmem:s10+$0xFFFFFFF0] =	vst v38  }
0xb5: {  	[tilespmem:s10+$0x0] =	vst v35  }
0xb6: {  	[tilespmem:s10+$0x10] =	vst v39  }
0xb7: {  	[tilespmem:s10+$0x20] =	vst v36  }
0xb8: {  	[tilespmem:s10+$0x30] =	vst v37  }
0xb9: {  	[tilespmem:s10+$0x40] =	vst v40  }
0xba: {  	[tilespmem:s10+$0x50] =	vst v42  }
0xbb: {  	[tilespmem:s10+$0x60] =	vst v43  }
0xbc: {  	[tilespmem:s10+$0x70] =	vst v44  }
0xbd: {  	[tilespmem:s10+$0x80] =	vst v45  }
0xbe: {  	[tilespmem:s10+$0x90] =	vst v46  }
0xbf: {  	[tilespmem:s10+$0xA0] =	vst v47  }
0xc0: {  	[tilespmem:s10+$0xC0] =	vst v8  }
0xc1: {  	[tilespmem:s10+$0xD0] =	vst v9  }
0xc2: {  	s16 =	sshll.u32 s7, $0x7;
	[tilespmem:s10+$0xE0] =	vst v10  }
0xc3: {  	v8 =	vadd.s32 s16, v0;
	[tilespmem:s10+$0xF0] =	vst v11  }
0xc4: {  	v9 =	vadd.s32 s16, v1;
	[tilespmem:s10+$0x100] =	vst v12  }
0xc5: {  	v10 =	vadd.s32 s16, v2;
	[tilespmem:s10+$0x110] =	vst v15  }
0xc6: {  	v11 =	vadd.s32 s16, v3;
	[tilespmem:s10+$0x120] =	vst v13  }
0xc7: {  	v12 =	vadd.s32 s16, v4;
	[tilespmem:s10+$0x130] =	vst v14  }
0xc8: {  	v13 =	vadd.s32 s16, v5;
	v8 =	vld.idx.msk [tilespmem:v8+s17+$0x0], $0xffff  }
0xc9: {  	v14 =	vadd.s32 s16, v6;
	v9 =	vld.idx.msk [tilespmem:v9+s17+$0x0], $0xffff  }
0xca: {  	s30 =	sadd.s32 $0xFFFFFE00, s16;
	v16 =	vadd.s32 s16, v7;
	v10 =	vld.idx.msk [tilespmem:v10+s17+$0x0], $0xffff  }
0xcb: {  	v17 =	vadd.s32 s30, v0;
	v11 =	vld.idx.msk [tilespmem:v11+s17+$0x0], $0xffff  }
0xcc: {  	v18 =	vadd.s32 s30, v1;
	v12 =	vld.idx.msk [tilespmem:v12+s17+$0x0], $0xffff  }
0xcd: {  	v19 =	vadd.s32 s30, v2;
	v15 =	vld.idx.msk [tilespmem:v13+s17+$0x0], $0xffff  }
0xce: {  	v20 =	vadd.s32 s30, v3;
	v13 =	vld.idx.msk [tilespmem:v14+s17+$0x0], $0xffff  }
0xcf: {  	v21 =	vadd.s32 s30, v4;
	v14 =	vld.idx.msk [tilespmem:v16+s17+$0x0], $0xffff  }
0xd0: {  	v22 =	vadd.s32 s30, v5;
	v16 =	vld.idx.msk [tilespmem:v17+s17+$0x0], $0xffff  }
0xd1: {  	v23 =	vadd.s32 s30, v6;
	v17 =	vld.idx.msk [tilespmem:v18+s17+$0x0], $0xffff  }
0xd2: {  	v24 =	vadd.s32 s30, v7;
	s30 =	sadd.s32 $0xFFFFFE80, s16;
	v18 =	vld.idx.msk [tilespmem:v19+s17+$0x0], $0xffff  }
0xd3: {  	v25 =	vadd.s32 s30, v0;
	v19 =	vld.idx.msk [tilespmem:v20+s17+$0x0], $0xffff  }
0xd4: {  	v26 =	vadd.s32 s30, v1;
	v20 =	vld.idx.msk [tilespmem:v21+s17+$0x0], $0xffff  }
0xd5: {  	v27 =	vadd.s32 s30, v2;
	v21 =	vld.idx.msk [tilespmem:v22+s17+$0x0], $0xffff  }
0xd6: {  	v28 =	vadd.s32 s30, v3;
	v22 =	vld.idx.msk [tilespmem:v23+s17+$0x0], $0xffff  }
0xd7: {  	v29 =	vadd.s32 s30, v4;
	v23 =	vld.idx.msk [tilespmem:v24+s17+$0x0], $0xffff  }
0xd8: {  	v30 =	vadd.s32 s30, v5;
	v24 =	vld.idx.msk [tilespmem:v25+s17+$0x0], $0xffff  }
0xd9: {  	v31 =	vadd.s32 s30, v6;
	v25 =	vld.idx.msk [tilespmem:v26+s17+$0x0], $0xffff  }
0xda: {  	v32 =	vadd.s32 s30, v7;
	s30 =	sadd.s32 $0xFFFFFF00, s16;
	v26 =	vld.idx.msk [tilespmem:v27+s17+$0x0], $0xffff  }
0xdb: {  	v33 =	vadd.s32 s30, v0;
	v27 =	vld.idx.msk [tilespmem:v28+s17+$0x0], $0xffff  }
0xdc: {  	v34 =	vadd.s32 s30, v1;
	v28 =	vld.idx.msk [tilespmem:v29+s17+$0x0], $0xffff  }
0xdd: {  	v37 =	vadd.s32 s30, v2;
	v29 =	vld.idx.msk [tilespmem:v30+s17+$0x0], $0xffff  }
.Ltmp0:
0xde: {  	v38 =	vadd.s32 s30, v3;
	v30 =	vld.idx.msk [tilespmem:v31+s17+$0x0], $0xffff;
	(pc) =	sbr.rel @p0 .LBB2_3-.Ltmp0, $4  }
0xdf: {  	v35 =	vadd.s32 s30, v4;
	v31 =	vld.idx.msk [tilespmem:v32+s17+$0x0], $0xffff  }
0xe0: {  	v39 =	vadd.s32 s30, v5;
	v32 =	vld.idx.msk [tilespmem:v33+s17+$0x0], $0xffff  }
0xe1: {  	v36 =	vadd.s32 s30, v6;
	v33 =	vld.idx.msk [tilespmem:v34+s17+$0x0], $0xffff  }
0xe2: {  	s7 =	sadd.s32 $0x5, s7;
	s16 =	sadd.s32 $0xFFFFFF80, s16;
	v34 =	vld.idx.msk [tilespmem:v37+s17+$0x0], $0xffff;
	v37 =	vadd.s32 s30, v7  }
0xe3: {  	_ =	sdelay $0x3  }
0xe4: {  	v38 =	vld.idx.msk [tilespmem:v38+s17+$0x0], $0xffff;
	v40 =	vadd.s32 s16, v0  }
0xe5: {  	v35 =	vld.idx.msk [tilespmem:v35+s17+$0x0], $0xffff;
	v41 =	vadd.s32 s16, v7  }
0xe6: {  	v39 =	vld.idx.msk [tilespmem:v39+s17+$0x0], $0xffff;
	v42 =	vadd.s32 s16, v1  }
0xe7: {  	v36 =	vld.idx.msk [tilespmem:v36+s17+$0x0], $0xffff;
	v43 =	vadd.s32 s16, v2  }
0xe8: {  	v37 =	vld.idx.msk [tilespmem:v37+s17+$0x0], $0xffff;
	v44 =	vadd.s32 s16, v3  }
0xe9: {  	v45 =	vadd.s32 s16, v4;
	v40 =	vld.idx.msk [tilespmem:v40+s17+$0x0], $0xffff  }
0xea: {  	v46 =	vadd.s32 s16, v5;
	v41 =	vld.idx.msk [tilespmem:v41+s17+$0x0], $0xffff  }
0xeb: {  	v47 =	vadd.s32 s16, v6;
	v42 =	vld.idx.msk [tilespmem:v42+s17+$0x0], $0xffff  }
0xec: {  	v43 =	vld.idx.msk [tilespmem:v43+s17+$0x0], $0xffff  }
0xed: {  	v44 =	vld.idx.msk [tilespmem:v44+s17+$0x0], $0xffff  }
0xee: {  	v45 =	vld.idx.msk [tilespmem:v45+s17+$0x0], $0xffff  }
0xef: {  	s7 =	sadd.s32 $0x280, s10;
	v46 =	vld.idx.msk [tilespmem:v46+s17+$0x0], $0xffff  }
0xf0: {  	v47 =	vld.idx.msk [tilespmem:v47+s17+$0x0], $0xffff;
	[tilespmem:s7+$0xFFFFFEC0] =	vst v16  }
0xf1: {  	[tilespmem:s7+$0xFFFFFED0] =	vst v17  }
0xf2: {  	[tilespmem:s7+$0xFFFFFEE0] =	vst v18  }
0xf3: {  	[tilespmem:s7+$0xFFFFFEF0] =	vst v19  }
0xf4: {  	[tilespmem:s7+$0xFFFFFF00] =	vst v20  }
0xf5: {  	[tilespmem:s7+$0xFFFFFF10] =	vst v21  }
0xf6: {  	[tilespmem:s7+$0xFFFFFF20] =	vst v22  }
0xf7: {  	[tilespmem:s7+$0xFFFFFF30] =	vst v23  }
0xf8: {  	[tilespmem:s7+$0xFFFFFF40] =	vst v24  }
0xf9: {  	[tilespmem:s7+$0xFFFFFF50] =	vst v25  }
0xfa: {  	[tilespmem:s7+$0xFFFFFF60] =	vst v26  }
0xfb: {  	[tilespmem:s7+$0xFFFFFF70] =	vst v27  }
0xfc: {  	[tilespmem:s7+$0xFFFFFF80] =	vst v28  }
0xfd: {  	[tilespmem:s7+$0xFFFFFF90] =	vst v29  }
0xfe: {  	[tilespmem:s7+$0xFFFFFFA0] =	vst v30  }
0xff: {  	[tilespmem:s7+$0xFFFFFFB0] =	vst v31  }
0x100: {  	[tilespmem:s7+$0xFFFFFFC0] =	vst v32  }
0x101: {  	[tilespmem:s7+$0xFFFFFFD0] =	vst v33  }
0x102: {  	[tilespmem:s7+$0xFFFFFFE0] =	vst v34  }
0x103: {  	[tilespmem:s7+$0xFFFFFFF0] =	vst v38  }
0x104: {  	[tilespmem:s7+$0x0] =	vst v35  }
0x105: {  	[tilespmem:s7+$0x10] =	vst v39  }
0x106: {  	[tilespmem:s7+$0x20] =	vst v36  }
0x107: {  	[tilespmem:s7+$0x30] =	vst v37  }
0x108: {  	[tilespmem:s7+$0xC0] =	vst v8  }
0x109: {  	[tilespmem:s7+$0xD0] =	vst v9  }
0x10a: {  	[tilespmem:s7+$0xE0] =	vst v10  }
0x10b: {  	[tilespmem:s7+$0xF0] =	vst v11  }
0x10c: {  	[tilespmem:s7+$0x100] =	vst v12  }
0x10d: {  	[tilespmem:s7+$0x110] =	vst v15  }
0x10e: {  	[tilespmem:s7+$0x120] =	vst v13  }
0x10f: {  	[tilespmem:s7+$0x130] =	vst v14  }
0x110: {  	[tilespmem:s7+$0xB0] =	vst v41  }
0x111: {  	[tilespmem:s7+$0x40] =	vst v40  }
0x112: {  	[tilespmem:s7+$0x50] =	vst v42  }
0x113: {  	[tilespmem:s7+$0x60] =	vst v43  }
0x114: {  	[tilespmem:s7+$0x70] =	vst v44  }
0x115: {  	s16 =	smul.u32 $0x380, s15;
	p0 =	seq.s32 s9, $0x1F;
	[tilespmem:s7+$0x80] =	vst v45  }
0x116: {  	s15 =	sadd.s32 @!p0 s8, s11;
	[tilespmem:s7+$0x90] =	vst v46  }
0x117: {  	s31 =	sadd.s32 s6, s16;
	s10 =	smul.u32 @!p0 $0x380, s15;
	[tilespmem:s7+$0xA0] =	vst v47  }
0x118: {  	[hbm4b:s31+s3] =	stream.linear.scatter [tilespmem:s22], [sflag:$0x5], $0x1900, $0x38;
	[tilespmem:$0xE080] =	vst v63  }
0x119: {  	s15 =	simm.s32 @!p0 $0x80;
	s7 =	sadd.s32 @!p0 s5, s10;
	s10 =	simm.s32 @!p0 $0x0  }
0x11a: {  	[tilespmem:s15], [sflag:$0x1] =	stream.linear.gather @!p0 [hbm4b:s7+s10], $0x1900, $0x38;
	[tilespmem:$0xE080] =	vst v63  }
0x11b: {  	s15 =	simm.s32 $0x200;
	_ =	swait.ge [sflag:s23], $0x1900  }
0x11c: {  	v8 =	vadd.s32 s15, v0;
	[sflag:s23] =	ssyncset.done $0x0  }
0x11d: {  	s10 =	simm.s32 @!p1 $0x6;
	v9 =	vadd.s32 s15, v1;
	[sflag:s23] =	ssyncadd.s32 $0xFFFFE700  }
0x11e: {  	v10 =	vadd.s32 s15, v2;
	_ =	swait.ge @!p1 [sflag:s10], $0x1900  }
0x11f: {  	v11 =	vadd.s32 s15, v3;
	[sflag:s10] =	ssyncset.done @!p1 $0x0  }
0x120: {  	v12 =	vadd.s32 s15, v4;
	[sflag:s10] =	ssyncadd.s32 @!p1 $0xFFFFE700  }
0x121: {  	v13 =	vadd.s32 s15, v5;
	v8 =	vld.idx.msk [tilespmem:v8+s18+$0x0], $0xffff  }
0x122: {  	v14 =	vadd.s32 s15, v6;
	v9 =	vld.idx.msk [tilespmem:v9+s18+$0x0], $0xffff  }
0x123: {  	s16 =	simm.s32 $0x0;
	v15 =	vadd.s32 s15, v7;
	v10 =	vld.idx.msk [tilespmem:v10+s18+$0x0], $0xffff  }
0x124: {  	v16 =	vadd.s32 s16, v0;
	v11 =	vld.idx.msk [tilespmem:v11+s18+$0x0], $0xffff  }
0x125: {  	v17 =	vadd.s32 s16, v1;
	v12 =	vld.idx.msk [tilespmem:v12+s18+$0x0], $0xffff  }
0x126: {  	v18 =	vadd.s32 s16, v2;
	v13 =	vld.idx.msk [tilespmem:v13+s18+$0x0], $0xffff  }
0x127: {  	v19 =	vadd.s32 s16, v3;
	v14 =	vld.idx.msk [tilespmem:v14+s18+$0x0], $0xffff  }
0x128: {  	v20 =	vadd.s32 s16, v4;
	v15 =	vld.idx.msk [tilespmem:v15+s18+$0x0], $0xffff  }
0x129: {  	v21 =	vadd.s32 s16, v5;
	v16 =	vld.idx.msk [tilespmem:v16+s18+$0x0], $0xffff  }
0x12a: {  	v22 =	vadd.s32 s16, v6;
	v17 =	vld.idx.msk [tilespmem:v17+s18+$0x0], $0xffff  }
0x12b: {  	v23 =	vadd.s32 s16, v7;
	s31 =	simm.s32 $0x80;
	v18 =	vld.idx.msk [tilespmem:v18+s18+$0x0], $0xffff  }
0x12c: {  	v24 =	vadd.s32 s31, v0;
	v19 =	vld.idx.msk [tilespmem:v19+s18+$0x0], $0xffff  }
0x12d: {  	v25 =	vadd.s32 s31, v1;
	v20 =	vld.idx.msk [tilespmem:v20+s18+$0x0], $0xffff  }
0x12e: {  	v26 =	vadd.s32 s31, v2;
	v21 =	vld.idx.msk [tilespmem:v21+s18+$0x0], $0xffff  }
0x12f: {  	v27 =	vadd.s32 s31, v3;
	v22 =	vld.idx.msk [tilespmem:v22+s18+$0x0], $0xffff  }
0x130: {  	v28 =	vadd.s32 s31, v4;
	v23 =	vld.idx.msk [tilespmem:v23+s18+$0x0], $0xffff  }
0x131: {  	v29 =	vadd.s32 s31, v5;
	v24 =	vld.idx.msk [tilespmem:v24+s18+$0x0], $0xffff  }
0x132: {  	v30 =	vadd.s32 s31, v6;
	v25 =	vld.idx.msk [tilespmem:v25+s18+$0x0], $0xffff  }
0x133: {  	v31 =	vadd.s32 s31, v7;
	s15 =	simm.s32 $0x180;
	v26 =	vld.idx.msk [tilespmem:v26+s18+$0x0], $0xffff  }
0x134: {  	v53 =	vadd.s32 s15, v0;
	v27 =	vld.idx.msk [tilespmem:v27+s18+$0x0], $0xffff  }
0x135: {  	v54 =	vadd.s32 s15, v7;
	v28 =	vld.idx.msk [tilespmem:v28+s18+$0x0], $0xffff  }
0x136: {  	v55 =	vadd.s32 s15, v1;
	v29 =	vld.idx.msk [tilespmem:v29+s18+$0x0], $0xffff  }
0x137: {  	v56 =	vadd.s32 s15, v2;
	v30 =	vld.idx.msk [tilespmem:v30+s18+$0x0], $0xffff  }
0x138: {  	v57 =	vadd.s32 s15, v3;
	s10 =	simm.s32 $0x100;
	v31 =	vld.idx.msk [tilespmem:v31+s18+$0x0], $0xffff  }
0x139: {  	v45 =	vadd.s32 s10, v0;
	v40 =	vld.idx.msk [tilespmem:v53+s18+$0x0], $0xffff  }
0x13a: {  	v46 =	vadd.s32 s10, v1;
	v41 =	vld.idx.msk [tilespmem:v54+s18+$0x0], $0xffff  }
0x13b: {  	v47 =	vadd.s32 s10, v2;
	v42 =	vld.idx.msk [tilespmem:v55+s18+$0x0], $0xffff  }
0x13c: {  	v48 =	vadd.s32 s10, v3;
	v43 =	vld.idx.msk [tilespmem:v56+s18+$0x0], $0xffff  }
0x13d: {  	v49 =	vadd.s32 s10, v4;
	v44 =	vld.idx.msk [tilespmem:v57+s18+$0x0], $0xffff  }
0x13e: {  	v50 =	vadd.s32 s10, v5;
	v32 =	vld.idx.msk [tilespmem:v45+s18+$0x0], $0xffff  }
0x13f: {  	v51 =	vadd.s32 s10, v6;
	v33 =	vld.idx.msk [tilespmem:v46+s18+$0x0], $0xffff  }
0x140: {  	v52 =	vadd.s32 s10, v7;
	v34 =	vld.idx.msk [tilespmem:v47+s18+$0x0], $0xffff  }
0x141: {  	v58 =	vadd.s32 s15, v4;
	v35 =	vld.idx.msk [tilespmem:v48+s18+$0x0], $0xffff  }
0x142: {  	v59 =	vadd.s32 s15, v5;
	v36 =	vld.idx.msk [tilespmem:v49+s18+$0x0], $0xffff  }
0x143: {  	v60 =	vadd.s32 s15, v6;
	v37 =	vld.idx.msk [tilespmem:v50+s18+$0x0], $0xffff  }
0x144: {  	v38 =	vld.idx.msk [tilespmem:v51+s18+$0x0], $0xffff  }
0x145: {  	v39 =	vld.idx.msk [tilespmem:v52+s18+$0x0], $0xffff  }
0x146: {  	v45 =	vld.idx.msk [tilespmem:v58+s18+$0x0], $0xffff  }
0x147: {  	s15 =	simm.s32 $0x8DC0;
	v46 =	vld.idx.msk [tilespmem:v59+s18+$0x0], $0xffff  }
0x148: {  	v47 =	vld.idx.msk [tilespmem:v60+s18+$0x0], $0xffff;
	[tilespmem:s15+$0xB0] =	vst v41  }
0x149: {  	[tilespmem:s15+$0xFFFFFEC0] =	vst v16  }
0x14a: {  	[tilespmem:s15+$0xFFFFFED0] =	vst v17  }
0x14b: {  	[tilespmem:s15+$0xFFFFFEE0] =	vst v18  }
0x14c: {  	[tilespmem:s15+$0xFFFFFEF0] =	vst v19  }
0x14d: {  	[tilespmem:s15+$0xFFFFFF00] =	vst v20  }
0x14e: {  	[tilespmem:s15+$0xFFFFFF10] =	vst v21  }
0x14f: {  	[tilespmem:s15+$0xFFFFFF20] =	vst v22  }
0x150: {  	[tilespmem:s15+$0xFFFFFF30] =	vst v23  }
0x151: {  	[tilespmem:s15+$0xFFFFFF40] =	vst v24  }
0x152: {  	[tilespmem:s15+$0xFFFFFF50] =	vst v25  }
0x153: {  	[tilespmem:s15+$0xFFFFFF60] =	vst v26  }
0x154: {  	[tilespmem:s15+$0xFFFFFF70] =	vst v27  }
0x155: {  	[tilespmem:s15+$0xFFFFFF80] =	vst v28  }
0x156: {  	[tilespmem:s15+$0xFFFFFF90] =	vst v29  }
0x157: {  	[tilespmem:s15+$0xFFFFFFA0] =	vst v30  }
0x158: {  	[tilespmem:s15+$0xFFFFFFB0] =	vst v31  }
0x159: {  	[tilespmem:s15+$0x40] =	vst v40  }
0x15a: {  	[tilespmem:s15+$0x50] =	vst v42  }
0x15b: {  	[tilespmem:s15+$0x60] =	vst v43  }
0x15c: {  	[tilespmem:s15+$0x70] =	vst v44  }
0x15d: {  	[tilespmem:s15+$0xC0] =	vst v8  }
0x15e: {  	[tilespmem:s15+$0xD0] =	vst v9  }
0x15f: {  	[tilespmem:s15+$0xE0] =	vst v10  }
0x160: {  	[tilespmem:s15+$0xF0] =	vst v11  }
0x161: {  	[tilespmem:s15+$0x100] =	vst v12  }
0x162: {  	[tilespmem:s15+$0x110] =	vst v13  }
0x163: {  	[tilespmem:s15+$0x120] =	vst v14  }
0x164: {  	[tilespmem:s15+$0x130] =	vst v15  }
0x165: {  	[tilespmem:s15+$0xFFFFFFC0] =	vst v32  }
0x166: {  	[tilespmem:s15+$0xFFFFFFD0] =	vst v33  }
0x167: {  	[tilespmem:s15+$0xFFFFFFE0] =	vst v34  }
0x168: {  	[tilespmem:s15+$0xFFFFFFF0] =	vst v35  }
0x169: {  	[tilespmem:s15+$0x0] =	vst v36  }
0x16a: {  	s16 =	simm.s32 $0x480;
	[tilespmem:s15+$0x10] =	vst v37  }
0x16b: {  	v8 =	vadd.s32 s16, v0;
	[tilespmem:s15+$0x20] =	vst v38  }
0x16c: {  	v9 =	vadd.s32 s16, v1;
	[tilespmem:s15+$0x30] =	vst v39  }
0x16d: {  	v10 =	vadd.s32 s16, v2;
	[tilespmem:s15+$0x80] =	vst v45  }
0x16e: {  	v11 =	vadd.s32 s16, v3;
	[tilespmem:s15+$0x90] =	vst v46  }
0x16f: {  	v12 =	vadd.s32 s16, v4;
	[tilespmem:s15+$0xA0] =	vst v47  }
0x170: {  	v13 =	vadd.s32 s16, v5;
	v8 =	vld.idx.msk [tilespmem:v8+s18+$0x0], $0xffff  }
0x171: {  	v14 =	vadd.s32 s16, v6;
	v9 =	vld.idx.msk [tilespmem:v9+s18+$0x0], $0xffff  }
0x172: {  	s31 =	simm.s32 $0x280;
	v15 =	vadd.s32 s16, v7;
	v10 =	vld.idx.msk [tilespmem:v10+s18+$0x0], $0xffff  }
0x173: {  	v16 =	vadd.s32 s31, v0;
	v11 =	vld.idx.msk [tilespmem:v11+s18+$0x0], $0xffff  }
0x174: {  	v17 =	vadd.s32 s31, v1;
	v12 =	vld.idx.msk [tilespmem:v12+s18+$0x0], $0xffff  }
0x175: {  	v18 =	vadd.s32 s31, v2;
	v13 =	vld.idx.msk [tilespmem:v13+s18+$0x0], $0xffff  }
0x176: {  	v19 =	vadd.s32 s31, v3;
	v14 =	vld.idx.msk [tilespmem:v14+s18+$0x0], $0xffff  }
0x177: {  	v20 =	vadd.s32 s31, v4;
	v15 =	vld.idx.msk [tilespmem:v15+s18+$0x0], $0xffff  }
0x178: {  	v21 =	vadd.s32 s31, v5;
	v16 =	vld.idx.msk [tilespmem:v16+s18+$0x0], $0xffff  }
0x179: {  	v22 =	vadd.s32 s31, v6;
	v17 =	vld.idx.msk [tilespmem:v17+s18+$0x0], $0xffff  }
0x17a: {  	v23 =	vadd.s32 s31, v7;
	s16 =	simm.s32 $0x300;
	v18 =	vld.idx.msk [tilespmem:v18+s18+$0x0], $0xffff  }
0x17b: {  	v24 =	vadd.s32 s16, v0;
	v19 =	vld.idx.msk [tilespmem:v19+s18+$0x0], $0xffff  }
0x17c: {  	v25 =	vadd.s32 s16, v1;
	v20 =	vld.idx.msk [tilespmem:v20+s18+$0x0], $0xffff  }
0x17d: {  	v26 =	vadd.s32 s16, v2;
	v21 =	vld.idx.msk [tilespmem:v21+s18+$0x0], $0xffff  }
0x17e: {  	v27 =	vadd.s32 s16, v3;
	v22 =	vld.idx.msk [tilespmem:v22+s18+$0x0], $0xffff  }
0x17f: {  	v28 =	vadd.s32 s16, v4;
	v23 =	vld.idx.msk [tilespmem:v23+s18+$0x0], $0xffff  }
0x180: {  	v29 =	vadd.s32 s16, v5;
	v24 =	vld.idx.msk [tilespmem:v24+s18+$0x0], $0xffff  }
0x181: {  	v30 =	vadd.s32 s16, v6;
	v25 =	vld.idx.msk [tilespmem:v25+s18+$0x0], $0xffff  }
0x182: {  	s31 =	simm.s32 $0x380;
	v31 =	vadd.s32 s16, v7;
	v26 =	vld.idx.msk [tilespmem:v26+s18+$0x0], $0xffff  }
0x183: {  	v61 =	vadd.s32 s31, v0;
	v27 =	vld.idx.msk [tilespmem:v27+s18+$0x0], $0xffff  }
0x184: {  	v62 =	vadd.s32 s31, v1;
	v28 =	vld.idx.msk [tilespmem:v28+s18+$0x0], $0xffff  }
0x185: {  	v63 =	vadd.s32 s31, v2;
	v29 =	vld.idx.msk [tilespmem:v29+s18+$0x0], $0xffff  }
0x186: {  	v38 =	vadd.s32 s31, v3;
	v30 =	vld.idx.msk [tilespmem:v30+s18+$0x0], $0xffff  }
0x187: {  	v35 =	vadd.s32 s31, v4;
	v31 =	vld.idx.msk [tilespmem:v31+s18+$0x0], $0xffff  }
0x188: {  	v39 =	vadd.s32 s31, v5;
	v32 =	vld.idx.msk [tilespmem:v61+s18+$0x0], $0xffff  }
0x189: {  	s9 =	sadd.s32 $0x1, s9;
	s10 =	sadd.s32 s8, s4;
	v36 =	vadd.s32 s31, v6;
	v33 =	vld.idx.msk [tilespmem:v62+s18+$0x0], $0xffff  }
0x18a: {  	s30 =	simm.s32 $0x400;
	s7 =	sadd.s32 $0x1, s10;
	s16 =	simm.s32 $0xE;
	v37 =	vadd.s32 s31, v7;
	v34 =	vld.idx.msk [tilespmem:v63+s18+$0x0], $0xffff  }
.LBB2_5:
0x18b: {  	p2 =	sne.s32 s16, $0x31;
	v38 =	vld.idx.msk [tilespmem:v38+s18+$0x0], $0xffff;
	v40 =	vadd.s32 s30, v0  }
0x18c: {  	v41 =	vadd.s32 s30, v7;
	v35 =	vld.idx.msk [tilespmem:v35+s18+$0x0], $0xffff  }
0x18d: {  	v42 =	vadd.s32 s30, v1;
	v39 =	vld.idx.msk [tilespmem:v39+s18+$0x0], $0xffff  }
0x18e: {  	v43 =	vadd.s32 s30, v2;
	v36 =	vld.idx.msk [tilespmem:v36+s18+$0x0], $0xffff  }
0x18f: {  	v44 =	vadd.s32 s30, v3;
	v37 =	vld.idx.msk [tilespmem:v37+s18+$0x0], $0xffff  }
0x190: {  	v45 =	vadd.s32 s30, v4;
	v40 =	vld.idx.msk [tilespmem:v40+s18+$0x0], $0xffff  }
0x191: {  	v46 =	vadd.s32 s30, v5;
	v41 =	vld.idx.msk [tilespmem:v41+s18+$0x0], $0xffff  }
0x192: {  	v47 =	vadd.s32 s30, v6;
	v42 =	vld.idx.msk [tilespmem:v42+s18+$0x0], $0xffff  }
0x193: {  	v43 =	vld.idx.msk [tilespmem:v43+s18+$0x0], $0xffff  }
0x194: {  	v44 =	vld.idx.msk [tilespmem:v44+s18+$0x0], $0xffff  }
0x195: {  	v45 =	vld.idx.msk [tilespmem:v45+s18+$0x0], $0xffff  }
0x196: {  	s15 =	sadd.s32 $0x280, s15;
	v46 =	vld.idx.msk [tilespmem:v46+s18+$0x0], $0xffff  }
0x197: {  	v47 =	vld.idx.msk [tilespmem:v47+s18+$0x0], $0xffff;
	[tilespmem:s15+$0xB0] =	vst v41  }
0x198: {  	[tilespmem:s15+$0xFFFFFEC0] =	vst v16  }
0x199: {  	[tilespmem:s15+$0xFFFFFED0] =	vst v17  }
0x19a: {  	[tilespmem:s15+$0xFFFFFEE0] =	vst v18  }
0x19b: {  	[tilespmem:s15+$0xFFFFFEF0] =	vst v19  }
0x19c: {  	[tilespmem:s15+$0xFFFFFF00] =	vst v20  }
0x19d: {  	[tilespmem:s15+$0xFFFFFF10] =	vst v21  }
0x19e: {  	[tilespmem:s15+$0xFFFFFF20] =	vst v22  }
0x19f: {  	[tilespmem:s15+$0xFFFFFF30] =	vst v23  }
0x1a0: {  	[tilespmem:s15+$0xFFFFFF40] =	vst v24  }
0x1a1: {  	[tilespmem:s15+$0xFFFFFF50] =	vst v25  }
0x1a2: {  	[tilespmem:s15+$0xFFFFFF60] =	vst v26  }
0x1a3: {  	[tilespmem:s15+$0xFFFFFF70] =	vst v27  }
0x1a4: {  	[tilespmem:s15+$0xFFFFFF80] =	vst v28  }
0x1a5: {  	[tilespmem:s15+$0xFFFFFF90] =	vst v29  }
0x1a6: {  	[tilespmem:s15+$0xFFFFFFA0] =	vst v30  }
0x1a7: {  	[tilespmem:s15+$0xFFFFFFB0] =	vst v31  }
0x1a8: {  	[tilespmem:s15+$0xFFFFFFC0] =	vst v32  }
0x1a9: {  	[tilespmem:s15+$0xFFFFFFD0] =	vst v33  }
0x1aa: {  	[tilespmem:s15+$0xFFFFFFE0] =	vst v34  }
0x1ab: {  	[tilespmem:s15+$0xFFFFFFF0] =	vst v38  }
0x1ac: {  	[tilespmem:s15+$0x0] =	vst v35  }
0x1ad: {  	[tilespmem:s15+$0x10] =	vst v39  }
0x1ae: {  	[tilespmem:s15+$0x20] =	vst v36  }
0x1af: {  	[tilespmem:s15+$0x30] =	vst v37  }
0x1b0: {  	[tilespmem:s15+$0x40] =	vst v40  }
0x1b1: {  	[tilespmem:s15+$0x50] =	vst v42  }
0x1b2: {  	[tilespmem:s15+$0x60] =	vst v43  }
0x1b3: {  	[tilespmem:s15+$0x70] =	vst v44  }
0x1b4: {  	[tilespmem:s15+$0x80] =	vst v45  }
0x1b5: {  	[tilespmem:s15+$0x90] =	vst v46  }
0x1b6: {  	[tilespmem:s15+$0xA0] =	vst v47  }
0x1b7: {  	[tilespmem:s15+$0xC0] =	vst v8  }
0x1b8: {  	[tilespmem:s15+$0xD0] =	vst v9  }
0x1b9: {  	s30 =	sshll.u32 s16, $0x7;
	[tilespmem:s15+$0xE0] =	vst v10  }
0x1ba: {  	v8 =	vadd.s32 s30, v0;
	[tilespmem:s15+$0xF0] =	vst v11  }
0x1bb: {  	v9 =	vadd.s32 s30, v1;
	[tilespmem:s15+$0x100] =	vst v12  }
0x1bc: {  	v10 =	vadd.s32 s30, v2;
	[tilespmem:s15+$0x110] =	vst v13  }
0x1bd: {  	v11 =	vadd.s32 s30, v3;
	[tilespmem:s15+$0x120] =	vst v14  }
0x1be: {  	v12 =	vadd.s32 s30, v4;
	[tilespmem:s15+$0x130] =	vst v15  }
0x1bf: {  	v13 =	vadd.s32 s30, v5;
	v8 =	vld.idx.msk [tilespmem:v8+s18+$0x0], $0xffff  }
0x1c0: {  	v14 =	vadd.s32 s30, v6;
	v9 =	vld.idx.msk [tilespmem:v9+s18+$0x0], $0xffff  }
0x1c1: {  	s31 =	sadd.s32 $0xFFFFFE00, s30;
	v15 =	vadd.s32 s30, v7;
	v10 =	vld.idx.msk [tilespmem:v10+s18+$0x0], $0xffff  }
0x1c2: {  	v16 =	vadd.s32 s31, v0;
	v11 =	vld.idx.msk [tilespmem:v11+s18+$0x0], $0xffff  }
0x1c3: {  	v17 =	vadd.s32 s31, v1;
	v12 =	vld.idx.msk [tilespmem:v12+s18+$0x0], $0xffff  }
0x1c4: {  	v18 =	vadd.s32 s31, v2;
	v13 =	vld.idx.msk [tilespmem:v13+s18+$0x0], $0xffff  }
0x1c5: {  	v19 =	vadd.s32 s31, v3;
	v14 =	vld.idx.msk [tilespmem:v14+s18+$0x0], $0xffff  }
0x1c6: {  	v20 =	vadd.s32 s31, v4;
	v15 =	vld.idx.msk [tilespmem:v15+s18+$0x0], $0xffff  }
0x1c7: {  	v21 =	vadd.s32 s31, v5;
	v16 =	vld.idx.msk [tilespmem:v16+s18+$0x0], $0xffff  }
0x1c8: {  	v22 =	vadd.s32 s31, v6;
	v17 =	vld.idx.msk [tilespmem:v17+s18+$0x0], $0xffff  }
0x1c9: {  	v23 =	vadd.s32 s31, v7;
	s31 =	sadd.s32 $0xFFFFFE80, s30;
	v18 =	vld.idx.msk [tilespmem:v18+s18+$0x0], $0xffff  }
0x1ca: {  	v24 =	vadd.s32 s31, v0;
	v19 =	vld.idx.msk [tilespmem:v19+s18+$0x0], $0xffff  }
0x1cb: {  	v25 =	vadd.s32 s31, v1;
	v20 =	vld.idx.msk [tilespmem:v20+s18+$0x0], $0xffff  }
0x1cc: {  	v26 =	vadd.s32 s31, v2;
	v21 =	vld.idx.msk [tilespmem:v21+s18+$0x0], $0xffff  }
0x1cd: {  	v27 =	vadd.s32 s31, v3;
	v22 =	vld.idx.msk [tilespmem:v22+s18+$0x0], $0xffff  }
0x1ce: {  	v28 =	vadd.s32 s31, v4;
	v23 =	vld.idx.msk [tilespmem:v23+s18+$0x0], $0xffff  }
0x1cf: {  	v29 =	vadd.s32 s31, v5;
	v24 =	vld.idx.msk [tilespmem:v24+s18+$0x0], $0xffff  }
0x1d0: {  	v30 =	vadd.s32 s31, v6;
	v25 =	vld.idx.msk [tilespmem:v25+s18+$0x0], $0xffff  }
0x1d1: {  	v31 =	vadd.s32 s31, v7;
	s31 =	sadd.s32 $0xFFFFFF00, s30;
	v26 =	vld.idx.msk [tilespmem:v26+s18+$0x0], $0xffff  }
0x1d2: {  	v32 =	vadd.s32 s31, v0;
	v27 =	vld.idx.msk [tilespmem:v27+s18+$0x0], $0xffff  }
0x1d3: {  	v33 =	vadd.s32 s31, v1;
	v28 =	vld.idx.msk [tilespmem:v28+s18+$0x0], $0xffff  }
0x1d4: {  	v34 =	vadd.s32 s31, v2;
	v29 =	vld.idx.msk [tilespmem:v29+s18+$0x0], $0xffff  }
.Ltmp1:
0x1d5: {  	v38 =	vadd.s32 s31, v3;
	v30 =	vld.idx.msk [tilespmem:v30+s18+$0x0], $0xffff;
	(pc) =	sbr.rel @p2 .LBB2_5-.Ltmp1, $4  }
0x1d6: {  	v35 =	vadd.s32 s31, v4;
	v31 =	vld.idx.msk [tilespmem:v31+s18+$0x0], $0xffff  }
0x1d7: {  	v39 =	vadd.s32 s31, v5;
	v32 =	vld.idx.msk [tilespmem:v32+s18+$0x0], $0xffff  }
0x1d8: {  	v36 =	vadd.s32 s31, v6;
	v33 =	vld.idx.msk [tilespmem:v33+s18+$0x0], $0xffff  }
0x1d9: {  	s16 =	sadd.s32 $0x5, s16;
	v37 =	vadd.s32 s31, v7;
	s30 =	sadd.s32 $0xFFFFFF80, s30;
	v34 =	vld.idx.msk [tilespmem:v34+s18+$0x0], $0xffff  }
0x1da: {  	_ =	sdelay $0x3  }
0x1db: {  	v38 =	vld.idx.msk [tilespmem:v38+s18+$0x0], $0xffff;
	v40 =	vadd.s32 s30, v0  }
0x1dc: {  	v35 =	vld.idx.msk [tilespmem:v35+s18+$0x0], $0xffff;
	v41 =	vadd.s32 s30, v7  }
0x1dd: {  	v39 =	vld.idx.msk [tilespmem:v39+s18+$0x0], $0xffff;
	v42 =	vadd.s32 s30, v1  }
0x1de: {  	v36 =	vld.idx.msk [tilespmem:v36+s18+$0x0], $0xffff;
	v43 =	vadd.s32 s30, v2  }
0x1df: {  	v37 =	vld.idx.msk [tilespmem:v37+s18+$0x0], $0xffff;
	v44 =	vadd.s32 s30, v3  }
0x1e0: {  	v45 =	vadd.s32 s30, v4;
	v40 =	vld.idx.msk [tilespmem:v40+s18+$0x0], $0xffff  }
0x1e1: {  	v46 =	vadd.s32 s30, v5;
	v41 =	vld.idx.msk [tilespmem:v41+s18+$0x0], $0xffff  }
0x1e2: {  	v47 =	vadd.s32 s30, v6;
	v42 =	vld.idx.msk [tilespmem:v42+s18+$0x0], $0xffff  }
0x1e3: {  	v43 =	vld.idx.msk [tilespmem:v43+s18+$0x0], $0xffff  }
0x1e4: {  	v44 =	vld.idx.msk [tilespmem:v44+s18+$0x0], $0xffff  }
0x1e5: {  	v45 =	vld.idx.msk [tilespmem:v45+s18+$0x0], $0xffff  }
0x1e6: {  	s15 =	sadd.s32 $0x280, s15;
	v46 =	vld.idx.msk [tilespmem:v46+s18+$0x0], $0xffff  }
0x1e7: {  	v47 =	vld.idx.msk [tilespmem:v47+s18+$0x0], $0xffff;
	[tilespmem:s15+$0xFFFFFEC0] =	vst v16  }
0x1e8: {  	[tilespmem:s15+$0xFFFFFED0] =	vst v17  }
0x1e9: {  	[tilespmem:s15+$0xFFFFFEE0] =	vst v18  }
0x1ea: {  	[tilespmem:s15+$0xFFFFFEF0] =	vst v19  }
0x1eb: {  	[tilespmem:s15+$0xFFFFFF00] =	vst v20  }
0x1ec: {  	[tilespmem:s15+$0xFFFFFF10] =	vst v21  }
0x1ed: {  	[tilespmem:s15+$0xFFFFFF20] =	vst v22  }
0x1ee: {  	[tilespmem:s15+$0xFFFFFF30] =	vst v23  }
0x1ef: {  	[tilespmem:s15+$0xFFFFFF40] =	vst v24  }
0x1f0: {  	[tilespmem:s15+$0xFFFFFF50] =	vst v25  }
0x1f1: {  	[tilespmem:s15+$0xFFFFFF60] =	vst v26  }
0x1f2: {  	[tilespmem:s15+$0xFFFFFF70] =	vst v27  }
0x1f3: {  	[tilespmem:s15+$0xFFFFFF80] =	vst v28  }
0x1f4: {  	[tilespmem:s15+$0xFFFFFF90] =	vst v29  }
0x1f5: {  	[tilespmem:s15+$0xFFFFFFA0] =	vst v30  }
0x1f6: {  	[tilespmem:s15+$0xFFFFFFB0] =	vst v31  }
0x1f7: {  	[tilespmem:s15+$0xFFFFFFC0] =	vst v32  }
0x1f8: {  	[tilespmem:s15+$0xFFFFFFD0] =	vst v33  }
0x1f9: {  	[tilespmem:s15+$0xFFFFFFE0] =	vst v34  }
0x1fa: {  	[tilespmem:s15+$0xFFFFFFF0] =	vst v38  }
0x1fb: {  	[tilespmem:s15+$0x0] =	vst v35  }
0x1fc: {  	[tilespmem:s15+$0x10] =	vst v39  }
0x1fd: {  	[tilespmem:s15+$0x20] =	vst v36  }
0x1fe: {  	[tilespmem:s15+$0x30] =	vst v37  }
0x1ff: {  	[tilespmem:s15+$0xC0] =	vst v8  }
0x200: {  	[tilespmem:s15+$0xD0] =	vst v9  }
0x201: {  	[tilespmem:s15+$0xE0] =	vst v10  }
0x202: {  	[tilespmem:s15+$0xF0] =	vst v11  }
0x203: {  	[tilespmem:s15+$0x100] =	vst v12  }
0x204: {  	[tilespmem:s15+$0x110] =	vst v13  }
0x205: {  	[tilespmem:s15+$0x120] =	vst v14  }
0x206: {  	[tilespmem:s15+$0x130] =	vst v15  }
0x207: {  	[tilespmem:s15+$0xB0] =	vst v41  }
0x208: {  	[tilespmem:s15+$0x40] =	vst v40  }
0x209: {  	[tilespmem:s15+$0x50] =	vst v42  }
0x20a: {  	[tilespmem:s15+$0x60] =	vst v43  }
0x20b: {  	[tilespmem:s15+$0x70] =	vst v44  }
0x20c: {  	s7 =	smul.u32 $0x380, s7;
	[tilespmem:s15+$0x80] =	vst v45  }
0x20d: {  	s16 =	sadd.s32 @!p0 s8, s12;
	[tilespmem:s15+$0x90] =	vst v46  }
0x20e: {  	s7 =	sadd.s32 s6, s7;
	[tilespmem:s15+$0xA0] =	vst v47;
	s15 =	smul.u32 @!p0 $0x380, s16  }
0x20f: {  	[hbm4b:s7+s3] =	stream.linear.scatter [tilespmem:s24], [sflag:$0x6], $0x1900, $0x38;
	[tilespmem:$0xE080] =	vst v63  }
0x210: {  	s16 =	simm.s32 @!p0 $0x1C80;
	s7 =	sadd.s32 @!p0 s5, s15;
	s15 =	simm.s32 @!p0 $0x0  }
0x211: {  	[tilespmem:s16], [sflag:$0x2] =	stream.linear.gather @!p0 [hbm4b:s7+s15], $0x1900, $0x38;
	[tilespmem:$0xE080] =	vst v63  }
0x212: {  	s16 =	simm.s32 $0x200;
	_ =	swait.ge [sflag:s25], $0x1900  }
0x213: {  	v8 =	vadd.s32 s16, v0;
	[sflag:s25] =	ssyncset.done $0x0  }
0x214: {  	s15 =	simm.s32 @!p1 $0x7;
	v9 =	vadd.s32 s16, v1;
	[sflag:s25] =	ssyncadd.s32 $0xFFFFE700  }
0x215: {  	v10 =	vadd.s32 s16, v2;
	_ =	swait.ge @!p1 [sflag:s15], $0x1900  }
0x216: {  	v11 =	vadd.s32 s16, v3;
	[sflag:s15] =	ssyncset.done @!p1 $0x0  }
0x217: {  	v12 =	vadd.s32 s16, v4;
	[sflag:s15] =	ssyncadd.s32 @!p1 $0xFFFFE700  }
0x218: {  	v13 =	vadd.s32 s16, v5;
	v8 =	vld.idx.msk [tilespmem:v8+s19+$0x0], $0xffff  }
0x219: {  	v14 =	vadd.s32 s16, v6;
	v9 =	vld.idx.msk [tilespmem:v9+s19+$0x0], $0xffff  }
0x21a: {  	s31 =	simm.s32 $0x0;
	v15 =	vadd.s32 s16, v7;
	v10 =	vld.idx.msk [tilespmem:v10+s19+$0x0], $0xffff  }
0x21b: {  	v16 =	vadd.s32 s31, v0;
	v11 =	vld.idx.msk [tilespmem:v11+s19+$0x0], $0xffff  }
0x21c: {  	v17 =	vadd.s32 s31, v1;
	v12 =	vld.idx.msk [tilespmem:v12+s19+$0x0], $0xffff  }
0x21d: {  	v18 =	vadd.s32 s31, v2;
	v13 =	vld.idx.msk [tilespmem:v13+s19+$0x0], $0xffff  }
0x21e: {  	v19 =	vadd.s32 s31, v3;
	v14 =	vld.idx.msk [tilespmem:v14+s19+$0x0], $0xffff  }
0x21f: {  	v20 =	vadd.s32 s31, v4;
	v15 =	vld.idx.msk [tilespmem:v15+s19+$0x0], $0xffff  }
0x220: {  	v21 =	vadd.s32 s31, v5;
	v16 =	vld.idx.msk [tilespmem:v16+s19+$0x0], $0xffff  }
0x221: {  	v22 =	vadd.s32 s31, v6;
	v17 =	vld.idx.msk [tilespmem:v17+s19+$0x0], $0xffff  }
0x222: {  	v23 =	vadd.s32 s31, v7;
	s16 =	simm.s32 $0x80;
	v18 =	vld.idx.msk [tilespmem:v18+s19+$0x0], $0xffff  }
0x223: {  	v24 =	vadd.s32 s16, v0;
	v19 =	vld.idx.msk [tilespmem:v19+s19+$0x0], $0xffff  }
0x224: {  	v25 =	vadd.s32 s16, v1;
	v20 =	vld.idx.msk [tilespmem:v20+s19+$0x0], $0xffff  }
0x225: {  	v26 =	vadd.s32 s16, v2;
	v21 =	vld.idx.msk [tilespmem:v21+s19+$0x0], $0xffff  }
0x226: {  	v27 =	vadd.s32 s16, v3;
	v22 =	vld.idx.msk [tilespmem:v22+s19+$0x0], $0xffff  }
0x227: {  	v28 =	vadd.s32 s16, v4;
	v23 =	vld.idx.msk [tilespmem:v23+s19+$0x0], $0xffff  }
0x228: {  	v29 =	vadd.s32 s16, v5;
	v24 =	vld.idx.msk [tilespmem:v24+s19+$0x0], $0xffff  }
0x229: {  	v30 =	vadd.s32 s16, v6;
	v25 =	vld.idx.msk [tilespmem:v25+s19+$0x0], $0xffff  }
0x22a: {  	s31 =	simm.s32 $0x100;
	v31 =	vadd.s32 s16, v7;
	v26 =	vld.idx.msk [tilespmem:v26+s19+$0x0], $0xffff  }
0x22b: {  	v45 =	vadd.s32 s31, v0;
	v27 =	vld.idx.msk [tilespmem:v27+s19+$0x0], $0xffff  }
0x22c: {  	v46 =	vadd.s32 s31, v1;
	v28 =	vld.idx.msk [tilespmem:v28+s19+$0x0], $0xffff  }
0x22d: {  	v47 =	vadd.s32 s31, v2;
	v29 =	vld.idx.msk [tilespmem:v29+s19+$0x0], $0xffff  }
0x22e: {  	v48 =	vadd.s32 s31, v3;
	v30 =	vld.idx.msk [tilespmem:v30+s19+$0x0], $0xffff  }
0x22f: {  	v49 =	vadd.s32 s31, v4;
	v31 =	vld.idx.msk [tilespmem:v31+s19+$0x0], $0xffff  }
0x230: {  	v50 =	vadd.s32 s31, v5;
	v32 =	vld.idx.msk [tilespmem:v45+s19+$0x0], $0xffff  }
0x231: {  	v51 =	vadd.s32 s31, v6;
	v33 =	vld.idx.msk [tilespmem:v46+s19+$0x0], $0xffff  }
0x232: {  	v52 =	vadd.s32 s31, v7;
	s15 =	simm.s32 $0x180;
	v34 =	vld.idx.msk [tilespmem:v47+s19+$0x0], $0xffff  }
0x233: {  	v35 =	vld.idx.msk [tilespmem:v48+s19+$0x0], $0xffff;
	v53 =	vadd.s32 s15, v0  }
0x234: {  	v36 =	vld.idx.msk [tilespmem:v49+s19+$0x0], $0xffff;
	v54 =	vadd.s32 s15, v7  }
0x235: {  	v37 =	vld.idx.msk [tilespmem:v50+s19+$0x0], $0xffff;
	v55 =	vadd.s32 s15, v1  }
0x236: {  	v38 =	vld.idx.msk [tilespmem:v51+s19+$0x0], $0xffff;
	v56 =	vadd.s32 s15, v2  }
0x237: {  	v39 =	vld.idx.msk [tilespmem:v52+s19+$0x0], $0xffff;
	v57 =	vadd.s32 s15, v3  }
0x238: {  	v58 =	vadd.s32 s15, v4;
	v40 =	vld.idx.msk [tilespmem:v53+s19+$0x0], $0xffff  }
0x239: {  	v59 =	vadd.s32 s15, v5;
	v41 =	vld.idx.msk [tilespmem:v54+s19+$0x0], $0xffff  }
0x23a: {  	v60 =	vadd.s32 s15, v6;
	v42 =	vld.idx.msk [tilespmem:v55+s19+$0x0], $0xffff  }
0x23b: {  	v43 =	vld.idx.msk [tilespmem:v56+s19+$0x0], $0xffff  }
0x23c: {  	v44 =	vld.idx.msk [tilespmem:v57+s19+$0x0], $0xffff  }
0x23d: {  	v45 =	vld.idx.msk [tilespmem:v58+s19+$0x0], $0xffff  }
0x23e: {  	s15 =	simm.s32 $0xA9C0;
	v46 =	vld.idx.msk [tilespmem:v59+s19+$0x0], $0xffff  }
0x23f: {  	v47 =	vld.idx.msk [tilespmem:v60+s19+$0x0], $0xffff;
	[tilespmem:s15+$0xFFFFFEC0] =	vst v16  }
0x240: {  	[tilespmem:s15+$0xFFFFFED0] =	vst v17  }
0x241: {  	[tilespmem:s15+$0xFFFFFEE0] =	vst v18  }
0x242: {  	[tilespmem:s15+$0xFFFFFEF0] =	vst v19  }
0x243: {  	[tilespmem:s15+$0xFFFFFF00] =	vst v20  }
0x244: {  	[tilespmem:s15+$0xFFFFFF10] =	vst v21  }
0x245: {  	[tilespmem:s15+$0xFFFFFF20] =	vst v22  }
0x246: {  	[tilespmem:s15+$0xFFFFFF30] =	vst v23  }
0x247: {  	[tilespmem:s15+$0xFFFFFF40] =	vst v24  }
0x248: {  	[tilespmem:s15+$0xFFFFFF50] =	vst v25  }
0x249: {  	[tilespmem:s15+$0xFFFFFF60] =	vst v26  }
0x24a: {  	[tilespmem:s15+$0xFFFFFF70] =	vst v27  }
0x24b: {  	[tilespmem:s15+$0xFFFFFF80] =	vst v28  }
0x24c: {  	[tilespmem:s15+$0xFFFFFF90] =	vst v29  }
0x24d: {  	[tilespmem:s15+$0xFFFFFFA0] =	vst v30  }
0x24e: {  	[tilespmem:s15+$0xFFFFFFB0] =	vst v31  }
0x24f: {  	[tilespmem:s15+$0xFFFFFFC0] =	vst v32  }
0x250: {  	[tilespmem:s15+$0xFFFFFFD0] =	vst v33  }
0x251: {  	[tilespmem:s15+$0xFFFFFFE0] =	vst v34  }
0x252: {  	[tilespmem:s15+$0xFFFFFFF0] =	vst v35  }
0x253: {  	[tilespmem:s15+$0x0] =	vst v36  }
0x254: {  	[tilespmem:s15+$0x10] =	vst v37  }
0x255: {  	[tilespmem:s15+$0x20] =	vst v38  }
0x256: {  	[tilespmem:s15+$0x30] =	vst v39  }
0x257: {  	[tilespmem:s15+$0xC0] =	vst v8  }
0x258: {  	[tilespmem:s15+$0xD0] =	vst v9  }
0x259: {  	[tilespmem:s15+$0xE0] =	vst v10  }
0x25a: {  	[tilespmem:s15+$0xF0] =	vst v11  }
0x25b: {  	[tilespmem:s15+$0x100] =	vst v12  }
0x25c: {  	[tilespmem:s15+$0x110] =	vst v13  }
0x25d: {  	[tilespmem:s15+$0x120] =	vst v14  }
0x25e: {  	[tilespmem:s15+$0x130] =	vst v15  }
0x25f: {  	[tilespmem:s15+$0xB0] =	vst v41  }
0x260: {  	[tilespmem:s15+$0x40] =	vst v40  }
0x261: {  	s16 =	simm.s32 $0x480;
	[tilespmem:s15+$0x50] =	vst v42  }
0x262: {  	v8 =	vadd.s32 s16, v0;
	[tilespmem:s15+$0x60] =	vst v43  }
0x263: {  	v9 =	vadd.s32 s16, v1;
	[tilespmem:s15+$0x70] =	vst v44  }
0x264: {  	v10 =	vadd.s32 s16, v2;
	[tilespmem:s15+$0x80] =	vst v45  }
0x265: {  	v11 =	vadd.s32 s16, v3;
	[tilespmem:s15+$0x90] =	vst v46  }
0x266: {  	v12 =	vadd.s32 s16, v4;
	[tilespmem:s15+$0xA0] =	vst v47  }
0x267: {  	v13 =	vadd.s32 s16, v5;
	v8 =	vld.idx.msk [tilespmem:v8+s19+$0x0], $0xffff  }
0x268: {  	v14 =	vadd.s32 s16, v6;
	v9 =	vld.idx.msk [tilespmem:v9+s19+$0x0], $0xffff  }
0x269: {  	s31 =	simm.s32 $0x280;
	v15 =	vadd.s32 s16, v7;
	v10 =	vld.idx.msk [tilespmem:v10+s19+$0x0], $0xffff  }
0x26a: {  	v16 =	vadd.s32 s31, v0;
	v11 =	vld.idx.msk [tilespmem:v11+s19+$0x0], $0xffff  }
0x26b: {  	v17 =	vadd.s32 s31, v1;
	v12 =	vld.idx.msk [tilespmem:v12+s19+$0x0], $0xffff  }
0x26c: {  	v18 =	vadd.s32 s31, v2;
	v13 =	vld.idx.msk [tilespmem:v13+s19+$0x0], $0xffff  }
0x26d: {  	v19 =	vadd.s32 s31, v3;
	v14 =	vld.idx.msk [tilespmem:v14+s19+$0x0], $0xffff  }
0x26e: {  	v20 =	vadd.s32 s31, v4;
	v15 =	vld.idx.msk [tilespmem:v15+s19+$0x0], $0xffff  }
0x26f: {  	v21 =	vadd.s32 s31, v5;
	v16 =	vld.idx.msk [tilespmem:v16+s19+$0x0], $0xffff  }
0x270: {  	v22 =	vadd.s32 s31, v6;
	v17 =	vld.idx.msk [tilespmem:v17+s19+$0x0], $0xffff  }
0x271: {  	v23 =	vadd.s32 s31, v7;
	s16 =	simm.s32 $0x300;
	v18 =	vld.idx.msk [tilespmem:v18+s19+$0x0], $0xffff  }
0x272: {  	v24 =	vadd.s32 s16, v0;
	v19 =	vld.idx.msk [tilespmem:v19+s19+$0x0], $0xffff  }
0x273: {  	v25 =	vadd.s32 s16, v1;
	v20 =	vld.idx.msk [tilespmem:v20+s19+$0x0], $0xffff  }
0x274: {  	v26 =	vadd.s32 s16, v2;
	v21 =	vld.idx.msk [tilespmem:v21+s19+$0x0], $0xffff  }
0x275: {  	v27 =	vadd.s32 s16, v3;
	v22 =	vld.idx.msk [tilespmem:v22+s19+$0x0], $0xffff  }
0x276: {  	v28 =	vadd.s32 s16, v4;
	v23 =	vld.idx.msk [tilespmem:v23+s19+$0x0], $0xffff  }
0x277: {  	v29 =	vadd.s32 s16, v5;
	v24 =	vld.idx.msk [tilespmem:v24+s19+$0x0], $0xffff  }
0x278: {  	v30 =	vadd.s32 s16, v6;
	v25 =	vld.idx.msk [tilespmem:v25+s19+$0x0], $0xffff  }
0x279: {  	s31 =	simm.s32 $0x380;
	v31 =	vadd.s32 s16, v7;
	v26 =	vld.idx.msk [tilespmem:v26+s19+$0x0], $0xffff  }
0x27a: {  	v61 =	vadd.s32 s31, v0;
	v27 =	vld.idx.msk [tilespmem:v27+s19+$0x0], $0xffff  }
0x27b: {  	v62 =	vadd.s32 s31, v1;
	v28 =	vld.idx.msk [tilespmem:v28+s19+$0x0], $0xffff  }
0x27c: {  	v63 =	vadd.s32 s31, v2;
	v29 =	vld.idx.msk [tilespmem:v29+s19+$0x0], $0xffff  }
0x27d: {  	v38 =	vadd.s32 s31, v3;
	v30 =	vld.idx.msk [tilespmem:v30+s19+$0x0], $0xffff  }
0x27e: {  	v35 =	vadd.s32 s31, v4;
	v31 =	vld.idx.msk [tilespmem:v31+s19+$0x0], $0xffff  }
0x27f: {  	v39 =	vadd.s32 s31, v5;
	v32 =	vld.idx.msk [tilespmem:v61+s19+$0x0], $0xffff  }
0x280: {  	v36 =	vadd.s32 s31, v6;
	v33 =	vld.idx.msk [tilespmem:v62+s19+$0x0], $0xffff  }
0x281: {  	s30 =	simm.s32 $0x400;
	s7 =	sadd.s32 $0x2, s10;
	v37 =	vadd.s32 s31, v7;
	s16 =	simm.s32 $0xE;
	v34 =	vld.idx.msk [tilespmem:v63+s19+$0x0], $0xffff  }
.LBB2_7:
0x282: {  	p2 =	sne.s32 s16, $0x31;
	v38 =	vld.idx.msk [tilespmem:v38+s19+$0x0], $0xffff;
	v40 =	vadd.s32 s30, v0  }
0x283: {  	v41 =	vadd.s32 s30, v7;
	v35 =	vld.idx.msk [tilespmem:v35+s19+$0x0], $0xffff  }
0x284: {  	v42 =	vadd.s32 s30, v1;
	v39 =	vld.idx.msk [tilespmem:v39+s19+$0x0], $0xffff  }
0x285: {  	v43 =	vadd.s32 s30, v2;
	v36 =	vld.idx.msk [tilespmem:v36+s19+$0x0], $0xffff  }
0x286: {  	v44 =	vadd.s32 s30, v3;
	v37 =	vld.idx.msk [tilespmem:v37+s19+$0x0], $0xffff  }
0x287: {  	v45 =	vadd.s32 s30, v4;
	v40 =	vld.idx.msk [tilespmem:v40+s19+$0x0], $0xffff  }
0x288: {  	v46 =	vadd.s32 s30, v5;
	v41 =	vld.idx.msk [tilespmem:v41+s19+$0x0], $0xffff  }
0x289: {  	v47 =	vadd.s32 s30, v6;
	v42 =	vld.idx.msk [tilespmem:v42+s19+$0x0], $0xffff  }
0x28a: {  	v43 =	vld.idx.msk [tilespmem:v43+s19+$0x0], $0xffff  }
0x28b: {  	v44 =	vld.idx.msk [tilespmem:v44+s19+$0x0], $0xffff  }
0x28c: {  	v45 =	vld.idx.msk [tilespmem:v45+s19+$0x0], $0xffff  }
0x28d: {  	s15 =	sadd.s32 $0x280, s15;
	v46 =	vld.idx.msk [tilespmem:v46+s19+$0x0], $0xffff  }
0x28e: {  	v47 =	vld.idx.msk [tilespmem:v47+s19+$0x0], $0xffff;
	[tilespmem:s15+$0xB0] =	vst v41  }
0x28f: {  	[tilespmem:s15+$0xFFFFFEC0] =	vst v16  }
0x290: {  	[tilespmem:s15+$0xFFFFFED0] =	vst v17  }
0x291: {  	[tilespmem:s15+$0xFFFFFEE0] =	vst v18  }
0x292: {  	[tilespmem:s15+$0xFFFFFEF0] =	vst v19  }
0x293: {  	[tilespmem:s15+$0xFFFFFF00] =	vst v20  }
0x294: {  	[tilespmem:s15+$0xFFFFFF10] =	vst v21  }
0x295: {  	[tilespmem:s15+$0xFFFFFF20] =	vst v22  }
0x296: {  	[tilespmem:s15+$0xFFFFFF30] =	vst v23  }
0x297: {  	[tilespmem:s15+$0xFFFFFF40] =	vst v24  }
0x298: {  	[tilespmem:s15+$0xFFFFFF50] =	vst v25  }
0x299: {  	[tilespmem:s15+$0xFFFFFF60] =	vst v26  }
0x29a: {  	[tilespmem:s15+$0xFFFFFF70] =	vst v27  }
0x29b: {  	[tilespmem:s15+$0xFFFFFF80] =	vst v28  }
0x29c: {  	[tilespmem:s15+$0xFFFFFF90] =	vst v29  }
0x29d: {  	[tilespmem:s15+$0xFFFFFFA0] =	vst v30  }
0x29e: {  	[tilespmem:s15+$0xFFFFFFB0] =	vst v31  }
0x29f: {  	[tilespmem:s15+$0xFFFFFFC0] =	vst v32  }
0x2a0: {  	[tilespmem:s15+$0xFFFFFFD0] =	vst v33  }
0x2a1: {  	[tilespmem:s15+$0xFFFFFFE0] =	vst v34  }
0x2a2: {  	[tilespmem:s15+$0xFFFFFFF0] =	vst v38  }
0x2a3: {  	[tilespmem:s15+$0x0] =	vst v35  }
0x2a4: {  	[tilespmem:s15+$0x10] =	vst v39  }
0x2a5: {  	[tilespmem:s15+$0x20] =	vst v36  }
0x2a6: {  	[tilespmem:s15+$0x30] =	vst v37  }
0x2a7: {  	[tilespmem:s15+$0x40] =	vst v40  }
0x2a8: {  	[tilespmem:s15+$0x50] =	vst v42  }
0x2a9: {  	[tilespmem:s15+$0x60] =	vst v43  }
0x2aa: {  	[tilespmem:s15+$0x70] =	vst v44  }
0x2ab: {  	[tilespmem:s15+$0x80] =	vst v45  }
0x2ac: {  	[tilespmem:s15+$0x90] =	vst v46  }
0x2ad: {  	[tilespmem:s15+$0xA0] =	vst v47  }
0x2ae: {  	[tilespmem:s15+$0xC0] =	vst v8  }
0x2af: {  	[tilespmem:s15+$0xD0] =	vst v9  }
0x2b0: {  	s30 =	sshll.u32 s16, $0x7;
	[tilespmem:s15+$0xE0] =	vst v10  }
0x2b1: {  	v8 =	vadd.s32 s30, v0;
	[tilespmem:s15+$0xF0] =	vst v11  }
0x2b2: {  	v9 =	vadd.s32 s30, v1;
	[tilespmem:s15+$0x100] =	vst v12  }
0x2b3: {  	v10 =	vadd.s32 s30, v2;
	[tilespmem:s15+$0x110] =	vst v13  }
0x2b4: {  	v11 =	vadd.s32 s30, v3;
	[tilespmem:s15+$0x120] =	vst v14  }
0x2b5: {  	v12 =	vadd.s32 s30, v4;
	[tilespmem:s15+$0x130] =	vst v15  }
0x2b6: {  	v13 =	vadd.s32 s30, v5;
	v8 =	vld.idx.msk [tilespmem:v8+s19+$0x0], $0xffff  }
0x2b7: {  	v14 =	vadd.s32 s30, v6;
	v9 =	vld.idx.msk [tilespmem:v9+s19+$0x0], $0xffff  }
0x2b8: {  	s31 =	sadd.s32 $0xFFFFFE00, s30;
	v15 =	vadd.s32 s30, v7;
	v10 =	vld.idx.msk [tilespmem:v10+s19+$0x0], $0xffff  }
0x2b9: {  	v16 =	vadd.s32 s31, v0;
	v11 =	vld.idx.msk [tilespmem:v11+s19+$0x0], $0xffff  }
0x2ba: {  	v17 =	vadd.s32 s31, v1;
	v12 =	vld.idx.msk [tilespmem:v12+s19+$0x0], $0xffff  }
0x2bb: {  	v18 =	vadd.s32 s31, v2;
	v13 =	vld.idx.msk [tilespmem:v13+s19+$0x0], $0xffff  }
0x2bc: {  	v19 =	vadd.s32 s31, v3;
	v14 =	vld.idx.msk [tilespmem:v14+s19+$0x0], $0xffff  }
0x2bd: {  	v20 =	vadd.s32 s31, v4;
	v15 =	vld.idx.msk [tilespmem:v15+s19+$0x0], $0xffff  }
0x2be: {  	v21 =	vadd.s32 s31, v5;
	v16 =	vld.idx.msk [tilespmem:v16+s19+$0x0], $0xffff  }
0x2bf: {  	v22 =	vadd.s32 s31, v6;
	v17 =	vld.idx.msk [tilespmem:v17+s19+$0x0], $0xffff  }
0x2c0: {  	v23 =	vadd.s32 s31, v7;
	s31 =	sadd.s32 $0xFFFFFE80, s30;
	v18 =	vld.idx.msk [tilespmem:v18+s19+$0x0], $0xffff  }
0x2c1: {  	v24 =	vadd.s32 s31, v0;
	v19 =	vld.idx.msk [tilespmem:v19+s19+$0x0], $0xffff  }
0x2c2: {  	v25 =	vadd.s32 s31, v1;
	v20 =	vld.idx.msk [tilespmem:v20+s19+$0x0], $0xffff  }
0x2c3: {  	v26 =	vadd.s32 s31, v2;
	v21 =	vld.idx.msk [tilespmem:v21+s19+$0x0], $0xffff  }
0x2c4: {  	v27 =	vadd.s32 s31, v3;
	v22 =	vld.idx.msk [tilespmem:v22+s19+$0x0], $0xffff  }
0x2c5: {  	v28 =	vadd.s32 s31, v4;
	v23 =	vld.idx.msk [tilespmem:v23+s19+$0x0], $0xffff  }
0x2c6: {  	v29 =	vadd.s32 s31, v5;
	v24 =	vld.idx.msk [tilespmem:v24+s19+$0x0], $0xffff  }
0x2c7: {  	v30 =	vadd.s32 s31, v6;
	v25 =	vld.idx.msk [tilespmem:v25+s19+$0x0], $0xffff  }
0x2c8: {  	v31 =	vadd.s32 s31, v7;
	s31 =	sadd.s32 $0xFFFFFF00, s30;
	v26 =	vld.idx.msk [tilespmem:v26+s19+$0x0], $0xffff  }
0x2c9: {  	v32 =	vadd.s32 s31, v0;
	v27 =	vld.idx.msk [tilespmem:v27+s19+$0x0], $0xffff  }
0x2ca: {  	v33 =	vadd.s32 s31, v1;
	v28 =	vld.idx.msk [tilespmem:v28+s19+$0x0], $0xffff  }
0x2cb: {  	v34 =	vadd.s32 s31, v2;
	v29 =	vld.idx.msk [tilespmem:v29+s19+$0x0], $0xffff  }
.Ltmp2:
0x2cc: {  	v38 =	vadd.s32 s31, v3;
	v30 =	vld.idx.msk [tilespmem:v30+s19+$0x0], $0xffff;
	(pc) =	sbr.rel @p2 .LBB2_7-.Ltmp2, $4  }
0x2cd: {  	v35 =	vadd.s32 s31, v4;
	v31 =	vld.idx.msk [tilespmem:v31+s19+$0x0], $0xffff  }
0x2ce: {  	v39 =	vadd.s32 s31, v5;
	v32 =	vld.idx.msk [tilespmem:v32+s19+$0x0], $0xffff  }
0x2cf: {  	v36 =	vadd.s32 s31, v6;
	v33 =	vld.idx.msk [tilespmem:v33+s19+$0x0], $0xffff  }
0x2d0: {  	s16 =	sadd.s32 $0x5, s16;
	v37 =	vadd.s32 s31, v7;
	s30 =	sadd.s32 $0xFFFFFF80, s30;
	v34 =	vld.idx.msk [tilespmem:v34+s19+$0x0], $0xffff  }
0x2d1: {  	_ =	sdelay $0x3  }
0x2d2: {  	v38 =	vld.idx.msk [tilespmem:v38+s19+$0x0], $0xffff;
	v40 =	vadd.s32 s30, v0  }
0x2d3: {  	v35 =	vld.idx.msk [tilespmem:v35+s19+$0x0], $0xffff;
	v41 =	vadd.s32 s30, v7  }
0x2d4: {  	v39 =	vld.idx.msk [tilespmem:v39+s19+$0x0], $0xffff;
	v42 =	vadd.s32 s30, v1  }
0x2d5: {  	v36 =	vld.idx.msk [tilespmem:v36+s19+$0x0], $0xffff;
	v43 =	vadd.s32 s30, v2  }
0x2d6: {  	v37 =	vld.idx.msk [tilespmem:v37+s19+$0x0], $0xffff;
	v44 =	vadd.s32 s30, v3  }
0x2d7: {  	v45 =	vadd.s32 s30, v4;
	v40 =	vld.idx.msk [tilespmem:v40+s19+$0x0], $0xffff  }
0x2d8: {  	v46 =	vadd.s32 s30, v5;
	v41 =	vld.idx.msk [tilespmem:v41+s19+$0x0], $0xffff  }
0x2d9: {  	v47 =	vadd.s32 s30, v6;
	v42 =	vld.idx.msk [tilespmem:v42+s19+$0x0], $0xffff  }
0x2da: {  	v43 =	vld.idx.msk [tilespmem:v43+s19+$0x0], $0xffff  }
0x2db: {  	v44 =	vld.idx.msk [tilespmem:v44+s19+$0x0], $0xffff  }
0x2dc: {  	v45 =	vld.idx.msk [tilespmem:v45+s19+$0x0], $0xffff  }
0x2dd: {  	s15 =	sadd.s32 $0x280, s15;
	v46 =	vld.idx.msk [tilespmem:v46+s19+$0x0], $0xffff  }
0x2de: {  	v47 =	vld.idx.msk [tilespmem:v47+s19+$0x0], $0xffff;
	[tilespmem:s15+$0xFFFFFEC0] =	vst v16  }
0x2df: {  	[tilespmem:s15+$0xFFFFFED0] =	vst v17  }
0x2e0: {  	[tilespmem:s15+$0xFFFFFEE0] =	vst v18  }
0x2e1: {  	[tilespmem:s15+$0xFFFFFEF0] =	vst v19  }
0x2e2: {  	[tilespmem:s15+$0xFFFFFF00] =	vst v20  }
0x2e3: {  	[tilespmem:s15+$0xFFFFFF10] =	vst v21  }
0x2e4: {  	[tilespmem:s15+$0xFFFFFF20] =	vst v22  }
0x2e5: {  	[tilespmem:s15+$0xFFFFFF30] =	vst v23  }
0x2e6: {  	[tilespmem:s15+$0xFFFFFF40] =	vst v24  }
0x2e7: {  	[tilespmem:s15+$0xFFFFFF50] =	vst v25  }
0x2e8: {  	[tilespmem:s15+$0xFFFFFF60] =	vst v26  }
0x2e9: {  	[tilespmem:s15+$0xFFFFFF70] =	vst v27  }
0x2ea: {  	[tilespmem:s15+$0xFFFFFF80] =	vst v28  }
0x2eb: {  	[tilespmem:s15+$0xFFFFFF90] =	vst v29  }
0x2ec: {  	[tilespmem:s15+$0xFFFFFFA0] =	vst v30  }
0x2ed: {  	[tilespmem:s15+$0xFFFFFFB0] =	vst v31  }
0x2ee: {  	[tilespmem:s15+$0xFFFFFFC0] =	vst v32  }
0x2ef: {  	[tilespmem:s15+$0xFFFFFFD0] =	vst v33  }
0x2f0: {  	[tilespmem:s15+$0xFFFFFFE0] =	vst v34  }
0x2f1: {  	[tilespmem:s15+$0xFFFFFFF0] =	vst v38  }
0x2f2: {  	[tilespmem:s15+$0x0] =	vst v35  }
0x2f3: {  	[tilespmem:s15+$0x10] =	vst v39  }
0x2f4: {  	[tilespmem:s15+$0x20] =	vst v36  }
0x2f5: {  	[tilespmem:s15+$0x30] =	vst v37  }
0x2f6: {  	[tilespmem:s15+$0xC0] =	vst v8  }
0x2f7: {  	[tilespmem:s15+$0xD0] =	vst v9  }
0x2f8: {  	[tilespmem:s15+$0xE0] =	vst v10  }
0x2f9: {  	[tilespmem:s15+$0xF0] =	vst v11  }
0x2fa: {  	[tilespmem:s15+$0x100] =	vst v12  }
0x2fb: {  	[tilespmem:s15+$0x110] =	vst v13  }
0x2fc: {  	[tilespmem:s15+$0x120] =	vst v14  }
0x2fd: {  	[tilespmem:s15+$0x130] =	vst v15  }
0x2fe: {  	[tilespmem:s15+$0xB0] =	vst v41  }
0x2ff: {  	[tilespmem:s15+$0x40] =	vst v40  }
0x300: {  	[tilespmem:s15+$0x50] =	vst v42  }
0x301: {  	[tilespmem:s15+$0x60] =	vst v43  }
0x302: {  	[tilespmem:s15+$0x70] =	vst v44  }
0x303: {  	s7 =	smul.u32 $0x380, s7;
	[tilespmem:s15+$0x80] =	vst v45  }
0x304: {  	s16 =	sadd.s32 @!p0 s8, s13;
	[tilespmem:s15+$0x90] =	vst v46  }
0x305: {  	s7 =	sadd.s32 s6, s7;
	[tilespmem:s15+$0xA0] =	vst v47;
	s15 =	smul.u32 @!p0 $0x380, s16  }
0x306: {  	[hbm4b:s7+s3] =	stream.linear.scatter [tilespmem:s26], [sflag:$0x7], $0x1900, $0x38;
	[tilespmem:$0xE080] =	vst v63  }
0x307: {  	s16 =	simm.s32 @!p0 $0x3880;
	s7 =	sadd.s32 @!p0 s5, s15;
	s15 =	simm.s32 @!p0 $0x0  }
0x308: {  	[tilespmem:s16], [sflag:$0x3] =	stream.linear.gather @!p0 [hbm4b:s7+s15], $0x1900, $0x38;
	[tilespmem:$0xE080] =	vst v63  }
0x309: {  	s16 =	simm.s32 $0x200;
	_ =	swait.ge [sflag:s28], $0x1900  }
0x30a: {  	v8 =	vadd.s32 s16, v0;
	[sflag:s28] =	ssyncset.done $0x0  }
0x30b: {  	s15 =	simm.s32 @!p1 $0x8;
	v9 =	vadd.s32 s16, v1;
	[sflag:s28] =	ssyncadd.s32 $0xFFFFE700  }
0x30c: {  	v10 =	vadd.s32 s16, v2;
	_ =	swait.ge @!p1 [sflag:s15], $0x1900  }
0x30d: {  	v11 =	vadd.s32 s16, v3;
	[sflag:s15] =	ssyncset.done @!p1 $0x0  }
0x30e: {  	v12 =	vadd.s32 s16, v4;
	[sflag:s15] =	ssyncadd.s32 @!p1 $0xFFFFE700  }
0x30f: {  	v13 =	vadd.s32 s16, v5;
	v8 =	vld.idx.msk [tilespmem:v8+s20+$0x0], $0xffff  }
0x310: {  	v14 =	vadd.s32 s16, v6;
	v9 =	vld.idx.msk [tilespmem:v9+s20+$0x0], $0xffff  }
0x311: {  	s30 =	simm.s32 $0x0;
	v15 =	vadd.s32 s16, v7;
	v10 =	vld.idx.msk [tilespmem:v10+s20+$0x0], $0xffff  }
0x312: {  	v16 =	vadd.s32 s30, v0;
	v11 =	vld.idx.msk [tilespmem:v11+s20+$0x0], $0xffff  }
0x313: {  	v17 =	vadd.s32 s30, v1;
	v12 =	vld.idx.msk [tilespmem:v12+s20+$0x0], $0xffff  }
0x314: {  	v18 =	vadd.s32 s30, v2;
	v13 =	vld.idx.msk [tilespmem:v13+s20+$0x0], $0xffff  }
0x315: {  	v19 =	vadd.s32 s30, v3;
	v14 =	vld.idx.msk [tilespmem:v14+s20+$0x0], $0xffff  }
0x316: {  	v20 =	vadd.s32 s30, v4;
	v15 =	vld.idx.msk [tilespmem:v15+s20+$0x0], $0xffff  }
0x317: {  	v21 =	vadd.s32 s30, v5;
	v16 =	vld.idx.msk [tilespmem:v16+s20+$0x0], $0xffff  }
0x318: {  	v22 =	vadd.s32 s30, v6;
	v17 =	vld.idx.msk [tilespmem:v17+s20+$0x0], $0xffff  }
0x319: {  	s31 =	simm.s32 $0x80;
	v23 =	vadd.s32 s30, v7;
	v18 =	vld.idx.msk [tilespmem:v18+s20+$0x0], $0xffff  }
0x31a: {  	v24 =	vadd.s32 s31, v0;
	v19 =	vld.idx.msk [tilespmem:v19+s20+$0x0], $0xffff  }
0x31b: {  	v25 =	vadd.s32 s31, v1;
	v20 =	vld.idx.msk [tilespmem:v20+s20+$0x0], $0xffff  }
0x31c: {  	v26 =	vadd.s32 s31, v2;
	v21 =	vld.idx.msk [tilespmem:v21+s20+$0x0], $0xffff  }
0x31d: {  	v27 =	vadd.s32 s31, v3;
	v22 =	vld.idx.msk [tilespmem:v22+s20+$0x0], $0xffff  }
0x31e: {  	v28 =	vadd.s32 s31, v4;
	v23 =	vld.idx.msk [tilespmem:v23+s20+$0x0], $0xffff  }
0x31f: {  	v29 =	vadd.s32 s31, v5;
	v24 =	vld.idx.msk [tilespmem:v24+s20+$0x0], $0xffff  }
0x320: {  	v30 =	vadd.s32 s31, v6;
	v25 =	vld.idx.msk [tilespmem:v25+s20+$0x0], $0xffff  }
0x321: {  	v31 =	vadd.s32 s31, v7;
	s16 =	simm.s32 $0x180;
	v26 =	vld.idx.msk [tilespmem:v26+s20+$0x0], $0xffff  }
0x322: {  	v53 =	vadd.s32 s16, v0;
	v27 =	vld.idx.msk [tilespmem:v27+s20+$0x0], $0xffff  }
0x323: {  	v54 =	vadd.s32 s16, v7;
	v28 =	vld.idx.msk [tilespmem:v28+s20+$0x0], $0xffff  }
0x324: {  	v55 =	vadd.s32 s16, v1;
	v29 =	vld.idx.msk [tilespmem:v29+s20+$0x0], $0xffff  }
0x325: {  	v56 =	vadd.s32 s16, v2;
	v30 =	vld.idx.msk [tilespmem:v30+s20+$0x0], $0xffff  }
0x326: {  	v57 =	vadd.s32 s16, v3;
	s15 =	simm.s32 $0x100;
	v31 =	vld.idx.msk [tilespmem:v31+s20+$0x0], $0xffff  }
0x327: {  	v45 =	vadd.s32 s15, v0;
	v40 =	vld.idx.msk [tilespmem:v53+s20+$0x0], $0xffff  }
0x328: {  	v46 =	vadd.s32 s15, v1;
	v41 =	vld.idx.msk [tilespmem:v54+s20+$0x0], $0xffff  }
0x329: {  	v47 =	vadd.s32 s15, v2;
	v42 =	vld.idx.msk [tilespmem:v55+s20+$0x0], $0xffff  }
0x32a: {  	v48 =	vadd.s32 s15, v3;
	v43 =	vld.idx.msk [tilespmem:v56+s20+$0x0], $0xffff  }
0x32b: {  	v49 =	vadd.s32 s15, v4;
	v44 =	vld.idx.msk [tilespmem:v57+s20+$0x0], $0xffff  }
0x32c: {  	v50 =	vadd.s32 s15, v5;
	v32 =	vld.idx.msk [tilespmem:v45+s20+$0x0], $0xffff  }
0x32d: {  	v51 =	vadd.s32 s15, v6;
	v33 =	vld.idx.msk [tilespmem:v46+s20+$0x0], $0xffff  }
0x32e: {  	v52 =	vadd.s32 s15, v7;
	v34 =	vld.idx.msk [tilespmem:v47+s20+$0x0], $0xffff  }
0x32f: {  	v58 =	vadd.s32 s16, v4;
	v35 =	vld.idx.msk [tilespmem:v48+s20+$0x0], $0xffff  }
0x330: {  	v59 =	vadd.s32 s16, v5;
	v36 =	vld.idx.msk [tilespmem:v49+s20+$0x0], $0xffff  }
0x331: {  	v60 =	vadd.s32 s16, v6;
	v37 =	vld.idx.msk [tilespmem:v50+s20+$0x0], $0xffff  }
0x332: {  	v38 =	vld.idx.msk [tilespmem:v51+s20+$0x0], $0xffff  }
0x333: {  	v39 =	vld.idx.msk [tilespmem:v52+s20+$0x0], $0xffff  }
0x334: {  	v45 =	vld.idx.msk [tilespmem:v58+s20+$0x0], $0xffff  }
0x335: {  	s15 =	simm.s32 $0xC5C0;
	v46 =	vld.idx.msk [tilespmem:v59+s20+$0x0], $0xffff  }
0x336: {  	v47 =	vld.idx.msk [tilespmem:v60+s20+$0x0], $0xffff;
	[tilespmem:s15+$0xB0] =	vst v41  }
0x337: {  	[tilespmem:s15+$0xFFFFFEC0] =	vst v16  }
0x338: {  	[tilespmem:s15+$0xFFFFFED0] =	vst v17  }
0x339: {  	[tilespmem:s15+$0xFFFFFEE0] =	vst v18  }
0x33a: {  	[tilespmem:s15+$0xFFFFFEF0] =	vst v19  }
0x33b: {  	[tilespmem:s15+$0xFFFFFF00] =	vst v20  }
0x33c: {  	[tilespmem:s15+$0xFFFFFF10] =	vst v21  }
0x33d: {  	[tilespmem:s15+$0xFFFFFF20] =	vst v22  }
0x33e: {  	[tilespmem:s15+$0xFFFFFF30] =	vst v23  }
0x33f: {  	[tilespmem:s15+$0xFFFFFF40] =	vst v24  }
0x340: {  	[tilespmem:s15+$0xFFFFFF50] =	vst v25  }
0x341: {  	[tilespmem:s15+$0xFFFFFF60] =	vst v26  }
0x342: {  	[tilespmem:s15+$0xFFFFFF70] =	vst v27  }
0x343: {  	[tilespmem:s15+$0xFFFFFF80] =	vst v28  }
0x344: {  	[tilespmem:s15+$0xFFFFFF90] =	vst v29  }
0x345: {  	[tilespmem:s15+$0xFFFFFFA0] =	vst v30  }
0x346: {  	[tilespmem:s15+$0xFFFFFFB0] =	vst v31  }
0x347: {  	[tilespmem:s15+$0x40] =	vst v40  }
0x348: {  	[tilespmem:s15+$0x50] =	vst v42  }
0x349: {  	[tilespmem:s15+$0x60] =	vst v43  }
0x34a: {  	[tilespmem:s15+$0x70] =	vst v44  }
0x34b: {  	[tilespmem:s15+$0xC0] =	vst v8  }
0x34c: {  	[tilespmem:s15+$0xD0] =	vst v9  }
0x34d: {  	[tilespmem:s15+$0xE0] =	vst v10  }
0x34e: {  	[tilespmem:s15+$0xF0] =	vst v11  }
0x34f: {  	[tilespmem:s15+$0x100] =	vst v12  }
0x350: {  	[tilespmem:s15+$0x110] =	vst v13  }
0x351: {  	[tilespmem:s15+$0x120] =	vst v14  }
0x352: {  	[tilespmem:s15+$0x130] =	vst v15  }
0x353: {  	[tilespmem:s15+$0xFFFFFFC0] =	vst v32  }
0x354: {  	[tilespmem:s15+$0xFFFFFFD0] =	vst v33  }
0x355: {  	[tilespmem:s15+$0xFFFFFFE0] =	vst v34  }
0x356: {  	[tilespmem:s15+$0xFFFFFFF0] =	vst v35  }
0x357: {  	[tilespmem:s15+$0x0] =	vst v36  }
0x358: {  	s30 =	simm.s32 $0x480;
	[tilespmem:s15+$0x10] =	vst v37  }
0x359: {  	v8 =	vadd.s32 s30, v0;
	[tilespmem:s15+$0x20] =	vst v38  }
0x35a: {  	v9 =	vadd.s32 s30, v1;
	[tilespmem:s15+$0x30] =	vst v39  }
0x35b: {  	v10 =	vadd.s32 s30, v2;
	[tilespmem:s15+$0x80] =	vst v45  }
0x35c: {  	v11 =	vadd.s32 s30, v3;
	[tilespmem:s15+$0x90] =	vst v46  }
0x35d: {  	v12 =	vadd.s32 s30, v4;
	[tilespmem:s15+$0xA0] =	vst v47  }
0x35e: {  	v13 =	vadd.s32 s30, v5;
	v8 =	vld.idx.msk [tilespmem:v8+s20+$0x0], $0xffff  }
0x35f: {  	v14 =	vadd.s32 s30, v6;
	v9 =	vld.idx.msk [tilespmem:v9+s20+$0x0], $0xffff  }
0x360: {  	s31 =	simm.s32 $0x280;
	v15 =	vadd.s32 s30, v7;
	v10 =	vld.idx.msk [tilespmem:v10+s20+$0x0], $0xffff  }
0x361: {  	v16 =	vadd.s32 s31, v0;
	v11 =	vld.idx.msk [tilespmem:v11+s20+$0x0], $0xffff  }
0x362: {  	v17 =	vadd.s32 s31, v1;
	v12 =	vld.idx.msk [tilespmem:v12+s20+$0x0], $0xffff  }
0x363: {  	v18 =	vadd.s32 s31, v2;
	v13 =	vld.idx.msk [tilespmem:v13+s20+$0x0], $0xffff  }
0x364: {  	v19 =	vadd.s32 s31, v3;
	v14 =	vld.idx.msk [tilespmem:v14+s20+$0x0], $0xffff  }
0x365: {  	v20 =	vadd.s32 s31, v4;
	v15 =	vld.idx.msk [tilespmem:v15+s20+$0x0], $0xffff  }
0x366: {  	v21 =	vadd.s32 s31, v5;
	v16 =	vld.idx.msk [tilespmem:v16+s20+$0x0], $0xffff  }
0x367: {  	v22 =	vadd.s32 s31, v6;
	v17 =	vld.idx.msk [tilespmem:v17+s20+$0x0], $0xffff  }
0x368: {  	v23 =	vadd.s32 s31, v7;
	s30 =	simm.s32 $0x300;
	v18 =	vld.idx.msk [tilespmem:v18+s20+$0x0], $0xffff  }
0x369: {  	v24 =	vadd.s32 s30, v0;
	v19 =	vld.idx.msk [tilespmem:v19+s20+$0x0], $0xffff  }
0x36a: {  	v25 =	vadd.s32 s30, v1;
	v20 =	vld.idx.msk [tilespmem:v20+s20+$0x0], $0xffff  }
0x36b: {  	v26 =	vadd.s32 s30, v2;
	v21 =	vld.idx.msk [tilespmem:v21+s20+$0x0], $0xffff  }
0x36c: {  	v27 =	vadd.s32 s30, v3;
	v22 =	vld.idx.msk [tilespmem:v22+s20+$0x0], $0xffff  }
0x36d: {  	v28 =	vadd.s32 s30, v4;
	v23 =	vld.idx.msk [tilespmem:v23+s20+$0x0], $0xffff  }
0x36e: {  	v29 =	vadd.s32 s30, v5;
	v24 =	vld.idx.msk [tilespmem:v24+s20+$0x0], $0xffff  }
0x36f: {  	v30 =	vadd.s32 s30, v6;
	v25 =	vld.idx.msk [tilespmem:v25+s20+$0x0], $0xffff  }
0x370: {  	s31 =	simm.s32 $0x380;
	v31 =	vadd.s32 s30, v7;
	v26 =	vld.idx.msk [tilespmem:v26+s20+$0x0], $0xffff  }
0x371: {  	v61 =	vadd.s32 s31, v0;
	v27 =	vld.idx.msk [tilespmem:v27+s20+$0x0], $0xffff  }
0x372: {  	v62 =	vadd.s32 s31, v1;
	v28 =	vld.idx.msk [tilespmem:v28+s20+$0x0], $0xffff  }
0x373: {  	v63 =	vadd.s32 s31, v2;
	v29 =	vld.idx.msk [tilespmem:v29+s20+$0x0], $0xffff  }
0x374: {  	v38 =	vadd.s32 s31, v3;
	v30 =	vld.idx.msk [tilespmem:v30+s20+$0x0], $0xffff  }
0x375: {  	v35 =	vadd.s32 s31, v4;
	v31 =	vld.idx.msk [tilespmem:v31+s20+$0x0], $0xffff  }
0x376: {  	v39 =	vadd.s32 s31, v5;
	v32 =	vld.idx.msk [tilespmem:v61+s20+$0x0], $0xffff  }
0x377: {  	v36 =	vadd.s32 s31, v6;
	v33 =	vld.idx.msk [tilespmem:v62+s20+$0x0], $0xffff  }
0x378: {  	s7 =	sadd.s32 $0x3, s10;
	s10 =	simm.s32 $0xE;
	s16 =	simm.s32 $0x400;
	v37 =	vadd.s32 s31, v7;
	v34 =	vld.idx.msk [tilespmem:v63+s20+$0x0], $0xffff  }
.LBB2_9:
0x379: {  	p1 =	sne.s32 s10, $0x31;
	v38 =	vld.idx.msk [tilespmem:v38+s20+$0x0], $0xffff;
	v40 =	vadd.s32 s16, v0  }
0x37a: {  	v41 =	vadd.s32 s16, v7;
	v35 =	vld.idx.msk [tilespmem:v35+s20+$0x0], $0xffff  }
0x37b: {  	v42 =	vadd.s32 s16, v1;
	v39 =	vld.idx.msk [tilespmem:v39+s20+$0x0], $0xffff  }
0x37c: {  	v43 =	vadd.s32 s16, v2;
	v36 =	vld.idx.msk [tilespmem:v36+s20+$0x0], $0xffff  }
0x37d: {  	v44 =	vadd.s32 s16, v3;
	v37 =	vld.idx.msk [tilespmem:v37+s20+$0x0], $0xffff  }
0x37e: {  	v45 =	vadd.s32 s16, v4;
	v40 =	vld.idx.msk [tilespmem:v40+s20+$0x0], $0xffff  }
0x37f: {  	v46 =	vadd.s32 s16, v5;
	v41 =	vld.idx.msk [tilespmem:v41+s20+$0x0], $0xffff  }
0x380: {  	v47 =	vadd.s32 s16, v6;
	v42 =	vld.idx.msk [tilespmem:v42+s20+$0x0], $0xffff  }
0x381: {  	v43 =	vld.idx.msk [tilespmem:v43+s20+$0x0], $0xffff  }
0x382: {  	v44 =	vld.idx.msk [tilespmem:v44+s20+$0x0], $0xffff  }
0x383: {  	v45 =	vld.idx.msk [tilespmem:v45+s20+$0x0], $0xffff  }
0x384: {  	s15 =	sadd.s32 $0x280, s15;
	v46 =	vld.idx.msk [tilespmem:v46+s20+$0x0], $0xffff  }
0x385: {  	v47 =	vld.idx.msk [tilespmem:v47+s20+$0x0], $0xffff;
	[tilespmem:s15+$0xB0] =	vst v41  }
0x386: {  	[tilespmem:s15+$0xFFFFFEC0] =	vst v16  }
0x387: {  	[tilespmem:s15+$0xFFFFFED0] =	vst v17  }
0x388: {  	[tilespmem:s15+$0xFFFFFEE0] =	vst v18  }
0x389: {  	[tilespmem:s15+$0xFFFFFEF0] =	vst v19  }
0x38a: {  	[tilespmem:s15+$0xFFFFFF00] =	vst v20  }
0x38b: {  	[tilespmem:s15+$0xFFFFFF10] =	vst v21  }
0x38c: {  	[tilespmem:s15+$0xFFFFFF20] =	vst v22  }
0x38d: {  	[tilespmem:s15+$0xFFFFFF30] =	vst v23  }
0x38e: {  	[tilespmem:s15+$0xFFFFFF40] =	vst v24  }
0x38f: {  	[tilespmem:s15+$0xFFFFFF50] =	vst v25  }
0x390: {  	[tilespmem:s15+$0xFFFFFF60] =	vst v26  }
0x391: {  	[tilespmem:s15+$0xFFFFFF70] =	vst v27  }
0x392: {  	[tilespmem:s15+$0xFFFFFF80] =	vst v28  }
0x393: {  	[tilespmem:s15+$0xFFFFFF90] =	vst v29  }
0x394: {  	[tilespmem:s15+$0xFFFFFFA0] =	vst v30  }
0x395: {  	[tilespmem:s15+$0xFFFFFFB0] =	vst v31  }
0x396: {  	[tilespmem:s15+$0xFFFFFFC0] =	vst v32  }
0x397: {  	[tilespmem:s15+$0xFFFFFFD0] =	vst v33  }
0x398: {  	[tilespmem:s15+$0xFFFFFFE0] =	vst v34  }
0x399: {  	[tilespmem:s15+$0xFFFFFFF0] =	vst v38  }
0x39a: {  	[tilespmem:s15+$0x0] =	vst v35  }
0x39b: {  	[tilespmem:s15+$0x10] =	vst v39  }
0x39c: {  	[tilespmem:s15+$0x20] =	vst v36  }
0x39d: {  	[tilespmem:s15+$0x30] =	vst v37  }
0x39e: {  	[tilespmem:s15+$0x40] =	vst v40  }
0x39f: {  	[tilespmem:s15+$0x50] =	vst v42  }
0x3a0: {  	[tilespmem:s15+$0x60] =	vst v43  }
0x3a1: {  	[tilespmem:s15+$0x70] =	vst v44  }
0x3a2: {  	[tilespmem:s15+$0x80] =	vst v45  }
0x3a3: {  	[tilespmem:s15+$0x90] =	vst v46  }
0x3a4: {  	[tilespmem:s15+$0xA0] =	vst v47  }
0x3a5: {  	[tilespmem:s15+$0xC0] =	vst v8  }
0x3a6: {  	[tilespmem:s15+$0xD0] =	vst v9  }
0x3a7: {  	s16 =	sshll.u32 s10, $0x7;
	[tilespmem:s15+$0xE0] =	vst v10  }
0x3a8: {  	v8 =	vadd.s32 s16, v0;
	[tilespmem:s15+$0xF0] =	vst v11  }
0x3a9: {  	v9 =	vadd.s32 s16, v1;
	[tilespmem:s15+$0x100] =	vst v12  }
0x3aa: {  	v10 =	vadd.s32 s16, v2;
	[tilespmem:s15+$0x110] =	vst v13  }
0x3ab: {  	v11 =	vadd.s32 s16, v3;
	[tilespmem:s15+$0x120] =	vst v14  }
0x3ac: {  	v12 =	vadd.s32 s16, v4;
	[tilespmem:s15+$0x130] =	vst v15  }
0x3ad: {  	v13 =	vadd.s32 s16, v5;
	v8 =	vld.idx.msk [tilespmem:v8+s20+$0x0], $0xffff  }
0x3ae: {  	v14 =	vadd.s32 s16, v6;
	v9 =	vld.idx.msk [tilespmem:v9+s20+$0x0], $0xffff  }
0x3af: {  	s30 =	sadd.s32 $0xFFFFFE00, s16;
	v15 =	vadd.s32 s16, v7;
	v10 =	vld.idx.msk [tilespmem:v10+s20+$0x0], $0xffff  }
0x3b0: {  	v16 =	vadd.s32 s30, v0;
	v11 =	vld.idx.msk [tilespmem:v11+s20+$0x0], $0xffff  }
0x3b1: {  	v17 =	vadd.s32 s30, v1;
	v12 =	vld.idx.msk [tilespmem:v12+s20+$0x0], $0xffff  }
0x3b2: {  	v18 =	vadd.s32 s30, v2;
	v13 =	vld.idx.msk [tilespmem:v13+s20+$0x0], $0xffff  }
0x3b3: {  	v19 =	vadd.s32 s30, v3;
	v14 =	vld.idx.msk [tilespmem:v14+s20+$0x0], $0xffff  }
0x3b4: {  	v20 =	vadd.s32 s30, v4;
	v15 =	vld.idx.msk [tilespmem:v15+s20+$0x0], $0xffff  }
0x3b5: {  	v21 =	vadd.s32 s30, v5;
	v16 =	vld.idx.msk [tilespmem:v16+s20+$0x0], $0xffff  }
0x3b6: {  	v22 =	vadd.s32 s30, v6;
	v17 =	vld.idx.msk [tilespmem:v17+s20+$0x0], $0xffff  }
0x3b7: {  	v23 =	vadd.s32 s30, v7;
	s30 =	sadd.s32 $0xFFFFFE80, s16;
	v18 =	vld.idx.msk [tilespmem:v18+s20+$0x0], $0xffff  }
0x3b8: {  	v24 =	vadd.s32 s30, v0;
	v19 =	vld.idx.msk [tilespmem:v19+s20+$0x0], $0xffff  }
0x3b9: {  	v25 =	vadd.s32 s30, v1;
	v20 =	vld.idx.msk [tilespmem:v20+s20+$0x0], $0xffff  }
0x3ba: {  	v26 =	vadd.s32 s30, v2;
	v21 =	vld.idx.msk [tilespmem:v21+s20+$0x0], $0xffff  }
0x3bb: {  	v27 =	vadd.s32 s30, v3;
	v22 =	vld.idx.msk [tilespmem:v22+s20+$0x0], $0xffff  }
0x3bc: {  	v28 =	vadd.s32 s30, v4;
	v23 =	vld.idx.msk [tilespmem:v23+s20+$0x0], $0xffff  }
0x3bd: {  	v29 =	vadd.s32 s30, v5;
	v24 =	vld.idx.msk [tilespmem:v24+s20+$0x0], $0xffff  }
0x3be: {  	v30 =	vadd.s32 s30, v6;
	v25 =	vld.idx.msk [tilespmem:v25+s20+$0x0], $0xffff  }
0x3bf: {  	v31 =	vadd.s32 s30, v7;
	s30 =	sadd.s32 $0xFFFFFF00, s16;
	v26 =	vld.idx.msk [tilespmem:v26+s20+$0x0], $0xffff  }
0x3c0: {  	v32 =	vadd.s32 s30, v0;
	v27 =	vld.idx.msk [tilespmem:v27+s20+$0x0], $0xffff  }
0x3c1: {  	v33 =	vadd.s32 s30, v1;
	v28 =	vld.idx.msk [tilespmem:v28+s20+$0x0], $0xffff  }
0x3c2: {  	v34 =	vadd.s32 s30, v2;
	v29 =	vld.idx.msk [tilespmem:v29+s20+$0x0], $0xffff  }
.Ltmp3:
0x3c3: {  	v38 =	vadd.s32 s30, v3;
	v30 =	vld.idx.msk [tilespmem:v30+s20+$0x0], $0xffff;
	(pc) =	sbr.rel @p1 .LBB2_9-.Ltmp3, $4  }
0x3c4: {  	v35 =	vadd.s32 s30, v4;
	v31 =	vld.idx.msk [tilespmem:v31+s20+$0x0], $0xffff  }
0x3c5: {  	v39 =	vadd.s32 s30, v5;
	v32 =	vld.idx.msk [tilespmem:v32+s20+$0x0], $0xffff  }
0x3c6: {  	v36 =	vadd.s32 s30, v6;
	v33 =	vld.idx.msk [tilespmem:v33+s20+$0x0], $0xffff  }
0x3c7: {  	s10 =	sadd.s32 $0x5, s10;
	v37 =	vadd.s32 s30, v7;
	s16 =	sadd.s32 $0xFFFFFF80, s16;
	v34 =	vld.idx.msk [tilespmem:v34+s20+$0x0], $0xffff  }
0x3c8: {  	_ =	sdelay $0x3  }
0x3c9: {  	v38 =	vld.idx.msk [tilespmem:v38+s20+$0x0], $0xffff;
	v40 =	vadd.s32 s16, v0  }
0x3ca: {  	v35 =	vld.idx.msk [tilespmem:v35+s20+$0x0], $0xffff;
	v41 =	vadd.s32 s16, v7  }
0x3cb: {  	v39 =	vld.idx.msk [tilespmem:v39+s20+$0x0], $0xffff;
	v42 =	vadd.s32 s16, v1  }
0x3cc: {  	v36 =	vld.idx.msk [tilespmem:v36+s20+$0x0], $0xffff;
	v43 =	vadd.s32 s16, v2  }
0x3cd: {  	v37 =	vld.idx.msk [tilespmem:v37+s20+$0x0], $0xffff;
	v44 =	vadd.s32 s16, v3  }
0x3ce: {  	v45 =	vadd.s32 s16, v4;
	v40 =	vld.idx.msk [tilespmem:v40+s20+$0x0], $0xffff  }
0x3cf: {  	v46 =	vadd.s32 s16, v5;
	v41 =	vld.idx.msk [tilespmem:v41+s20+$0x0], $0xffff  }
0x3d0: {  	v47 =	vadd.s32 s16, v6;
	v42 =	vld.idx.msk [tilespmem:v42+s20+$0x0], $0xffff  }
0x3d1: {  	v43 =	vld.idx.msk [tilespmem:v43+s20+$0x0], $0xffff  }
0x3d2: {  	v44 =	vld.idx.msk [tilespmem:v44+s20+$0x0], $0xffff  }
0x3d3: {  	v45 =	vld.idx.msk [tilespmem:v45+s20+$0x0], $0xffff  }
0x3d4: {  	s10 =	sadd.s32 $0x280, s15;
	v46 =	vld.idx.msk [tilespmem:v46+s20+$0x0], $0xffff  }
0x3d5: {  	v47 =	vld.idx.msk [tilespmem:v47+s20+$0x0], $0xffff;
	[tilespmem:s10+$0xFFFFFEC0] =	vst v16  }
0x3d6: {  	[tilespmem:s10+$0xFFFFFED0] =	vst v17  }
0x3d7: {  	[tilespmem:s10+$0xFFFFFEE0] =	vst v18  }
0x3d8: {  	[tilespmem:s10+$0xFFFFFEF0] =	vst v19  }
0x3d9: {  	[tilespmem:s10+$0xFFFFFF00] =	vst v20  }
0x3da: {  	[tilespmem:s10+$0xFFFFFF10] =	vst v21  }
0x3db: {  	[tilespmem:s10+$0xFFFFFF20] =	vst v22  }
0x3dc: {  	[tilespmem:s10+$0xFFFFFF30] =	vst v23  }
0x3dd: {  	[tilespmem:s10+$0xFFFFFF40] =	vst v24  }
0x3de: {  	[tilespmem:s10+$0xFFFFFF50] =	vst v25  }
0x3df: {  	[tilespmem:s10+$0xFFFFFF60] =	vst v26  }
0x3e0: {  	[tilespmem:s10+$0xFFFFFF70] =	vst v27  }
0x3e1: {  	[tilespmem:s10+$0xFFFFFF80] =	vst v28  }
0x3e2: {  	[tilespmem:s10+$0xFFFFFF90] =	vst v29  }
0x3e3: {  	[tilespmem:s10+$0xFFFFFFA0] =	vst v30  }
0x3e4: {  	[tilespmem:s10+$0xFFFFFFB0] =	vst v31  }
0x3e5: {  	[tilespmem:s10+$0xFFFFFFC0] =	vst v32  }
0x3e6: {  	[tilespmem:s10+$0xFFFFFFD0] =	vst v33  }
0x3e7: {  	[tilespmem:s10+$0xFFFFFFE0] =	vst v34  }
0x3e8: {  	[tilespmem:s10+$0xFFFFFFF0] =	vst v38  }
0x3e9: {  	[tilespmem:s10+$0x0] =	vst v35  }
0x3ea: {  	[tilespmem:s10+$0x10] =	vst v39  }
0x3eb: {  	[tilespmem:s10+$0x20] =	vst v36  }
0x3ec: {  	[tilespmem:s10+$0x30] =	vst v37  }
0x3ed: {  	[tilespmem:s10+$0xC0] =	vst v8  }
0x3ee: {  	[tilespmem:s10+$0xD0] =	vst v9  }
0x3ef: {  	[tilespmem:s10+$0xE0] =	vst v10  }
0x3f0: {  	[tilespmem:s10+$0xF0] =	vst v11  }
0x3f1: {  	[tilespmem:s10+$0x100] =	vst v12  }
0x3f2: {  	[tilespmem:s10+$0x110] =	vst v13  }
0x3f3: {  	[tilespmem:s10+$0x120] =	vst v14  }
0x3f4: {  	[tilespmem:s10+$0x130] =	vst v15  }
0x3f5: {  	[tilespmem:s10+$0xB0] =	vst v41  }
0x3f6: {  	[tilespmem:s10+$0x40] =	vst v40  }
0x3f7: {  	[tilespmem:s10+$0x50] =	vst v42  }
0x3f8: {  	[tilespmem:s10+$0x60] =	vst v43  }
0x3f9: {  	[tilespmem:s10+$0x70] =	vst v44  }
0x3fa: {  	s7 =	smul.u32 $0x380, s7;
	[tilespmem:s10+$0x80] =	vst v45  }
0x3fb: {  	s8 =	sadd.s32 @!p0 s8, s14;
	[tilespmem:s10+$0x90] =	vst v46  }
0x3fc: {  	p1 =	sne.s32 @!p0 s9, $0x20;
	s8 =	smul.u32 @!p0 $0x380, s8;
	s7 =	sadd.s32 s6, s7;
	[tilespmem:s10+$0xA0] =	vst v47  }
0x3fd: {  	[hbm4b:s7+s3] =	stream.linear.scatter [tilespmem:s29], [sflag:$0x8], $0x1900, $0x38;
	[tilespmem:$0xE080] =	vst v63  }
0x3fe: {  	s10 =	simm.s32 @!p0 $0x5480;
	s7 =	sadd.s32 @!p0 s5, s8;
	s8 =	simm.s32 @!p0 $0x0  }
0x3ff: {  	[tilespmem:s10], [sflag:$0x4] =	stream.linear.gather @!p0 [hbm4b:s7+s8], $0x1900, $0x38;
	[tilespmem:$0xE080] =	vst v63  }
0x400: {  	p0 =	por p0, !p1  }
.Ltmp4:
0x401: {  	_ = 	snop;
	(pc) =	sbr.rel @!p0 .LBB2_2-.Ltmp4, $1  }
0x402: {  	_ =	sdelay $0x3  }
0x403: {  	s7 =	simm.s32 $0x5  }
0x404: {  	_ =	swait.ge [sflag:s7], $0x1900  }
0x405: {  	[sflag:s7] =	ssyncset.done $0x0  }
0x406: {  	s30 =	simm.s32 $0x6;
	[sflag:s7] =	ssyncadd.s32 $0xFFFFE700  }
0x407: {  	_ =	swait.ge [sflag:s30], $0x1900  }
0x408: {  	[sflag:s30] =	ssyncset.done $0x0  }
0x409: {  	[sflag:s30] =	ssyncadd.s32 $0xFFFFE700  }
0x40a: {  	_ =	swait.ge [sflag:s1], $0x1900  }
0x40b: {  	[sflag:s1] =	ssyncset.done $0x0  }
0x40c: {  	[sflag:s1] =	ssyncadd.s32 $0xFFFFE700  }
0x40d: {  	_ =	swait.ge [sflag:s0], $0x1900  }
0x40e: {  	s2 =	sadd.s32 $0x1, s2;
	s31 =	rddreg [dreg:$0x7]  }
0x40f: {  	p0 =	sne.s32 s2, s31  }
.Ltmp5:
0x410: {  	_ = 	snop;
	(pc) =	sbr.rel @p0 .LBB2_1-.Ltmp5, $3  }
0x411: {  	_ =	sdelay $0x1  }
0x412: {  	[sflag:s0] =	ssyncset.done $0x0  }
0x413: {  	[sflag:s0] =	ssyncadd.s32 $0xFFFFE700  }
0x414: {  	_ =	sfence.sel $0x180000  }
0x415: {  	[bflag:$0x0] =	sbarrier.arrive $0xFFFF  }
0x416: {  	_ =	strace $0x90000047  }
0x417: {  	s0 =	stileid.u32;
	[bflag:$0x2] =	sbarrier.arrive $0xFFFF  }
0x418: {  	p0 =	sne.s32 s0, $0x0;
	s0 =	rddreg [dreg:$0x2]  }
0x419: {  	s0 =	sadd.s32 @!p0 $0x100000, s0  }
0x41a: {  	[sflag:s0] =	ssyncadd.tile.s32 @!p0 $0x1;
	_ =	shalt  }
.Lfunc_end2:
_tile_overlayer_lowered:
.L_overlay_start_2:
0x41b: {  	(tag) =	ssettag $0x2  }
0x41c: {  	s0 =	rddreg [dreg:$0x0];
	s2 =	stileid.u32  }
0x41d: {  	s1 =	rddreg [dreg:$0x1];
	p0 =	sne.s32 s2, $0x0  }
0x41e: {  	s3 =	rddreg [dreg:$0x2];
	[bflag:$0x3] =	sbarrier.arrive $0xFFFF;
	s2 =	simm.s32 @!p0 $0x1C09  }
0x41f: {  	[timem:s3], [sflag:s2] =	dma.local @!p0 [hbm:s0], s1  }
0x420: {  	s0 =	simm.s32 @!p0 $0x9  }
0x421: {  	_ =	swait.ge @!p0 [sflag:s0], s1  }
0x422: {  	s1 =	ssub.s32 @!p0 $0x0, s1;
	[sflag:s0] =	ssyncset.done @!p0 $0x0  }
0x423: {  	[sflag:s0] =	ssyncadd.s32 @!p0 s1  }
0x424: {  	[bflag:$0x3] =	sbarrier.arrive $0xFFFF  }
0x425: {  	_ =	shalt  }

</sc_bundles>
